<compile_context>
chip_gen: v7x
topology: tpu7x:2x2x1
jax: 0.10.2.dev20260603
libtpu: 0.0.44.dev20260713+nightly
codegen_flags: <defaults>
</compile_context>

<pallas_src>
import jax
import jax.numpy as jnp
from jax import lax
from jax.experimental import pallas as pl
from jax.experimental.pallas import tpu as pltpu
from jax.experimental.pallas import tpu_sc as plsc

NC = 2
NS = 16
NW = NC * NS
CHUNK = 128
LANES = 16


def _mm_relu_body(f_ref, w_ref, o_ref):
    o_ref[...] = jnp.maximum(
        jnp.dot(f_ref[...], w_ref[...], preferred_element_type=jnp.float32), 0.0
    )


def _merge_body(p_ref, o_ref):
    n = o_ref.shape[0]
    o_ref[...] = p_ref[0, :n, :] + p_ref[1, :n, :]


def _final_body(a1_ref, q_ref, wv_ref, bv_ref, o_ref):
    n = o_ref.shape[0]
    s = a1_ref[...] + q_ref[0, :n, :] + q_ref[1, :n, :]
    o_ref[...] = (
        lax.dot_general(
            s, wv_ref[...], (((1,), (1,)), ((), ())),
            preferred_element_type=jnp.float32,
        )
        + 2.0 * bv_ref[...]
    )


def _expand_body(v_ref, o_ref):
    cl = o_ref.shape[1]
    m = lax.broadcasted_iota(jnp.int32, (CHUNK, cl), 1)
    k = lax.broadcasted_iota(jnp.int32, (CHUNK, cl), 0)
    bsel = (m // LANES == k).astype(jnp.float32)
    o_ref[...] = jnp.dot(v_ref[...], bsel, preferred_element_type=jnp.float32)


def _make_hop(n_pad, d, cpw):
    rows_per_tile = n_pad // NS
    NB = 2
    NI = 3

    CL = CHUNK * LANES

    def hop_body(x_hbm, row_hbm, col_hbm, valx_hbm, zrow_hbm, out_hbm,
                 row_v, col_v, valx_v, rows_v, acc_sh, gsem, isem, ssem):
        c = lax.axis_index("c")
        s = lax.axis_index("s")
        wid = c * NS + s

        def start_idx(j, b):
            g = wid * cpw + j
            pltpu.async_copy(
                row_hbm.at[pl.ds(g * CHUNK, CHUNK)], row_v.at[b], isem.at[b]
            )
            pltpu.async_copy(
                col_hbm.at[pl.ds(g * CHUNK, CHUNK)], col_v.at[b], isem.at[b]
            )
            pltpu.async_copy(valx_hbm.at[g], valx_v.at[b], isem.at[b])

        def wait_idx(b):
            pltpu.make_async_copy(
                row_hbm.at[pl.ds(0, CHUNK)], row_v.at[b], isem.at[b]
            ).wait()
            pltpu.make_async_copy(
                col_hbm.at[pl.ds(0, CHUNK)], col_v.at[b], isem.at[b]
            ).wait()
            pltpu.make_async_copy(valx_hbm.at[0], valx_v.at[b], isem.at[b]).wait()

        start_idx(0, 0)
        start_idx(1, 1)

        pltpu.sync_copy(zrow_hbm, rows_v.at[0])
        for k in range(rows_per_tile // CHUNK):
            pltpu.sync_copy(
                rows_v.at[0],
                acc_sh.at[pl.ds(s * rows_per_tile + k * CHUNK, CHUNK)],
            )

        wait_idx(0)
        pltpu.async_copy(x_hbm.at[col_v.at[0]], rows_v.at[0], gsem.at[0])
        plsc.subcore_barrier()

        def chunk_body(j, carry):
            b = lax.rem(j, NB)
            nb = lax.rem(j + 1, NB)
            bi = lax.rem(j, NI)
            nbi = lax.rem(j + 1, NI)

            @pl.when(j >= 1)
            def _():
                pltpu.make_async_copy(
                    rows_v.at[nb], acc_sh.at[row_v.at[0]], ssem.at[nb]
                ).wait()

            @pl.when(j + 1 < cpw)
            def _():
                wait_idx(nbi)
                pltpu.async_copy(
                    x_hbm.at[col_v.at[nbi]], rows_v.at[nb], gsem.at[nb]
                )

            @pl.when(j + 2 < cpw)
            def _():
                start_idx(j + 2, lax.rem(j + 2, NI))

            pltpu.make_async_copy(
                x_hbm.at[pl.ds(0, CHUNK)], rows_v.at[b], gsem.at[b]
            ).wait()

            @plsc.parallel_loop(0, CHUNK, unroll=8)
            def _(e2):
                v16 = valx_v[bi, pl.ds(e2 * LANES, LANES)]
                for qq in range(d // LANES):
                    sl = pl.ds(qq * LANES, LANES)
                    rows_v[b, e2, sl] = rows_v[b, e2, sl] * v16

            pltpu.async_copy(
                rows_v.at[b], acc_sh.at[row_v.at[bi]], ssem.at[b], add=True
            )
            return carry

        lax.fori_loop(0, cpw, chunk_body, 0)
        lb = lax.rem(jnp.int32(cpw - 1), NB)
        pltpu.make_async_copy(
            rows_v.at[lb], acc_sh.at[row_v.at[0]], ssem.at[lb]
        ).wait()

        plsc.subcore_barrier()
        pltpu.sync_copy(
            acc_sh.at[pl.ds(s * rows_per_tile, rows_per_tile)],
            out_hbm.at[c].at[pl.ds(s * rows_per_tile, rows_per_tile)],
        )

    mesh = plsc.VectorSubcoreMesh(core_axis_name="c", subcore_axis_name="s")
    return pl.kernel(
        hop_body,
        out_type=jax.ShapeDtypeStruct((NC, n_pad, d), jnp.float32),
        mesh=mesh,
        scratch_types=[
            pltpu.VMEM((NI, CHUNK), jnp.int32),
            pltpu.VMEM((NI, CHUNK), jnp.int32),
            pltpu.VMEM((NI, CL), jnp.float32),
            pltpu.VMEM((NB, CHUNK, d), jnp.float32),
            pltpu.VMEM_SHARED((n_pad, d), jnp.float32),
            pltpu.SemaphoreType.DMA((NB,)),
            pltpu.SemaphoreType.DMA((NI,)),
            pltpu.SemaphoreType.DMA((NB,)),
        ],
    )


@jax.jit
def kernel(feature, adj_values, W, Wq, bq, Wk, bk, Wv, bv, edge_index):
    n, f = feature.shape
    d = W.shape[1]
    e = adj_values.shape[0]

    cpw = -(-e // (NW * CHUNK))
    cpw = -(-cpw // 8) * 8
    e_pad = NW * CHUNK * cpw
    pad = e_pad - e
    n_pad = -(-n // (NS * CHUNK)) * NS * CHUNK
    k = jnp.arange(pad, dtype=jnp.int32)
    row = jnp.concatenate([edge_index[0], n + k % (n_pad - n)])
    col = jnp.concatenate([edge_index[1], k % n])
    val = jnp.pad(adj_values, (0, pad)).reshape(-1, CHUNK)
    rv = val.shape[0]
    valx = pl.pallas_call(
        _expand_body,
        grid=(4,),
        in_specs=[pl.BlockSpec((rv // 4, CHUNK), lambda i: (i, 0))],
        out_specs=pl.BlockSpec((rv // 4, CHUNK * LANES), lambda i: (i, 0)),
        out_shape=jax.ShapeDtypeStruct((rv, CHUNK * LANES), jnp.float32),
    )(val)
    zrow = jnp.zeros((CHUNK, d), jnp.float32)

    support = pl.pallas_call(
        _mm_relu_body,
        out_shape=jax.ShapeDtypeStruct((n, d), jnp.float32),
    )(feature, W)

    hop = _make_hop(n_pad, d, cpw)
    p = hop(support, row, col, valx, zrow)
    agg1 = pl.pallas_call(
        _merge_body,
        out_shape=jax.ShapeDtypeStruct((n, d), jnp.float32),
    )(p)
    q = hop(agg1, row, col, valx, zrow)
    out = pl.pallas_call(
        _final_body,
        out_shape=jax.ShapeDtypeStruct((n, d), jnp.float32),
    )(agg1, q, Wv, bv.reshape(1, d))
    return out

# --- scband reference (transcript-rebuilt; emitter-appended) ---
"""Pipeline reference for scband-item-graph-convolution-mid-attention-57698590654950 (READ-ONLY COPY).

The authoritative reference and input builder live on the scoring server;
editing this copy changes nothing except your own understanding.
"""

import jax, jax.numpy as jnp
import numpy as np

N = 10000
E = 320000
F = 128
D = 128


def setup_inputs(seed: int = 0) -> dict:
    key = jax.random.key(seed)
    ks = jax.random.split(key, 12)
    feature = jax.random.normal(ks[0], (N, F), dtype=jnp.float32)
    edge_index = jax.random.randint(ks[1], (2, E), 0, N, dtype=jnp.int32)
    adj_values = jax.random.uniform(ks[2], (E,), dtype=jnp.float32)
    stdv = 1.0 / np.sqrt(D)
    W = jax.random.uniform(ks[3], (F, D), minval=-stdv, maxval=stdv, dtype=jnp.float32)
    lb = 1.0 / np.sqrt(D)
    Wq = jax.random.uniform(ks[4], (D, D), minval=-lb, maxval=lb, dtype=jnp.float32)
    bq = jax.random.uniform(ks[5], (D,), minval=-lb, maxval=lb, dtype=jnp.float32)
    Wk = jax.random.uniform(ks[6], (D, D), minval=-lb, maxval=lb, dtype=jnp.float32)
    bk = jax.random.uniform(ks[7], (D,), minval=-lb, maxval=lb, dtype=jnp.float32)
    Wv = jax.random.uniform(ks[8], (D, D), minval=-lb, maxval=lb, dtype=jnp.float32)
    bv = jax.random.uniform(ks[9], (D,), minval=-lb, maxval=lb, dtype=jnp.float32)
    return {"feature": feature, "adj_values": adj_values, "W": W, "Wq": Wq, "bq": bq, "Wk": Wk, "bk": bk, "Wv": Wv, "bv": bv, "edge_index": edge_index}


def reference(feature, adj_values, W, Wq, bq, Wk, bk, Wv, bv, edge_index):
    n = feature.shape[0]
    row = edge_index[0]
    col = edge_index[1]
    # support = relu(feature @ W)
    support = jax.nn.relu(feature @ W)
    # output_low = (adj + I) @ support = adj @ support + support
    agg1 = jax.ops.segment_sum(adj_values[:, None] * support[col], row, num_segments=n)
    output_low = agg1 + support
    # output_mid = (adj @ adj - I) @ support = adj @ (adj @ support) - support
    agg2 = jax.ops.segment_sum(adj_values[:, None] * agg1[col], row, num_segments=n)
    output_mid = agg2 - support
    # sim_adj is None -> loss_con = None (skipped)
    x = jnp.stack([output_low, output_mid], axis=1)  # [N, 2, D]
    q = x @ Wq.T + bq
    k = x @ Wk.T + bk
    v = x @ Wv.T + bv
    scores = jnp.einsum('bij,bkj->bik', q, k)
    # torch SelfAttention uses nn.Softmax(dim=1) on [N, 2, 2]
    attn = jax.nn.softmax(scores / jnp.sqrt(jnp.asarray(D, jnp.float32)), axis=1)
    context = jnp.einsum('bij,bjd->bid', attn, v)
    out = jnp.sum(context, axis=1)
    return out

if __name__ == "__main__":
    import jax
    _d = setup_inputs()
    print(jax.jit(kernel)(*tuple(_d.values())))

</pallas_src>

<mosaic_0001>
#map = affine_map<(d0, d1) -> (0, 0)>
#map1 = affine_map<(d0, d1) -> (0)>
#map2 = affine_map<(d0, d1) -> (0, 0, 0)>
module attributes {stable_mosaic.version = 14 : i64} {
  func.func @hop_body(%arg0: i32, %arg1: i32, %arg2: memref<10000x128xf32, #tpu.memory_space<hbm>>, %arg3: memref<327680xi32, #tpu.memory_space<hbm>>, %arg4: memref<327680xi32, #tpu.memory_space<hbm>>, %arg5: memref<2560x2048xf32, #tpu.memory_space<hbm>>, %arg6: memref<128x128xf32, #tpu.memory_space<hbm>>, %arg7: memref<2x10240x128xf32, #tpu.memory_space<hbm>>, %arg8: memref<3x128xi32, #tpu.memory_space<vmem>>, %arg9: memref<3x128xi32, #tpu.memory_space<vmem>>, %arg10: memref<3x2048xf32, #tpu.memory_space<vmem>>, %arg11: memref<2x128x128xf32, #tpu.memory_space<vmem>>, %arg12: memref<10240x128xf32, #tpu.memory_space<vmem_shared>>, %arg13: memref<2x!tpu.dma_semaphore, #tpu.memory_space<semaphore_mem>>, %arg14: memref<3x!tpu.dma_semaphore, #tpu.memory_space<semaphore_mem>>, %arg15: memref<2x!tpu.dma_semaphore, #tpu.memory_space<semaphore_mem>>) attributes {dimension_semantics = [#tpu.dimension_semantics<core_parallel>, #tpu.dimension_semantics<subcore_parallel>], iteration_bounds = array<i64: 2, 16>, scalar_prefetch = 0 : i64, scratch_operands = 8 : i64, tpu.core_type = #tpu.core_type<sc_vector_subcore>, window_params = [{transform_indices = #map}, {transform_indices = #map1}, {transform_indices = #map1}, {transform_indices = #map}, {transform_indices = #map}, {transform_indices = #map2}]} {
    %mul3A = arith.constant 16 : i32
    %mul3A_0 = arith.muli %arg0, %mul3A : i32
    %add3A = arith.addi %mul3A_0, %arg1 : i32
    %mul3A_1 = arith.constant 80 : i32
    %mul3A_2 = arith.muli %add3A, %mul3A_1 : i32
    %add3A_3 = arith.constant 0 : i32
    %add3A_4 = arith.addi %mul3A_2, %add3A_3 : i32
    %mul3A_5 = arith.constant 128 : i32
    %mul3A_6 = arith.muli %add3A_4, %mul3A_5 : i32
    %dma_start3A = arith.constant 0 : i32
    %dma_start3A_7 = arith.constant 0 : i32
    %dma_start3A_8 = arith.constant 0 : i32
    %dma_start3A_9 = tpu.memref_slice %arg8[%dma_start3A, %dma_start3A_8] : memref<3x128xi32, #tpu.memory_space<vmem>> -> memref<1x128xi32, #tpu.memory_space<vmem>>
    %dma_start3A_10 = tpu.memref_squeeze %dma_start3A_9 : memref<1x128xi32, #tpu.memory_space<vmem>> -> memref<128xi32, #tpu.memory_space<vmem>>
    %dma_start3A_11 = tpu.memref_slice %arg3[%mul3A_6] : memref<327680xi32, #tpu.memory_space<hbm>> -> memref<128xi32, #tpu.memory_space<hbm>>
    %dma_start3A_12 = tpu.memref_slice %arg14[%dma_start3A_7] : memref<3x!tpu.dma_semaphore, #tpu.memory_space<semaphore_mem>> -> memref<1x!tpu.dma_semaphore, #tpu.memory_space<semaphore_mem>>
    %dma_start3A_13 = tpu.memref_squeeze %dma_start3A_12 : memref<1x!tpu.dma_semaphore, #tpu.memory_space<semaphore_mem>> -> memref<!tpu.dma_semaphore, #tpu.memory_space<semaphore_mem>>
    %dma_start3A_14 = arith.constant 0 : i32
    %dma_start3A_15 = tpu.memref_slice %arg8[%dma_start3A, %dma_start3A_14] : memref<3x128xi32, #tpu.memory_space<vmem>> -> memref<1x128xi32, #tpu.memory_space<vmem>>
    %dma_start3A_16 = tpu.memref_squeeze %dma_start3A_15 : memref<1x128xi32, #tpu.memory_space<vmem>> -> memref<128xi32, #tpu.memory_space<vmem>>
    %dma_start3A_17 = tpu.memref_slice %arg3[%mul3A_6] : memref<327680xi32, #tpu.memory_space<hbm>> -> memref<128xi32, #tpu.memory_space<hbm>>
    tpu.enqueue_dma source(%dma_start3A_17 : memref<128xi32, #tpu.memory_space<hbm>>) target(%dma_start3A_16 : memref<128xi32, #tpu.memory_space<vmem>>) target_semaphore(%dma_start3A_13 : memref<!tpu.dma_semaphore, #tpu.memory_space<semaphore_mem>>)
    %mul3A_18 = arith.constant 128 : i32
    %mul3A_19 = arith.muli %add3A_4, %mul3A_18 : i32
    %dma_start3A_20 = arith.constant 0 : i32
    %dma_start3A_21 = arith.constant 0 : i32
    %dma_start3A_22 = arith.constant 0 : i32
    %dma_start3A_23 = tpu.memref_slice %arg9[%dma_start3A_20, %dma_start3A_22] : memref<3x128xi32, #tpu.memory_space<vmem>> -> memref<1x128xi32, #tpu.memory_space<vmem>>
    %dma_start3A_24 = tpu.memref_squeeze %dma_start3A_23 : memref<1x128xi32, #tpu.memory_space<vmem>> -> memref<128xi32, #tpu.memory_space<vmem>>
    %dma_start3A_25 = tpu.memref_slice %arg4[%mul3A_19] : memref<327680xi32, #tpu.memory_space<hbm>> -> memref<128xi32, #tpu.memory_space<hbm>>
    %dma_start3A_26 = tpu.memref_slice %arg14[%dma_start3A_21] : memref<3x!tpu.dma_semaphore, #tpu.memory_space<semaphore_mem>> -> memref<1x!tpu.dma_semaphore, #tpu.memory_space<semaphore_mem>>
    %dma_start3A_27 = tpu.memref_squeeze %dma_start3A_26 : memref<1x!tpu.dma_semaphore, #tpu.memory_space<semaphore_mem>> -> memref<!tpu.dma_semaphore, #tpu.memory_space<semaphore_mem>>
    %dma_start3A_28 = arith.constant 0 : i32
    %dma_start3A_29 = tpu.memref_slice %arg9[%dma_start3A_20, %dma_start3A_28] : memref<3x128xi32, #tpu.memory_space<vmem>> -> memref<1x128xi32, #tpu.memory_space<vmem>>
    %dma_start3A_30 = tpu.memref_squeeze %dma_start3A_29 : memref<1x128xi32, #tpu.memory_space<vmem>> -> memref<128xi32, #tpu.memory_space<vmem>>
    %dma_start3A_31 = tpu.memref_slice %arg4[%mul3A_19] : memref<327680xi32, #tpu.memory_space<hbm>> -> memref<128xi32, #tpu.memory_space<hbm>>
    tpu.enqueue_dma source(%dma_start3A_31 : memref<128xi32, #tpu.memory_space<hbm>>) target(%dma_start3A_30 : memref<128xi32, #tpu.memory_space<vmem>>) target_semaphore(%dma_start3A_27 : memref<!tpu.dma_semaphore, #tpu.memory_space<semaphore_mem>>)
    %dma_start3A_32 = arith.constant 0 : i32
    %dma_start3A_33 = arith.constant 0 : i32
    %dma_start3A_34 = arith.constant 0 : i32
    %dma_start3A_35 = tpu.memref_slice %arg10[%dma_start3A_32, %dma_start3A_34] : memref<3x2048xf32, #tpu.memory_space<vmem>> -> memref<1x2048xf32, #tpu.memory_space<vmem>>
    %dma_start3A_36 = tpu.memref_squeeze %dma_start3A_35 : memref<1x2048xf32, #tpu.memory_space<vmem>> -> memref<2048xf32, #tpu.memory_space<vmem>>
    %dma_start3A_37 = arith.constant 0 : i32
    %dma_start3A_38 = tpu.memref_slice %arg5[%add3A_4, %dma_start3A_37] : memref<2560x2048xf32, #tpu.memory_space<hbm>> -> memref<1x2048xf32, #tpu.memory_space<hbm>>
    %dma_start3A_39 = tpu.memref_squeeze %dma_start3A_38 : memref<1x2048xf32, #tpu.memory_space<hbm>> -> memref<2048xf32, #tpu.memory_space<hbm>>
    %dma_start3A_40 = tpu.memref_slice %arg14[%dma_start3A_33] : memref<3x!tpu.dma_semaphore, #tpu.memory_space<semaphore_mem>> -> memref<1x!tpu.dma_semaphore, #tpu.memory_space<semaphore_mem>>
    %dma_start3A_41 = tpu.memref_squeeze %dma_start3A_40 : memref<1x!tpu.dma_semaphore, #tpu.memory_space<semaphore_mem>> -> memref<!tpu.dma_semaphore, #tpu.memory_space<semaphore_mem>>
    %dma_start3A_42 = arith.constant 0 : i32
    %dma_start3A_43 = tpu.memref_slice %arg10[%dma_start3A_32, %dma_start3A_42] : memref<3x2048xf32, #tpu.memory_space<vmem>> -> memref<1x2048xf32, #tpu.memory_space<vmem>>
    %dma_start3A_44 = tpu.memref_squeeze %dma_start3A_43 : memref<1x2048xf32, #tpu.memory_space<vmem>> -> memref<2048xf32, #tpu.memory_space<vmem>>
    %dma_start3A_45 = arith.constant 0 : i32
    %dma_start3A_46 = tpu.memref_slice %arg5[%add3A_4, %dma_start3A_45] : memref<2560x2048xf32, #tpu.memory_space<hbm>> -> memref<1x2048xf32, #tpu.memory_space<hbm>>
    %dma_start3A_47 = tpu.memref_squeeze %dma_start3A_46 : memref<1x2048xf32, #tpu.memory_space<hbm>> -> memref<2048xf32, #tpu.memory_space<hbm>>
    tpu.enqueue_dma source(%dma_start3A_47 : memref<2048xf32, #tpu.memory_space<hbm>>) target(%dma_start3A_44 : memref<2048xf32, #tpu.memory_space<vmem>>) target_semaphore(%dma_start3A_41 : memref<!tpu.dma_semaphore, #tpu.memory_space<semaphore_mem>>)
    %mul3A_48 = arith.constant 80 : i32
    %mul3A_49 = arith.muli %add3A, %mul3A_48 : i32
    %add3A_50 = arith.constant 1 : i32
    %add3A_51 = arith.addi %mul3A_49, %add3A_50 : i32
    %mul3A_52 = arith.constant 128 : i32
    %mul3A_53 = arith.muli %add3A_51, %mul3A_52 : i32
    %dma_start3A_54 = arith.constant 1 : i32
    %dma_start3A_55 = arith.constant 1 : i32
    %dma_start3A_56 = arith.constant 0 : i32
    %dma_start3A_57 = tpu.memref_slice %arg8[%dma_start3A_54, %dma_start3A_56] : memref<3x128xi32, #tpu.memory_space<vmem>> -> memref<1x128xi32, #tpu.memory_space<vmem>>
    %dma_start3A_58 = tpu.memref_squeeze %dma_start3A_57 : memref<1x128xi32, #tpu.memory_space<vmem>> -> memref<128xi32, #tpu.memory_space<vmem>>
    %dma_start3A_59 = tpu.memref_slice %arg3[%mul3A_53] : memref<327680xi32, #tpu.memory_space<hbm>> -> memref<128xi32, #tpu.memory_space<hbm>>
    %dma_start3A_60 = tpu.memref_slice %arg14[%dma_start3A_55] : memref<3x!tpu.dma_semaphore, #tpu.memory_space<semaphore_mem>> -> memref<1x!tpu.dma_semaphore, #tpu.memory_space<semaphore_mem>>
    %dma_start3A_61 = tpu.memref_squeeze %dma_start3A_60 : memref<1x!tpu.dma_semaphore, #tpu.memory_space<semaphore_mem>> -> memref<!tpu.dma_semaphore, #tpu.memory_space<semaphore_mem>>
    %dma_start3A_62 = arith.constant 0 : i32
    %dma_start3A_63 = tpu.memref_slice %arg8[%dma_start3A_54, %dma_start3A_62] : memref<3x128xi32, #tpu.memory_space<vmem>> -> memref<1x128xi32, #tpu.memory_space<vmem>>
    %dma_start3A_64 = tpu.memref_squeeze %dma_start3A_63 : memref<1x128xi32, #tpu.memory_space<vmem>> -> memref<128xi32, #tpu.memory_space<vmem>>
    %dma_start3A_65 = tpu.memref_slice %arg3[%mul3A_53] : memref<327680xi32, #tpu.memory_space<hbm>> -> memref<128xi32, #tpu.memory_space<hbm>>
    tpu.enqueue_dma source(%dma_start3A_65 : memref<128xi32, #tpu.memory_space<hbm>>) target(%dma_start3A_64 : memref<128xi32, #tpu.memory_space<vmem>>) target_semaphore(%dma_start3A_61 : memref<!tpu.dma_semaphore, #tpu.memory_space<semaphore_mem>>)
    %mul3A_66 = arith.constant 128 : i32
    %mul3A_67 = arith.muli %add3A_51, %mul3A_66 : i32
    %dma_start3A_68 = arith.constant 1 : i32
    %dma_start3A_69 = arith.constant 1 : i32
    %dma_start3A_70 = arith.constant 0 : i32
    %dma_start3A_71 = tpu.memref_slice %arg9[%dma_start3A_68, %dma_start3A_70] : memref<3x128xi32, #tpu.memory_space<vmem>> -> memref<1x128xi32, #tpu.memory_space<vmem>>
    %dma_start3A_72 = tpu.memref_squeeze %dma_start3A_71 : memref<1x128xi32, #tpu.memory_space<vmem>> -> memref<128xi32, #tpu.memory_space<vmem>>
    %dma_start3A_73 = tpu.memref_slice %arg4[%mul3A_67] : memref<327680xi32, #tpu.memory_space<hbm>> -> memref<128xi32, #tpu.memory_space<hbm>>
    %dma_start3A_74 = tpu.memref_slice %arg14[%dma_start3A_69] : memref<3x!tpu.dma_semaphore, #tpu.memory_space<semaphore_mem>> -> memref<1x!tpu.dma_semaphore, #tpu.memory_space<semaphore_mem>>
    %dma_start3A_75 = tpu.memref_squeeze %dma_start3A_74 : memref<1x!tpu.dma_semaphore, #tpu.memory_space<semaphore_mem>> -> memref<!tpu.dma_semaphore, #tpu.memory_space<semaphore_mem>>
    %dma_start3A_76 = arith.constant 0 : i32
    %dma_start3A_77 = tpu.memref_slice %arg9[%dma_start3A_68, %dma_start3A_76] : memref<3x128xi32, #tpu.memory_space<vmem>> -> memref<1x128xi32, #tpu.memory_space<vmem>>
    %dma_start3A_78 = tpu.memref_squeeze %dma_start3A_77 : memref<1x128xi32, #tpu.memory_space<vmem>> -> memref<128xi32, #tpu.memory_space<vmem>>
    %dma_start3A_79 = tpu.memref_slice %arg4[%mul3A_67] : memref<327680xi32, #tpu.memory_space<hbm>> -> memref<128xi32, #tpu.memory_space<hbm>>
    tpu.enqueue_dma source(%dma_start3A_79 : memref<128xi32, #tpu.memory_space<hbm>>) target(%dma_start3A_78 : memref<128xi32, #tpu.memory_space<vmem>>) target_semaphore(%dma_start3A_75 : memref<!tpu.dma_semaphore, #tpu.memory_space<semaphore_mem>>)
    %dma_start3A_80 = arith.constant 1 : i32
    %dma_start3A_81 = arith.constant 1 : i32
    %dma_start3A_82 = arith.constant 0 : i32
    %dma_start3A_83 = tpu.memref_slice %arg10[%dma_start3A_80, %dma_start3A_82] : memref<3x2048xf32, #tpu.memory_space<vmem>> -> memref<1x2048xf32, #tpu.memory_space<vmem>>
    %dma_start3A_84 = tpu.memref_squeeze %dma_start3A_83 : memref<1x2048xf32, #tpu.memory_space<vmem>> -> memref<2048xf32, #tpu.memory_space<vmem>>
    %dma_start3A_85 = arith.constant 0 : i32
    %dma_start3A_86 = tpu.memref_slice %arg5[%add3A_51, %dma_start3A_85] : memref<2560x2048xf32, #tpu.memory_space<hbm>> -> memref<1x2048xf32, #tpu.memory_space<hbm>>
    %dma_start3A_87 = tpu.memref_squeeze %dma_start3A_86 : memref<1x2048xf32, #tpu.memory_space<hbm>> -> memref<2048xf32, #tpu.memory_space<hbm>>
    %dma_start3A_88 = tpu.memref_slice %arg14[%dma_start3A_81] : memref<3x!tpu.dma_semaphore, #tpu.memory_space<semaphore_mem>> -> memref<1x!tpu.dma_semaphore, #tpu.memory_space<semaphore_mem>>
    %dma_start3A_89 = tpu.memref_squeeze %dma_start3A_88 : memref<1x!tpu.dma_semaphore, #tpu.memory_space<semaphore_mem>> -> memref<!tpu.dma_semaphore, #tpu.memory_space<semaphore_mem>>
    %dma_start3A_90 = arith.constant 0 : i32
    %dma_start3A_91 = tpu.memref_slice %arg10[%dma_start3A_80, %dma_start3A_90] : memref<3x2048xf32, #tpu.memory_space<vmem>> -> memref<1x2048xf32, #tpu.memory_space<vmem>>
    %dma_start3A_92 = tpu.memref_squeeze %dma_start3A_91 : memref<1x2048xf32, #tpu.memory_space<vmem>> -> memref<2048xf32, #tpu.memory_space<vmem>>
    %dma_start3A_93 = arith.constant 0 : i32
    %dma_start3A_94 = tpu.memref_slice %arg5[%add3A_51, %dma_start3A_93] : memref<2560x2048xf32, #tpu.memory_space<hbm>> -> memref<1x2048xf32, #tpu.memory_space<hbm>>
    %dma_start3A_95 = tpu.memref_squeeze %dma_start3A_94 : memref<1x2048xf32, #tpu.memory_space<hbm>> -> memref<2048xf32, #tpu.memory_space<hbm>>
    tpu.enqueue_dma source(%dma_start3A_95 : memref<2048xf32, #tpu.memory_space<hbm>>) target(%dma_start3A_92 : memref<2048xf32, #tpu.memory_space<vmem>>) target_semaphore(%dma_start3A_89 : memref<!tpu.dma_semaphore, #tpu.memory_space<semaphore_mem>>)
    %run_scoped3A = arith.constant 0 : i32
    "tpu.region"() ({
      %run_scoped3A_205 = tpu.sem_alloc : memref<!tpu.dma_semaphore, #tpu.memory_space<semaphore_mem>>
      %dma_start3A_206 = arith.constant 0 : i32
      %dma_start3A_207 = arith.constant 0 : i32
      %dma_start3A_208 = tpu.memref_slice %arg11[%run_scoped3A, %dma_start3A_206, %dma_start3A_207] : memref<2x128x128xf32, #tpu.memory_space<vmem>> -> memref<1x128x128xf32, #tpu.memory_space<vmem>>
      %dma_start3A_209 = tpu.memref_squeeze %dma_start3A_208 : memref<1x128x128xf32, #tpu.memory_space<vmem>> -> memref<128x128xf32, #tpu.memory_space<vmem>>
      %dma_start3A_210 = arith.constant 0 : i32
      %dma_start3A_211 = arith.constant 0 : i32
      %dma_start3A_212 = tpu.memref_slice %arg11[%run_scoped3A, %dma_start3A_210, %dma_start3A_211] : memref<2x128x128xf32, #tpu.memory_space<vmem>> -> memref<1x128x128xf32, #tpu.memory_space<vmem>>
      %dma_start3A_213 = tpu.memref_squeeze %dma_start3A_212 : memref<1x128x128xf32, #tpu.memory_space<vmem>> -> memref<128x128xf32, #tpu.memory_space<vmem>>
      tpu.enqueue_dma source(%arg6 : memref<128x128xf32, #tpu.memory_space<hbm>>) target(%dma_start3A_213 : memref<128x128xf32, #tpu.memory_space<vmem>>) target_semaphore(%run_scoped3A_205 : memref<!tpu.dma_semaphore, #tpu.memory_space<semaphore_mem>>)
      %dma_wait3A_214 = arith.constant 0 : i32
      %dma_wait3A_215 = arith.constant 0 : i32
      %dma_wait3A_216 = tpu.memref_slice %arg11[%run_scoped3A, %dma_wait3A_214, %dma_wait3A_215] : memref<2x128x128xf32, #tpu.memory_space<vmem>> -> memref<1x128x128xf32, #tpu.memory_space<vmem>>
      %dma_wait3A_217 = tpu.memref_squeeze %dma_wait3A_216 : memref<1x128x128xf32, #tpu.memory_space<vmem>> -> memref<128x128xf32, #tpu.memory_space<vmem>>
      %dma_wait3A_218 = arith.constant 0 : i32
      %dma_wait3A_219 = arith.constant 0 : i32
      %dma_wait3A_220 = tpu.memref_slice %arg11[%run_scoped3A, %dma_wait3A_218, %dma_wait3A_219] : memref<2x128x128xf32, #tpu.memory_space<vmem>> -> memref<1x128x128xf32, #tpu.memory_space<vmem>>
      %dma_wait3A_221 = tpu.memref_squeeze %dma_wait3A_220 : memref<1x128x128xf32, #tpu.memory_space<vmem>> -> memref<128x128xf32, #tpu.memory_space<vmem>>
      tpu.wait_dma2 semaphore(%run_scoped3A_205 : memref<!tpu.dma_semaphore, #tpu.memory_space<semaphore_mem>>) src(%arg6 : memref<128x128xf32, #tpu.memory_space<hbm>>) dst(%dma_wait3A_221 : memref<128x128xf32, #tpu.memory_space<vmem>>)
      tpu.yield
    }) : () -> ()
    %mul3A_96 = arith.constant 640 : i32
    %mul3A_97 = arith.muli %arg1, %mul3A_96 : i32
    %add3A_98 = arith.constant 0 : i32
    %add3A_99 = arith.addi %mul3A_97, %add3A_98 : i32
    %run_scoped3A_100 = arith.constant 0 : i32
    "tpu.region"() ({
      %run_scoped3A_205 = tpu.sem_alloc : memref<!tpu.dma_semaphore, #tpu.memory_space<semaphore_mem>>
      %dma_start3A_206 = arith.constant 0 : i32
      %dma_start3A_207 = arith.constant 0 : i32
      %dma_start3A_208 = tpu.memref_slice %arg11[%run_scoped3A_100, %dma_start3A_206, %dma_start3A_207] : memref<2x128x128xf32, #tpu.memory_space<vmem>> -> memref<1x128x128xf32, #tpu.memory_space<vmem>>
      %dma_start3A_209 = tpu.memref_squeeze %dma_start3A_208 : memref<1x128x128xf32, #tpu.memory_space<vmem>> -> memref<128x128xf32, #tpu.memory_space<vmem>>
      %dma_start3A_210 = arith.constant 0 : i32
      %dma_start3A_211 = tpu.memref_slice %arg12[%add3A_99, %dma_start3A_210] : memref<10240x128xf32, #tpu.memory_space<vmem_shared>> -> memref<128x128xf32, #tpu.memory_space<vmem_shared>>
      %dma_start3A_212 = arith.constant 0 : i32
      %dma_start3A_213 = tpu.memref_slice %arg12[%add3A_99, %dma_start3A_212] : memref<10240x128xf32, #tpu.memory_space<vmem_shared>> -> memref<128x128xf32, #tpu.memory_space<vmem_shared>>
      %dma_start3A_214 = arith.constant 0 : i32
      %dma_start3A_215 = arith.constant 0 : i32
      %dma_start3A_216 = tpu.memref_slice %arg11[%run_scoped3A_100, %dma_start3A_214, %dma_start3A_215] : memref<2x128x128xf32, #tpu.memory_space<vmem>> -> memref<1x128x128xf32, #tpu.memory_space<vmem>>
      %dma_start3A_217 = tpu.memref_squeeze %dma_start3A_216 : memref<1x128x128xf32, #tpu.memory_space<vmem>> -> memref<128x128xf32, #tpu.memory_space<vmem>>
      tpu.enqueue_dma source(%dma_start3A_217 : memref<128x128xf32, #tpu.memory_space<vmem>>) target(%dma_start3A_213 : memref<128x128xf32, #tpu.memory_space<vmem_shared>>) target_semaphore(%run_scoped3A_205 : memref<!tpu.dma_semaphore, #tpu.memory_space<semaphore_mem>>)
      %dma_wait3A_218 = arith.constant 0 : i32
      %dma_wait3A_219 = arith.constant 0 : i32
      %dma_wait3A_220 = tpu.memref_slice %arg11[%run_scoped3A_100, %dma_wait3A_218, %dma_wait3A_219] : memref<2x128x128xf32, #tpu.memory_space<vmem>> -> memref<1x128x128xf32, #tpu.memory_space<vmem>>
      %dma_wait3A_221 = tpu.memref_squeeze %dma_wait3A_220 : memref<1x128x128xf32, #tpu.memory_space<vmem>> -> memref<128x128xf32, #tpu.memory_space<vmem>>
      %dma_wait3A_222 = arith.constant 0 : i32
      %dma_wait3A_223 = tpu.memref_slice %arg12[%add3A_99, %dma_wait3A_222] : memref<10240x128xf32, #tpu.memory_space<vmem_shared>> -> memref<128x128xf32, #tpu.memory_space<vmem_shared>>
      %dma_wait3A_224 = arith.constant 0 : i32
      %dma_wait3A_225 = tpu.memref_slice %arg12[%add3A_99, %dma_wait3A_224] : memref<10240x128xf32, #tpu.memory_space<vmem_shared>> -> memref<128x128xf32, #tpu.memory_space<vmem_shared>>
      %dma_wait3A_226 = arith.constant 0 : i32
      %dma_wait3A_227 = arith.constant 0 : i32
      %dma_wait3A_228 = tpu.memref_slice %arg11[%run_scoped3A_100, %dma_wait3A_226, %dma_wait3A_227] : memref<2x128x128xf32, #tpu.memory_space<vmem>> -> memref<1x128x128xf32, #tpu.memory_space<vmem>>
      %dma_wait3A_229 = tpu.memref_squeeze %dma_wait3A_228 : memref<1x128x128xf32, #tpu.memory_space<vmem>> -> memref<128x128xf32, #tpu.memory_space<vmem>>
      tpu.wait_dma2 semaphore(%run_scoped3A_205 : memref<!tpu.dma_semaphore, #tpu.memory_space<semaphore_mem>>) src(%dma_wait3A_229 : memref<128x128xf32, #tpu.memory_space<vmem>>) dst(%dma_wait3A_225 : memref<128x128xf32, #tpu.memory_space<vmem_shared>>)
      tpu.yield
    }) : () -> ()
    %mul3A_101 = arith.constant 640 : i32
    %mul3A_102 = arith.muli %arg1, %mul3A_101 : i32
    %add3A_103 = arith.constant 128 : i32
    %add3A_104 = arith.addi %mul3A_102, %add3A_103 : i32
    %run_scoped3A_105 = arith.constant 0 : i32
    "tpu.region"() ({
      %run_scoped3A_205 = tpu.sem_alloc : memref<!tpu.dma_semaphore, #tpu.memory_space<semaphore_mem>>
      %dma_start3A_206 = arith.constant 0 : i32
      %dma_start3A_207 = arith.constant 0 : i32
      %dma_start3A_208 = tpu.memref_slice %arg11[%run_scoped3A_105, %dma_start3A_206, %dma_start3A_207] : memref<2x128x128xf32, #tpu.memory_space<vmem>> -> memref<1x128x128xf32, #tpu.memory_space<vmem>>
      %dma_start3A_209 = tpu.memref_squeeze %dma_start3A_208 : memref<1x128x128xf32, #tpu.memory_space<vmem>> -> memref<128x128xf32, #tpu.memory_space<vmem>>
      %dma_start3A_210 = arith.constant 0 : i32
      %dma_start3A_211 = tpu.memref_slice %arg12[%add3A_104, %dma_start3A_210] : memref<10240x128xf32, #tpu.memory_space<vmem_shared>> -> memref<128x128xf32, #tpu.memory_space<vmem_shared>>
      %dma_start3A_212 = arith.constant 0 : i32
      %dma_start3A_213 = tpu.memref_slice %arg12[%add3A_104, %dma_start3A_212] : memref<10240x128xf32, #tpu.memory_space<vmem_shared>> -> memref<128x128xf32, #tpu.memory_space<vmem_shared>>
      %dma_start3A_214 = arith.constant 0 : i32
      %dma_start3A_215 = arith.constant 0 : i32
      %dma_start3A_216 = tpu.memref_slice %arg11[%run_scoped3A_105, %dma_start3A_214, %dma_start3A_215] : memref<2x128x128xf32, #tpu.memory_space<vmem>> -> memref<1x128x128xf32, #tpu.memory_space<vmem>>
      %dma_start3A_217 = tpu.memref_squeeze %dma_start3A_216 : memref<1x128x128xf32, #tpu.memory_space<vmem>> -> memref<128x128xf32, #tpu.memory_space<vmem>>
      tpu.enqueue_dma source(%dma_start3A_217 : memref<128x128xf32, #tpu.memory_space<vmem>>) target(%dma_start3A_213 : memref<128x128xf32, #tpu.memory_space<vmem_shared>>) target_semaphore(%run_scoped3A_205 : memref<!tpu.dma_semaphore, #tpu.memory_space<semaphore_mem>>)
      %dma_wait3A_218 = arith.constant 0 : i32
      %dma_wait3A_219 = arith.constant 0 : i32
      %dma_wait3A_220 = tpu.memref_slice %arg11[%run_scoped3A_105, %dma_wait3A_218, %dma_wait3A_219] : memref<2x128x128xf32, #tpu.memory_space<vmem>> -> memref<1x128x128xf32, #tpu.memory_space<vmem>>
      %dma_wait3A_221 = tpu.memref_squeeze %dma_wait3A_220 : memref<1x128x128xf32, #tpu.memory_space<vmem>> -> memref<128x128xf32, #tpu.memory_space<vmem>>
      %dma_wait3A_222 = arith.constant 0 : i32
      %dma_wait3A_223 = tpu.memref_slice %arg12[%add3A_104, %dma_wait3A_222] : memref<10240x128xf32, #tpu.memory_space<vmem_shared>> -> memref<128x128xf32, #tpu.memory_space<vmem_shared>>
      %dma_wait3A_224 = arith.constant 0 : i32
      %dma_wait3A_225 = tpu.memref_slice %arg12[%add3A_104, %dma_wait3A_224] : memref<10240x128xf32, #tpu.memory_space<vmem_shared>> -> memref<128x128xf32, #tpu.memory_space<vmem_shared>>
      %dma_wait3A_226 = arith.constant 0 : i32
      %dma_wait3A_227 = arith.constant 0 : i32
      %dma_wait3A_228 = tpu.memref_slice %arg11[%run_scoped3A_105, %dma_wait3A_226, %dma_wait3A_227] : memref<2x128x128xf32, #tpu.memory_space<vmem>> -> memref<1x128x128xf32, #tpu.memory_space<vmem>>
      %dma_wait3A_229 = tpu.memref_squeeze %dma_wait3A_228 : memref<1x128x128xf32, #tpu.memory_space<vmem>> -> memref<128x128xf32, #tpu.memory_space<vmem>>
      tpu.wait_dma2 semaphore(%run_scoped3A_205 : memref<!tpu.dma_semaphore, #tpu.memory_space<semaphore_mem>>) src(%dma_wait3A_229 : memref<128x128xf32, #tpu.memory_space<vmem>>) dst(%dma_wait3A_225 : memref<128x128xf32, #tpu.memory_space<vmem_shared>>)
      tpu.yield
    }) : () -> ()
    %mul3A_106 = arith.constant 640 : i32
    %mul3A_107 = arith.muli %arg1, %mul3A_106 : i32
    %add3A_108 = arith.constant 256 : i32
    %add3A_109 = arith.addi %mul3A_107, %add3A_108 : i32
    %run_scoped3A_110 = arith.constant 0 : i32
    "tpu.region"() ({
      %run_scoped3A_205 = tpu.sem_alloc : memref<!tpu.dma_semaphore, #tpu.memory_space<semaphore_mem>>
      %dma_start3A_206 = arith.constant 0 : i32
      %dma_start3A_207 = arith.constant 0 : i32
      %dma_start3A_208 = tpu.memref_slice %arg11[%run_scoped3A_110, %dma_start3A_206, %dma_start3A_207] : memref<2x128x128xf32, #tpu.memory_space<vmem>> -> memref<1x128x128xf32, #tpu.memory_space<vmem>>
      %dma_start3A_209 = tpu.memref_squeeze %dma_start3A_208 : memref<1x128x128xf32, #tpu.memory_space<vmem>> -> memref<128x128xf32, #tpu.memory_space<vmem>>
      %dma_start3A_210 = arith.constant 0 : i32
      %dma_start3A_211 = tpu.memref_slice %arg12[%add3A_109, %dma_start3A_210] : memref<10240x128xf32, #tpu.memory_space<vmem_shared>> -> memref<128x128xf32, #tpu.memory_space<vmem_shared>>
      %dma_start3A_212 = arith.constant 0 : i32
      %dma_start3A_213 = tpu.memref_slice %arg12[%add3A_109, %dma_start3A_212] : memref<10240x128xf32, #tpu.memory_space<vmem_shared>> -> memref<128x128xf32, #tpu.memory_space<vmem_shared>>
      %dma_start3A_214 = arith.constant 0 : i32
      %dma_start3A_215 = arith.constant 0 : i32
      %dma_start3A_216 = tpu.memref_slice %arg11[%run_scoped3A_110, %dma_start3A_214, %dma_start3A_215] : memref<2x128x128xf32, #tpu.memory_space<vmem>> -> memref<1x128x128xf32, #tpu.memory_space<vmem>>
      %dma_start3A_217 = tpu.memref_squeeze %dma_start3A_216 : memref<1x128x128xf32, #tpu.memory_space<vmem>> -> memref<128x128xf32, #tpu.memory_space<vmem>>
      tpu.enqueue_dma source(%dma_start3A_217 : memref<128x128xf32, #tpu.memory_space<vmem>>) target(%dma_start3A_213 : memref<128x128xf32, #tpu.memory_space<vmem_shared>>) target_semaphore(%run_scoped3A_205 : memref<!tpu.dma_semaphore, #tpu.memory_space<semaphore_mem>>)
      %dma_wait3A_218 = arith.constant 0 : i32
      %dma_wait3A_219 = arith.constant 0 : i32
      %dma_wait3A_220 = tpu.memref_slice %arg11[%run_scoped3A_110, %dma_wait3A_218, %dma_wait3A_219] : memref<2x128x128xf32, #tpu.memory_space<vmem>> -> memref<1x128x128xf32, #tpu.memory_space<vmem>>
      %dma_wait3A_221 = tpu.memref_squeeze %dma_wait3A_220 : memref<1x128x128xf32, #tpu.memory_space<vmem>> -> memref<128x128xf32, #tpu.memory_space<vmem>>
      %dma_wait3A_222 = arith.constant 0 : i32
      %dma_wait3A_223 = tpu.memref_slice %arg12[%add3A_109, %dma_wait3A_222] : memref<10240x128xf32, #tpu.memory_space<vmem_shared>> -> memref<128x128xf32, #tpu.memory_space<vmem_shared>>
      %dma_wait3A_224 = arith.constant 0 : i32
      %dma_wait3A_225 = tpu.memref_slice %arg12[%add3A_109, %dma_wait3A_224] : memref<10240x128xf32, #tpu.memory_space<vmem_shared>> -> memref<128x128xf32, #tpu.memory_space<vmem_shared>>
      %dma_wait3A_226 = arith.constant 0 : i32
      %dma_wait3A_227 = arith.constant 0 : i32
      %dma_wait3A_228 = tpu.memref_slice %arg11[%run_scoped3A_110, %dma_wait3A_226, %dma_wait3A_227] : memref<2x128x128xf32, #tpu.memory_space<vmem>> -> memref<1x128x128xf32, #tpu.memory_space<vmem>>
      %dma_wait3A_229 = tpu.memref_squeeze %dma_wait3A_228 : memref<1x128x128xf32, #tpu.memory_space<vmem>> -> memref<128x128xf32, #tpu.memory_space<vmem>>
      tpu.wait_dma2 semaphore(%run_scoped3A_205 : memref<!tpu.dma_semaphore, #tpu.memory_space<semaphore_mem>>) src(%dma_wait3A_229 : memref<128x128xf32, #tpu.memory_space<vmem>>) dst(%dma_wait3A_225 : memref<128x128xf32, #tpu.memory_space<vmem_shared>>)
      tpu.yield
    }) : () -> ()
    %mul3A_111 = arith.constant 640 : i32
    %mul3A_112 = arith.muli %arg1, %mul3A_111 : i32
    %add3A_113 = arith.constant 384 : i32
    %add3A_114 = arith.addi %mul3A_112, %add3A_113 : i32
    %run_scoped3A_115 = arith.constant 0 : i32
    "tpu.region"() ({
      %run_scoped3A_205 = tpu.sem_alloc : memref<!tpu.dma_semaphore, #tpu.memory_space<semaphore_mem>>
      %dma_start3A_206 = arith.constant 0 : i32
      %dma_start3A_207 = arith.constant 0 : i32
      %dma_start3A_208 = tpu.memref_slice %arg11[%run_scoped3A_115, %dma_start3A_206, %dma_start3A_207] : memref<2x128x128xf32, #tpu.memory_space<vmem>> -> memref<1x128x128xf32, #tpu.memory_space<vmem>>
      %dma_start3A_209 = tpu.memref_squeeze %dma_start3A_208 : memref<1x128x128xf32, #tpu.memory_space<vmem>> -> memref<128x128xf32, #tpu.memory_space<vmem>>
      %dma_start3A_210 = arith.constant 0 : i32
      %dma_start3A_211 = tpu.memref_slice %arg12[%add3A_114, %dma_start3A_210] : memref<10240x128xf32, #tpu.memory_space<vmem_shared>> -> memref<128x128xf32, #tpu.memory_space<vmem_shared>>
      %dma_start3A_212 = arith.constant 0 : i32
      %dma_start3A_213 = tpu.memref_slice %arg12[%add3A_114, %dma_start3A_212] : memref<10240x128xf32, #tpu.memory_space<vmem_shared>> -> memref<128x128xf32, #tpu.memory_space<vmem_shared>>
      %dma_start3A_214 = arith.constant 0 : i32
      %dma_start3A_215 = arith.constant 0 : i32
      %dma_start3A_216 = tpu.memref_slice %arg11[%run_scoped3A_115, %dma_start3A_214, %dma_start3A_215] : memref<2x128x128xf32, #tpu.memory_space<vmem>> -> memref<1x128x128xf32, #tpu.memory_space<vmem>>
      %dma_start3A_217 = tpu.memref_squeeze %dma_start3A_216 : memref<1x128x128xf32, #tpu.memory_space<vmem>> -> memref<128x128xf32, #tpu.memory_space<vmem>>
      tpu.enqueue_dma source(%dma_start3A_217 : memref<128x128xf32, #tpu.memory_space<vmem>>) target(%dma_start3A_213 : memref<128x128xf32, #tpu.memory_space<vmem_shared>>) target_semaphore(%run_scoped3A_205 : memref<!tpu.dma_semaphore, #tpu.memory_space<semaphore_mem>>)
      %dma_wait3A_218 = arith.constant 0 : i32
      %dma_wait3A_219 = arith.constant 0 : i32
      %dma_wait3A_220 = tpu.memref_slice %arg11[%run_scoped3A_115, %dma_wait3A_218, %dma_wait3A_219] : memref<2x128x128xf32, #tpu.memory_space<vmem>> -> memref<1x128x128xf32, #tpu.memory_space<vmem>>
      %dma_wait3A_221 = tpu.memref_squeeze %dma_wait3A_220 : memref<1x128x128xf32, #tpu.memory_space<vmem>> -> memref<128x128xf32, #tpu.memory_space<vmem>>
      %dma_wait3A_222 = arith.constant 0 : i32
      %dma_wait3A_223 = tpu.memref_slice %arg12[%add3A_114, %dma_wait3A_222] : memref<10240x128xf32, #tpu.memory_space<vmem_shared>> -> memref<128x128xf32, #tpu.memory_space<vmem_shared>>
      %dma_wait3A_224 = arith.constant 0 : i32
      %dma_wait3A_225 = tpu.memref_slice %arg12[%add3A_114, %dma_wait3A_224] : memref<10240x128xf32, #tpu.memory_space<vmem_shared>> -> memref<128x128xf32, #tpu.memory_space<vmem_shared>>
      %dma_wait3A_226 = arith.constant 0 : i32
      %dma_wait3A_227 = arith.constant 0 : i32
      %dma_wait3A_228 = tpu.memref_slice %arg11[%run_scoped3A_115, %dma_wait3A_226, %dma_wait3A_227] : memref<2x128x128xf32, #tpu.memory_space<vmem>> -> memref<1x128x128xf32, #tpu.memory_space<vmem>>
      %dma_wait3A_229 = tpu.memref_squeeze %dma_wait3A_228 : memref<1x128x128xf32, #tpu.memory_space<vmem>> -> memref<128x128xf32, #tpu.memory_space<vmem>>
      tpu.wait_dma2 semaphore(%run_scoped3A_205 : memref<!tpu.dma_semaphore, #tpu.memory_space<semaphore_mem>>) src(%dma_wait3A_229 : memref<128x128xf32, #tpu.memory_space<vmem>>) dst(%dma_wait3A_225 : memref<128x128xf32, #tpu.memory_space<vmem_shared>>)
      tpu.yield
    }) : () -> ()
    %mul3A_116 = arith.constant 640 : i32
    %mul3A_117 = arith.muli %arg1, %mul3A_116 : i32
    %add3A_118 = arith.constant 512 : i32
    %add3A_119 = arith.addi %mul3A_117, %add3A_118 : i32
    %run_scoped3A_120 = arith.constant 0 : i32
    "tpu.region"() ({
      %run_scoped3A_205 = tpu.sem_alloc : memref<!tpu.dma_semaphore, #tpu.memory_space<semaphore_mem>>
      %dma_start3A_206 = arith.constant 0 : i32
      %dma_start3A_207 = arith.constant 0 : i32
      %dma_start3A_208 = tpu.memref_slice %arg11[%run_scoped3A_120, %dma_start3A_206, %dma_start3A_207] : memref<2x128x128xf32, #tpu.memory_space<vmem>> -> memref<1x128x128xf32, #tpu.memory_space<vmem>>
      %dma_start3A_209 = tpu.memref_squeeze %dma_start3A_208 : memref<1x128x128xf32, #tpu.memory_space<vmem>> -> memref<128x128xf32, #tpu.memory_space<vmem>>
      %dma_start3A_210 = arith.constant 0 : i32
      %dma_start3A_211 = tpu.memref_slice %arg12[%add3A_119, %dma_start3A_210] : memref<10240x128xf32, #tpu.memory_space<vmem_shared>> -> memref<128x128xf32, #tpu.memory_space<vmem_shared>>
      %dma_start3A_212 = arith.constant 0 : i32
      %dma_start3A_213 = tpu.memref_slice %arg12[%add3A_119, %dma_start3A_212] : memref<10240x128xf32, #tpu.memory_space<vmem_shared>> -> memref<128x128xf32, #tpu.memory_space<vmem_shared>>
      %dma_start3A_214 = arith.constant 0 : i32
      %dma_start3A_215 = arith.constant 0 : i32
      %dma_start3A_216 = tpu.memref_slice %arg11[%run_scoped3A_120, %dma_start3A_214, %dma_start3A_215] : memref<2x128x128xf32, #tpu.memory_space<vmem>> -> memref<1x128x128xf32, #tpu.memory_space<vmem>>
      %dma_start3A_217 = tpu.memref_squeeze %dma_start3A_216 : memref<1x128x128xf32, #tpu.memory_space<vmem>> -> memref<128x128xf32, #tpu.memory_space<vmem>>
      tpu.enqueue_dma source(%dma_start3A_217 : memref<128x128xf32, #tpu.memory_space<vmem>>) target(%dma_start3A_213 : memref<128x128xf32, #tpu.memory_space<vmem_shared>>) target_semaphore(%run_scoped3A_205 : memref<!tpu.dma_semaphore, #tpu.memory_space<semaphore_mem>>)
      %dma_wait3A_218 = arith.constant 0 : i32
      %dma_wait3A_219 = arith.constant 0 : i32
      %dma_wait3A_220 = tpu.memref_slice %arg11[%run_scoped3A_120, %dma_wait3A_218, %dma_wait3A_219] : memref<2x128x128xf32, #tpu.memory_space<vmem>> -> memref<1x128x128xf32, #tpu.memory_space<vmem>>
      %dma_wait3A_221 = tpu.memref_squeeze %dma_wait3A_220 : memref<1x128x128xf32, #tpu.memory_space<vmem>> -> memref<128x128xf32, #tpu.memory_space<vmem>>
      %dma_wait3A_222 = arith.constant 0 : i32
      %dma_wait3A_223 = tpu.memref_slice %arg12[%add3A_119, %dma_wait3A_222] : memref<10240x128xf32, #tpu.memory_space<vmem_shared>> -> memref<128x128xf32, #tpu.memory_space<vmem_shared>>
      %dma_wait3A_224 = arith.constant 0 : i32
      %dma_wait3A_225 = tpu.memref_slice %arg12[%add3A_119, %dma_wait3A_224] : memref<10240x128xf32, #tpu.memory_space<vmem_shared>> -> memref<128x128xf32, #tpu.memory_space<vmem_shared>>
      %dma_wait3A_226 = arith.constant 0 : i32
      %dma_wait3A_227 = arith.constant 0 : i32
      %dma_wait3A_228 = tpu.memref_slice %arg11[%run_scoped3A_120, %dma_wait3A_226, %dma_wait3A_227] : memref<2x128x128xf32, #tpu.memory_space<vmem>> -> memref<1x128x128xf32, #tpu.memory_space<vmem>>
      %dma_wait3A_229 = tpu.memref_squeeze %dma_wait3A_228 : memref<1x128x128xf32, #tpu.memory_space<vmem>> -> memref<128x128xf32, #tpu.memory_space<vmem>>
      tpu.wait_dma2 semaphore(%run_scoped3A_205 : memref<!tpu.dma_semaphore, #tpu.memory_space<semaphore_mem>>) src(%dma_wait3A_229 : memref<128x128xf32, #tpu.memory_space<vmem>>) dst(%dma_wait3A_225 : memref<128x128xf32, #tpu.memory_space<vmem_shared>>)
      tpu.yield
    }) : () -> ()
    %dma_wait3A = arith.constant 0 : i32
    %dma_wait3A_121 = arith.constant 0 : i32
    %dma_wait3A_122 = arith.constant 0 : i32
    %dma_wait3A_123 = tpu.memref_slice %arg8[%dma_wait3A, %dma_wait3A_122] : memref<3x128xi32, #tpu.memory_space<vmem>> -> memref<1x128xi32, #tpu.memory_space<vmem>>
    %dma_wait3A_124 = tpu.memref_squeeze %dma_wait3A_123 : memref<1x128xi32, #tpu.memory_space<vmem>> -> memref<128xi32, #tpu.memory_space<vmem>>
    %dma_wait3A_125 = arith.constant 0 : i32
    %dma_wait3A_126 = tpu.memref_slice %arg3[%dma_wait3A_125] : memref<327680xi32, #tpu.memory_space<hbm>> -> memref<128xi32, #tpu.memory_space<hbm>>
    %dma_wait3A_127 = tpu.memref_slice %arg14[%dma_wait3A_121] : memref<3x!tpu.dma_semaphore, #tpu.memory_space<semaphore_mem>> -> memref<1x!tpu.dma_semaphore, #tpu.memory_space<semaphore_mem>>
    %dma_wait3A_128 = tpu.memref_squeeze %dma_wait3A_127 : memref<1x!tpu.dma_semaphore, #tpu.memory_space<semaphore_mem>> -> memref<!tpu.dma_semaphore, #tpu.memory_space<semaphore_mem>>
    %dma_wait3A_129 = arith.constant 0 : i32
    %dma_wait3A_130 = tpu.memref_slice %arg8[%dma_wait3A, %dma_wait3A_129] : memref<3x128xi32, #tpu.memory_space<vmem>> -> memref<1x128xi32, #tpu.memory_space<vmem>>
    %dma_wait3A_131 = tpu.memref_squeeze %dma_wait3A_130 : memref<1x128xi32, #tpu.memory_space<vmem>> -> memref<128xi32, #tpu.memory_space<vmem>>
    %dma_wait3A_132 = arith.constant 0 : i32
    %dma_wait3A_133 = tpu.memref_slice %arg3[%dma_wait3A_132] : memref<327680xi32, #tpu.memory_space<hbm>> -> memref<128xi32, #tpu.memory_space<hbm>>
    tpu.wait_dma2 semaphore(%dma_wait3A_128 : memref<!tpu.dma_semaphore, #tpu.memory_space<semaphore_mem>>) src(%dma_wait3A_133 : memref<128xi32, #tpu.memory_space<hbm>>) dst(%dma_wait3A_131 : memref<128xi32, #tpu.memory_space<vmem>>)
    %dma_wait3A_134 = arith.constant 0 : i32
    %dma_wait3A_135 = arith.constant 0 : i32
    %dma_wait3A_136 = arith.constant 0 : i32
    %dma_wait3A_137 = tpu.memref_slice %arg9[%dma_wait3A_134, %dma_wait3A_136] : memref<3x128xi32, #tpu.memory_space<vmem>> -> memref<1x128xi32, #tpu.memory_space<vmem>>
    %dma_wait3A_138 = tpu.memref_squeeze %dma_wait3A_137 : memref<1x128xi32, #tpu.memory_space<vmem>> -> memref<128xi32, #tpu.memory_space<vmem>>
    %dma_wait3A_139 = arith.constant 0 : i32
    %dma_wait3A_140 = tpu.memref_slice %arg4[%dma_wait3A_139] : memref<327680xi32, #tpu.memory_space<hbm>> -> memref<128xi32, #tpu.memory_space<hbm>>
    %dma_wait3A_141 = tpu.memref_slice %arg14[%dma_wait3A_135] : memref<3x!tpu.dma_semaphore, #tpu.memory_space<semaphore_mem>> -> memref<1x!tpu.dma_semaphore, #tpu.memory_space<semaphore_mem>>
    %dma_wait3A_142 = tpu.memref_squeeze %dma_wait3A_141 : memref<1x!tpu.dma_semaphore, #tpu.memory_space<semaphore_mem>> -> memref<!tpu.dma_semaphore, #tpu.memory_space<semaphore_mem>>
    %dma_wait3A_143 = arith.constant 0 : i32
    %dma_wait3A_144 = tpu.memref_slice %arg9[%dma_wait3A_134, %dma_wait3A_143] : memref<3x128xi32, #tpu.memory_space<vmem>> -> memref<1x128xi32, #tpu.memory_space<vmem>>
    %dma_wait3A_145 = tpu.memref_squeeze %dma_wait3A_144 : memref<1x128xi32, #tpu.memory_space<vmem>> -> memref<128xi32, #tpu.memory_space<vmem>>
    %dma_wait3A_146 = arith.constant 0 : i32
    %dma_wait3A_147 = tpu.memref_slice %arg4[%dma_wait3A_146] : memref<327680xi32, #tpu.memory_space<hbm>> -> memref<128xi32, #tpu.memory_space<hbm>>
    tpu.wait_dma2 semaphore(%dma_wait3A_142 : memref<!tpu.dma_semaphore, #tpu.memory_space<semaphore_mem>>) src(%dma_wait3A_147 : memref<128xi32, #tpu.memory_space<hbm>>) dst(%dma_wait3A_145 : memref<128xi32, #tpu.memory_space<vmem>>)
    %dma_wait3A_148 = arith.constant 0 : i32
    %dma_wait3A_149 = arith.constant 0 : i32
    %dma_wait3A_150 = arith.constant 0 : i32
    %dma_wait3A_151 = arith.constant 0 : i32
    %dma_wait3A_152 = tpu.memref_slice %arg10[%dma_wait3A_149, %dma_wait3A_151] : memref<3x2048xf32, #tpu.memory_space<vmem>> -> memref<1x2048xf32, #tpu.memory_space<vmem>>
    %dma_wait3A_153 = tpu.memref_squeeze %dma_wait3A_152 : memref<1x2048xf32, #tpu.memory_space<vmem>> -> memref<2048xf32, #tpu.memory_space<vmem>>
    %dma_wait3A_154 = arith.constant 0 : i32
    %dma_wait3A_155 = tpu.memref_slice %arg5[%dma_wait3A_148, %dma_wait3A_154] : memref<2560x2048xf32, #tpu.memory_space<hbm>> -> memref<1x2048xf32, #tpu.memory_space<hbm>>
    %dma_wait3A_156 = tpu.memref_squeeze %dma_wait3A_155 : memref<1x2048xf32, #tpu.memory_space<hbm>> -> memref<2048xf32, #tpu.memory_space<hbm>>
    %dma_wait3A_157 = tpu.memref_slice %arg14[%dma_wait3A_150] : memref<3x!tpu.dma_semaphore, #tpu.memory_space<semaphore_mem>> -> memref<1x!tpu.dma_semaphore, #tpu.memory_space<semaphore_mem>>
    %dma_wait3A_158 = tpu.memref_squeeze %dma_wait3A_157 : memref<1x!tpu.dma_semaphore, #tpu.memory_space<semaphore_mem>> -> memref<!tpu.dma_semaphore, #tpu.memory_space<semaphore_mem>>
    %dma_wait3A_159 = arith.constant 0 : i32
    %dma_wait3A_160 = tpu.memref_slice %arg10[%dma_wait3A_149, %dma_wait3A_159] : memref<3x2048xf32, #tpu.memory_space<vmem>> -> memref<1x2048xf32, #tpu.memory_space<vmem>>
    %dma_wait3A_161 = tpu.memref_squeeze %dma_wait3A_160 : memref<1x2048xf32, #tpu.memory_space<vmem>> -> memref<2048xf32, #tpu.memory_space<vmem>>
    %dma_wait3A_162 = arith.constant 0 : i32
    %dma_wait3A_163 = tpu.memref_slice %arg5[%dma_wait3A_148, %dma_wait3A_162] : memref<2560x2048xf32, #tpu.memory_space<hbm>> -> memref<1x2048xf32, #tpu.memory_space<hbm>>
    %dma_wait3A_164 = tpu.memref_squeeze %dma_wait3A_163 : memref<1x2048xf32, #tpu.memory_space<hbm>> -> memref<2048xf32, #tpu.memory_space<hbm>>
    tpu.wait_dma2 semaphore(%dma_wait3A_158 : memref<!tpu.dma_semaphore, #tpu.memory_space<semaphore_mem>>) src(%dma_wait3A_164 : memref<2048xf32, #tpu.memory_space<hbm>>) dst(%dma_wait3A_161 : memref<2048xf32, #tpu.memory_space<vmem>>)
    %dma_start3A_165 = arith.constant 0 : i32
    %dma_start3A_166 = arith.constant 0 : i32
    %dma_start3A_167 = arith.constant 0 : i32
    %dma_start3A_168 = arith.constant 0 : i32
    %dma_start3A_169 = arith.constant 0 : i32
    %dma_start3A_170 = tpu.memref_slice %arg11[%dma_start3A_166, %dma_start3A_168, %dma_start3A_169] : memref<2x128x128xf32, #tpu.memory_space<vmem>> -> memref<1x128x128xf32, #tpu.memory_space<vmem>>
    %dma_start3A_171 = tpu.memref_squeeze %dma_start3A_170 : memref<1x128x128xf32, #tpu.memory_space<vmem>> -> memref<128x128xf32, #tpu.memory_space<vmem>>
    %dma_start3A_172 = arith.constant 0 : i32
    %dma_start3A_173 = tpu.memref_slice %arg9[%dma_start3A_165, %dma_start3A_172] : memref<3x128xi32, #tpu.memory_space<vmem>> -> memref<1x128xi32, #tpu.memory_space<vmem>>
    %dma_start3A_174 = tpu.memref_squeeze %dma_start3A_173 : memref<1x128xi32, #tpu.memory_space<vmem>> -> memref<128xi32, #tpu.memory_space<vmem>>
    %dma_start3A_175 = arith.constant 0 : i32
    %dma_start3A_176 = arith.constant 0 : i32
    %dma_start3A_177 = tpu.memref_slice %arg2[%dma_start3A_175, %dma_start3A_176] : memref<10000x128xf32, #tpu.memory_space<hbm>> -> memref<10000x128xf32, #tpu.memory_space<hbm>>
    %dma_start3A_178 = tpu.memref_slice %arg13[%dma_start3A_167] : memref<2x!tpu.dma_semaphore, #tpu.memory_space<semaphore_mem>> -> memref<1x!tpu.dma_semaphore, #tpu.memory_space<semaphore_mem>>
    %dma_start3A_179 = tpu.memref_squeeze %dma_start3A_178 : memref<1x!tpu.dma_semaphore, #tpu.memory_space<semaphore_mem>> -> memref<!tpu.dma_semaphore, #tpu.memory_space<semaphore_mem>>
    tpu.enqueue_indirect_dma source(%dma_start3A_177 : memref<10000x128xf32, #tpu.memory_space<hbm>>) target(%dma_start3A_171 : memref<128x128xf32, #tpu.memory_space<vmem>>) offsets(%dma_start3A_174 : memref<128xi32, #tpu.memory_space<vmem>>) semaphore(%dma_start3A_179 : memref<!tpu.dma_semaphore, #tpu.memory_space<semaphore_mem>>)
    %barrier3A = arith.constant 0 : index
    tpu.barrier barrier_id(%barrier3A)
    %scan3A = arith.constant 0 : i32
    %scan3A_180 = arith.constant 0 : i32
    %scan3A_181 = arith.constant 80 : i32
    %scan3A_182 = arith.addi %scan3A_180, %scan3A_181 : i32
    %scan3A_183 = arith.constant 1 : i32
    scf.for %scan3A_205 = %scan3A_180 to %scan3A_182 step %scan3A_183  : i32 {
      %rem3A_206 = arith.constant 2 : i32
      %rem3A_207 = arith.remsi %scan3A_205, %rem3A_206 : i32
      %add3A_208 = arith.constant 1 : i32
      %add3A_209 = arith.addi %scan3A_205, %add3A_208 : i32
      %rem3A_210 = arith.constant 2 : i32
      %rem3A_211 = arith.remsi %add3A_209, %rem3A_210 : i32
      %rem3A_212 = arith.constant 3 : i32
      %rem3A_213 = arith.remsi %scan3A_205, %rem3A_212 : i32
      %add3A_214 = arith.constant 1 : i32
      %add3A_215 = arith.addi %scan3A_205, %add3A_214 : i32
      %rem3A_216 = arith.constant 3 : i32
      %rem3A_217 = arith.remsi %add3A_215, %rem3A_216 : i32
      %ge3A = arith.constant 1 : i32
      %ge3A_218 = arith.cmpi sge, %scan3A_205, %ge3A : i32
      %convert_element_type3A = arith.extui %ge3A_218 : i1 to i32
      %cond3A = arith.constant 0 : i32
      %cond3A_219 = arith.cmpi ne, %convert_element_type3A, %cond3A : i32
      scf.if %cond3A_219 {
        %dma_wait3A_263 = arith.constant 0 : i32
        %dma_wait3A_264 = arith.constant 0 : i32
        %dma_wait3A_265 = arith.constant 0 : i32
        %dma_wait3A_266 = tpu.memref_slice %arg11[%rem3A_211, %dma_wait3A_264, %dma_wait3A_265] : memref<2x128x128xf32, #tpu.memory_space<vmem>> -> memref<1x128x128xf32, #tpu.memory_space<vmem>>
        %dma_wait3A_267 = tpu.memref_squeeze %dma_wait3A_266 : memref<1x128x128xf32, #tpu.memory_space<vmem>> -> memref<128x128xf32, #tpu.memory_space<vmem>>
        %dma_wait3A_268 = arith.constant 0 : i32
        %dma_wait3A_269 = tpu.memref_slice %arg8[%dma_wait3A_263, %dma_wait3A_268] : memref<3x128xi32, #tpu.memory_space<vmem>> -> memref<1x128xi32, #tpu.memory_space<vmem>>
        %dma_wait3A_270 = tpu.memref_squeeze %dma_wait3A_269 : memref<1x128xi32, #tpu.memory_space<vmem>> -> memref<128xi32, #tpu.memory_space<vmem>>
        %dma_wait3A_271 = arith.constant 0 : i32
        %dma_wait3A_272 = arith.constant 0 : i32
        %dma_wait3A_273 = tpu.memref_slice %arg12[%dma_wait3A_271, %dma_wait3A_272] : memref<10240x128xf32, #tpu.memory_space<vmem_shared>> -> memref<10240x128xf32, #tpu.memory_space<vmem_shared>>
        %dma_wait3A_274 = tpu.memref_slice %arg15[%rem3A_211] : memref<2x!tpu.dma_semaphore, #tpu.memory_space<semaphore_mem>> -> memref<1x!tpu.dma_semaphore, #tpu.memory_space<semaphore_mem>>
        %dma_wait3A_275 = tpu.memref_squeeze %dma_wait3A_274 : memref<1x!tpu.dma_semaphore, #tpu.memory_space<semaphore_mem>> -> memref<!tpu.dma_semaphore, #tpu.memory_space<semaphore_mem>>
        tpu.wait_indirect_dma semaphore(%dma_wait3A_275 : memref<!tpu.dma_semaphore, #tpu.memory_space<semaphore_mem>>) src(%dma_wait3A_267 : memref<128x128xf32, #tpu.memory_space<vmem>>) dst(%dma_wait3A_273 : memref<10240x128xf32, #tpu.memory_space<vmem_shared>>)
      } else {
      }
      %add3A_220 = arith.constant 1 : i32
      %add3A_221 = arith.addi %scan3A_205, %add3A_220 : i32
      %lt3A = arith.constant 80 : i32
      %lt3A_222 = arith.cmpi slt, %add3A_221, %lt3A : i32
      %convert_element_type3A_223 = arith.extui %lt3A_222 : i1 to i32
      %cond3A_224 = arith.constant 0 : i32
      %cond3A_225 = arith.cmpi ne, %convert_element_type3A_223, %cond3A_224 : i32
      scf.if %cond3A_225 {
        %dma_wait3A_263 = arith.constant 0 : i32
        %dma_wait3A_264 = tpu.memref_slice %arg8[%rem3A_217, %dma_wait3A_263] : memref<3x128xi32, #tpu.memory_space<vmem>> -> memref<1x128xi32, #tpu.memory_space<vmem>>
        %dma_wait3A_265 = tpu.memref_squeeze %dma_wait3A_264 : memref<1x128xi32, #tpu.memory_space<vmem>> -> memref<128xi32, #tpu.memory_space<vmem>>
        %dma_wait3A_266 = arith.constant 0 : i32
        %dma_wait3A_267 = tpu.memref_slice %arg3[%dma_wait3A_266] : memref<327680xi32, #tpu.memory_space<hbm>> -> memref<128xi32, #tpu.memory_space<hbm>>
        %dma_wait3A_268 = tpu.memref_slice %arg14[%rem3A_217] : memref<3x!tpu.dma_semaphore, #tpu.memory_space<semaphore_mem>> -> memref<1x!tpu.dma_semaphore, #tpu.memory_space<semaphore_mem>>
        %dma_wait3A_269 = tpu.memref_squeeze %dma_wait3A_268 : memref<1x!tpu.dma_semaphore, #tpu.memory_space<semaphore_mem>> -> memref<!tpu.dma_semaphore, #tpu.memory_space<semaphore_mem>>
        %dma_wait3A_270 = arith.constant 0 : i32
        %dma_wait3A_271 = tpu.memref_slice %arg8[%rem3A_217, %dma_wait3A_270] : memref<3x128xi32, #tpu.memory_space<vmem>> -> memref<1x128xi32, #tpu.memory_space<vmem>>
        %dma_wait3A_272 = tpu.memref_squeeze %dma_wait3A_271 : memref<1x128xi32, #tpu.memory_space<vmem>> -> memref<128xi32, #tpu.memory_space<vmem>>
        %dma_wait3A_273 = arith.constant 0 : i32
        %dma_wait3A_274 = tpu.memref_slice %arg3[%dma_wait3A_273] : memref<327680xi32, #tpu.memory_space<hbm>> -> memref<128xi32, #tpu.memory_space<hbm>>
        tpu.wait_dma2 semaphore(%dma_wait3A_269 : memref<!tpu.dma_semaphore, #tpu.memory_space<semaphore_mem>>) src(%dma_wait3A_274 : memref<128xi32, #tpu.memory_space<hbm>>) dst(%dma_wait3A_272 : memref<128xi32, #tpu.memory_space<vmem>>)
        %dma_wait3A_275 = arith.constant 0 : i32
        %dma_wait3A_276 = tpu.memref_slice %arg9[%rem3A_217, %dma_wait3A_275] : memref<3x128xi32, #tpu.memory_space<vmem>> -> memref<1x128xi32, #tpu.memory_space<vmem>>
        %dma_wait3A_277 = tpu.memref_squeeze %dma_wait3A_276 : memref<1x128xi32, #tpu.memory_space<vmem>> -> memref<128xi32, #tpu.memory_space<vmem>>
        %dma_wait3A_278 = arith.constant 0 : i32
        %dma_wait3A_279 = tpu.memref_slice %arg4[%dma_wait3A_278] : memref<327680xi32, #tpu.memory_space<hbm>> -> memref<128xi32, #tpu.memory_space<hbm>>
        %dma_wait3A_280 = tpu.memref_slice %arg14[%rem3A_217] : memref<3x!tpu.dma_semaphore, #tpu.memory_space<semaphore_mem>> -> memref<1x!tpu.dma_semaphore, #tpu.memory_space<semaphore_mem>>
        %dma_wait3A_281 = tpu.memref_squeeze %dma_wait3A_280 : memref<1x!tpu.dma_semaphore, #tpu.memory_space<semaphore_mem>> -> memref<!tpu.dma_semaphore, #tpu.memory_space<semaphore_mem>>
        %dma_wait3A_282 = arith.constant 0 : i32
        %dma_wait3A_283 = tpu.memref_slice %arg9[%rem3A_217, %dma_wait3A_282] : memref<3x128xi32, #tpu.memory_space<vmem>> -> memref<1x128xi32, #tpu.memory_space<vmem>>
        %dma_wait3A_284 = tpu.memref_squeeze %dma_wait3A_283 : memref<1x128xi32, #tpu.memory_space<vmem>> -> memref<128xi32, #tpu.memory_space<vmem>>
        %dma_wait3A_285 = arith.constant 0 : i32
        %dma_wait3A_286 = tpu.memref_slice %arg4[%dma_wait3A_285] : memref<327680xi32, #tpu.memory_space<hbm>> -> memref<128xi32, #tpu.memory_space<hbm>>
        tpu.wait_dma2 semaphore(%dma_wait3A_281 : memref<!tpu.dma_semaphore, #tpu.memory_space<semaphore_mem>>) src(%dma_wait3A_286 : memref<128xi32, #tpu.memory_space<hbm>>) dst(%dma_wait3A_284 : memref<128xi32, #tpu.memory_space<vmem>>)
        %dma_wait3A_287 = arith.constant 0 : i32
        %dma_wait3A_288 = arith.constant 0 : i32
        %dma_wait3A_289 = tpu.memref_slice %arg10[%rem3A_217, %dma_wait3A_288] : memref<3x2048xf32, #tpu.memory_space<vmem>> -> memref<1x2048xf32, #tpu.memory_space<vmem>>
        %dma_wait3A_290 = tpu.memref_squeeze %dma_wait3A_289 : memref<1x2048xf32, #tpu.memory_space<vmem>> -> memref<2048xf32, #tpu.memory_space<vmem>>
        %dma_wait3A_291 = arith.constant 0 : i32
        %dma_wait3A_292 = tpu.memref_slice %arg5[%dma_wait3A_287, %dma_wait3A_291] : memref<2560x2048xf32, #tpu.memory_space<hbm>> -> memref<1x2048xf32, #tpu.memory_space<hbm>>
        %dma_wait3A_293 = tpu.memref_squeeze %dma_wait3A_292 : memref<1x2048xf32, #tpu.memory_space<hbm>> -> memref<2048xf32, #tpu.memory_space<hbm>>
        %dma_wait3A_294 = tpu.memref_slice %arg14[%rem3A_217] : memref<3x!tpu.dma_semaphore, #tpu.memory_space<semaphore_mem>> -> memref<1x!tpu.dma_semaphore, #tpu.memory_space<semaphore_mem>>
        %dma_wait3A_295 = tpu.memref_squeeze %dma_wait3A_294 : memref<1x!tpu.dma_semaphore, #tpu.memory_space<semaphore_mem>> -> memref<!tpu.dma_semaphore, #tpu.memory_space<semaphore_mem>>
        %dma_wait3A_296 = arith.constant 0 : i32
        %dma_wait3A_297 = tpu.memref_slice %arg10[%rem3A_217, %dma_wait3A_296] : memref<3x2048xf32, #tpu.memory_space<vmem>> -> memref<1x2048xf32, #tpu.memory_space<vmem>>
        %dma_wait3A_298 = tpu.memref_squeeze %dma_wait3A_297 : memref<1x2048xf32, #tpu.memory_space<vmem>> -> memref<2048xf32, #tpu.memory_space<vmem>>
        %dma_wait3A_299 = arith.constant 0 : i32
        %dma_wait3A_300 = tpu.memref_slice %arg5[%dma_wait3A_287, %dma_wait3A_299] : memref<2560x2048xf32, #tpu.memory_space<hbm>> -> memref<1x2048xf32, #tpu.memory_space<hbm>>
        %dma_wait3A_301 = tpu.memref_squeeze %dma_wait3A_300 : memref<1x2048xf32, #tpu.memory_space<hbm>> -> memref<2048xf32, #tpu.memory_space<hbm>>
        tpu.wait_dma2 semaphore(%dma_wait3A_295 : memref<!tpu.dma_semaphore, #tpu.memory_space<semaphore_mem>>) src(%dma_wait3A_301 : memref<2048xf32, #tpu.memory_space<hbm>>) dst(%dma_wait3A_298 : memref<2048xf32, #tpu.memory_space<vmem>>)
        %dma_start3A_302 = arith.constant 0 : i32
        %dma_start3A_303 = arith.constant 0 : i32
        %dma_start3A_304 = tpu.memref_slice %arg11[%rem3A_211, %dma_start3A_302, %dma_start3A_303] : memref<2x128x128xf32, #tpu.memory_space<vmem>> -> memref<1x128x128xf32, #tpu.memory_space<vmem>>
        %dma_start3A_305 = tpu.memref_squeeze %dma_start3A_304 : memref<1x128x128xf32, #tpu.memory_space<vmem>> -> memref<128x128xf32, #tpu.memory_space<vmem>>
        %dma_start3A_306 = arith.constant 0 : i32
        %dma_start3A_307 = tpu.memref_slice %arg9[%rem3A_217, %dma_start3A_306] : memref<3x128xi32, #tpu.memory_space<vmem>> -> memref<1x128xi32, #tpu.memory_space<vmem>>
        %dma_start3A_308 = tpu.memref_squeeze %dma_start3A_307 : memref<1x128xi32, #tpu.memory_space<vmem>> -> memref<128xi32, #tpu.memory_space<vmem>>
        %dma_start3A_309 = arith.constant 0 : i32
        %dma_start3A_310 = arith.constant 0 : i32
        %dma_start3A_311 = tpu.memref_slice %arg2[%dma_start3A_309, %dma_start3A_310] : memref<10000x128xf32, #tpu.memory_space<hbm>> -> memref<10000x128xf32, #tpu.memory_space<hbm>>
        %dma_start3A_312 = tpu.memref_slice %arg13[%rem3A_211] : memref<2x!tpu.dma_semaphore, #tpu.memory_space<semaphore_mem>> -> memref<1x!tpu.dma_semaphore, #tpu.memory_space<semaphore_mem>>
        %dma_start3A_313 = tpu.memref_squeeze %dma_start3A_312 : memref<1x!tpu.dma_semaphore, #tpu.memory_space<semaphore_mem>> -> memref<!tpu.dma_semaphore, #tpu.memory_space<semaphore_mem>>
        tpu.enqueue_indirect_dma source(%dma_start3A_311 : memref<10000x128xf32, #tpu.memory_space<hbm>>) target(%dma_start3A_305 : memref<128x128xf32, #tpu.memory_space<vmem>>) offsets(%dma_start3A_308 : memref<128xi32, #tpu.memory_space<vmem>>) semaphore(%dma_start3A_313 : memref<!tpu.dma_semaphore, #tpu.memory_space<semaphore_mem>>)
      } else {
      }
      %add3A_226 = arith.constant 2 : i32
      %add3A_227 = arith.addi %scan3A_205, %add3A_226 : i32
      %lt3A_228 = arith.constant 80 : i32
      %lt3A_229 = arith.cmpi slt, %add3A_227, %lt3A_228 : i32
      %convert_element_type3A_230 = arith.extui %lt3A_229 : i1 to i32
      %cond3A_231 = arith.constant 0 : i32
      %cond3A_232 = arith.cmpi ne, %convert_element_type3A_230, %cond3A_231 : i32
      scf.if %cond3A_232 {
        %add3A_263 = arith.constant 2 : i32
        %add3A_264 = arith.addi %scan3A_205, %add3A_263 : i32
        %add3A_265 = arith.constant 2 : i32
        %add3A_266 = arith.addi %scan3A_205, %add3A_265 : i32
        %rem3A_267 = arith.constant 3 : i32
        %rem3A_268 = arith.remsi %add3A_266, %rem3A_267 : i32
        %mul3A_269 = arith.constant 80 : i32
        %mul3A_270 = arith.muli %add3A, %mul3A_269 : i32
        %add3A_271 = arith.addi %mul3A_270, %add3A_264 : i32
        %mul3A_272 = arith.constant 128 : i32
        %mul3A_273 = arith.muli %add3A_271, %mul3A_272 : i32
        %dma_start3A_274 = arith.constant 0 : i32
        %dma_start3A_275 = tpu.memref_slice %arg8[%rem3A_268, %dma_start3A_274] : memref<3x128xi32, #tpu.memory_space<vmem>> -> memref<1x128xi32, #tpu.memory_space<vmem>>
        %dma_start3A_276 = tpu.memref_squeeze %dma_start3A_275 : memref<1x128xi32, #tpu.memory_space<vmem>> -> memref<128xi32, #tpu.memory_space<vmem>>
        %dma_start3A_277 = tpu.memref_slice %arg3[%mul3A_273] : memref<327680xi32, #tpu.memory_space<hbm>> -> memref<128xi32, #tpu.memory_space<hbm>>
        %dma_start3A_278 = tpu.memref_slice %arg14[%rem3A_268] : memref<3x!tpu.dma_semaphore, #tpu.memory_space<semaphore_mem>> -> memref<1x!tpu.dma_semaphore, #tpu.memory_space<semaphore_mem>>
        %dma_start3A_279 = tpu.memref_squeeze %dma_start3A_278 : memref<1x!tpu.dma_semaphore, #tpu.memory_space<semaphore_mem>> -> memref<!tpu.dma_semaphore, #tpu.memory_space<semaphore_mem>>
        %dma_start3A_280 = arith.constant 0 : i32
        %dma_start3A_281 = tpu.memref_slice %arg8[%rem3A_268, %dma_start3A_280] : memref<3x128xi32, #tpu.memory_space<vmem>> -> memref<1x128xi32, #tpu.memory_space<vmem>>
        %dma_start3A_282 = tpu.memref_squeeze %dma_start3A_281 : memref<1x128xi32, #tpu.memory_space<vmem>> -> memref<128xi32, #tpu.memory_space<vmem>>
        %dma_start3A_283 = tpu.memref_slice %arg3[%mul3A_273] : memref<327680xi32, #tpu.memory_space<hbm>> -> memref<128xi32, #tpu.memory_space<hbm>>
        tpu.enqueue_dma source(%dma_start3A_283 : memref<128xi32, #tpu.memory_space<hbm>>) target(%dma_start3A_282 : memref<128xi32, #tpu.memory_space<vmem>>) target_semaphore(%dma_start3A_279 : memref<!tpu.dma_semaphore, #tpu.memory_space<semaphore_mem>>)
        %mul3A_284 = arith.constant 128 : i32
        %mul3A_285 = arith.muli %add3A_271, %mul3A_284 : i32
        %dma_start3A_286 = arith.constant 0 : i32
        %dma_start3A_287 = tpu.memref_slice %arg9[%rem3A_268, %dma_start3A_286] : memref<3x128xi32, #tpu.memory_space<vmem>> -> memref<1x128xi32, #tpu.memory_space<vmem>>
        %dma_start3A_288 = tpu.memref_squeeze %dma_start3A_287 : memref<1x128xi32, #tpu.memory_space<vmem>> -> memref<128xi32, #tpu.memory_space<vmem>>
        %dma_start3A_289 = tpu.memref_slice %arg4[%mul3A_285] : memref<327680xi32, #tpu.memory_space<hbm>> -> memref<128xi32, #tpu.memory_space<hbm>>
        %dma_start3A_290 = tpu.memref_slice %arg14[%rem3A_268] : memref<3x!tpu.dma_semaphore, #tpu.memory_space<semaphore_mem>> -> memref<1x!tpu.dma_semaphore, #tpu.memory_space<semaphore_mem>>
        %dma_start3A_291 = tpu.memref_squeeze %dma_start3A_290 : memref<1x!tpu.dma_semaphore, #tpu.memory_space<semaphore_mem>> -> memref<!tpu.dma_semaphore, #tpu.memory_space<semaphore_mem>>
        %dma_start3A_292 = arith.constant 0 : i32
        %dma_start3A_293 = tpu.memref_slice %arg9[%rem3A_268, %dma_start3A_292] : memref<3x128xi32, #tpu.memory_space<vmem>> -> memref<1x128xi32, #tpu.memory_space<vmem>>
        %dma_start3A_294 = tpu.memref_squeeze %dma_start3A_293 : memref<1x128xi32, #tpu.memory_space<vmem>> -> memref<128xi32, #tpu.memory_space<vmem>>
        %dma_start3A_295 = tpu.memref_slice %arg4[%mul3A_285] : memref<327680xi32, #tpu.memory_space<hbm>> -> memref<128xi32, #tpu.memory_space<hbm>>
        tpu.enqueue_dma source(%dma_start3A_295 : memref<128xi32, #tpu.memory_space<hbm>>) target(%dma_start3A_294 : memref<128xi32, #tpu.memory_space<vmem>>) target_semaphore(%dma_start3A_291 : memref<!tpu.dma_semaphore, #tpu.memory_space<semaphore_mem>>)
        %dma_start3A_296 = arith.constant 0 : i32
        %dma_start3A_297 = tpu.memref_slice %arg10[%rem3A_268, %dma_start3A_296] : memref<3x2048xf32, #tpu.memory_space<vmem>> -> memref<1x2048xf32, #tpu.memory_space<vmem>>
        %dma_start3A_298 = tpu.memref_squeeze %dma_start3A_297 : memref<1x2048xf32, #tpu.memory_space<vmem>> -> memref<2048xf32, #tpu.memory_space<vmem>>
        %dma_start3A_299 = arith.constant 0 : i32
        %dma_start3A_300 = tpu.memref_slice %arg5[%add3A_271, %dma_start3A_299] : memref<2560x2048xf32, #tpu.memory_space<hbm>> -> memref<1x2048xf32, #tpu.memory_space<hbm>>
        %dma_start3A_301 = tpu.memref_squeeze %dma_start3A_300 : memref<1x2048xf32, #tpu.memory_space<hbm>> -> memref<2048xf32, #tpu.memory_space<hbm>>
        %dma_start3A_302 = tpu.memref_slice %arg14[%rem3A_268] : memref<3x!tpu.dma_semaphore, #tpu.memory_space<semaphore_mem>> -> memref<1x!tpu.dma_semaphore, #tpu.memory_space<semaphore_mem>>
        %dma_start3A_303 = tpu.memref_squeeze %dma_start3A_302 : memref<1x!tpu.dma_semaphore, #tpu.memory_space<semaphore_mem>> -> memref<!tpu.dma_semaphore, #tpu.memory_space<semaphore_mem>>
        %dma_start3A_304 = arith.constant 0 : i32
        %dma_start3A_305 = tpu.memref_slice %arg10[%rem3A_268, %dma_start3A_304] : memref<3x2048xf32, #tpu.memory_space<vmem>> -> memref<1x2048xf32, #tpu.memory_space<vmem>>
        %dma_start3A_306 = tpu.memref_squeeze %dma_start3A_305 : memref<1x2048xf32, #tpu.memory_space<vmem>> -> memref<2048xf32, #tpu.memory_space<vmem>>
        %dma_start3A_307 = arith.constant 0 : i32
        %dma_start3A_308 = tpu.memref_slice %arg5[%add3A_271, %dma_start3A_307] : memref<2560x2048xf32, #tpu.memory_space<hbm>> -> memref<1x2048xf32, #tpu.memory_space<hbm>>
        %dma_start3A_309 = tpu.memref_squeeze %dma_start3A_308 : memref<1x2048xf32, #tpu.memory_space<hbm>> -> memref<2048xf32, #tpu.memory_space<hbm>>
        tpu.enqueue_dma source(%dma_start3A_309 : memref<2048xf32, #tpu.memory_space<hbm>>) target(%dma_start3A_306 : memref<2048xf32, #tpu.memory_space<vmem>>) target_semaphore(%dma_start3A_303 : memref<!tpu.dma_semaphore, #tpu.memory_space<semaphore_mem>>)
      } else {
      }
      %dma_wait3A_233 = arith.constant 0 : i32
      %dma_wait3A_234 = arith.constant 0 : i32
      %dma_wait3A_235 = tpu.memref_slice %arg11[%rem3A_207, %dma_wait3A_233, %dma_wait3A_234] : memref<2x128x128xf32, #tpu.memory_space<vmem>> -> memref<1x128x128xf32, #tpu.memory_space<vmem>>
      %dma_wait3A_236 = tpu.memref_squeeze %dma_wait3A_235 : memref<1x128x128xf32, #tpu.memory_space<vmem>> -> memref<128x128xf32, #tpu.memory_space<vmem>>
      %dma_wait3A_237 = arith.constant 0 : i32
      %dma_wait3A_238 = arith.constant 0 : i32
      %dma_wait3A_239 = tpu.memref_slice %arg2[%dma_wait3A_237, %dma_wait3A_238] : memref<10000x128xf32, #tpu.memory_space<hbm>> -> memref<128x128xf32, #tpu.memory_space<hbm>>
      %dma_wait3A_240 = tpu.memref_slice %arg13[%rem3A_207] : memref<2x!tpu.dma_semaphore, #tpu.memory_space<semaphore_mem>> -> memref<1x!tpu.dma_semaphore, #tpu.memory_space<semaphore_mem>>
      %dma_wait3A_241 = tpu.memref_squeeze %dma_wait3A_240 : memref<1x!tpu.dma_semaphore, #tpu.memory_space<semaphore_mem>> -> memref<!tpu.dma_semaphore, #tpu.memory_space<semaphore_mem>>
      %dma_wait3A_242 = arith.constant 0 : i32
      %dma_wait3A_243 = arith.constant 0 : i32
      %dma_wait3A_244 = tpu.memref_slice %arg11[%rem3A_207, %dma_wait3A_242, %dma_wait3A_243] : memref<2x128x128xf32, #tpu.memory_space<vmem>> -> memref<1x128x128xf32, #tpu.memory_space<vmem>>
      %dma_wait3A_245 = tpu.memref_squeeze %dma_wait3A_244 : memref<1x128x128xf32, #tpu.memory_space<vmem>> -> memref<128x128xf32, #tpu.memory_space<vmem>>
      %dma_wait3A_246 = arith.constant 0 : i32
      %dma_wait3A_247 = arith.constant 0 : i32
      %dma_wait3A_248 = tpu.memref_slice %arg2[%dma_wait3A_246, %dma_wait3A_247] : memref<10000x128xf32, #tpu.memory_space<hbm>> -> memref<128x128xf32, #tpu.memory_space<hbm>>
      tpu.wait_dma2 semaphore(%dma_wait3A_241 : memref<!tpu.dma_semaphore, #tpu.memory_space<semaphore_mem>>) src(%dma_wait3A_248 : memref<128x128xf32, #tpu.memory_space<hbm>>) dst(%dma_wait3A_245 : memref<128x128xf32, #tpu.memory_space<vmem>>)
      %parallel_loop3A = arith.constant 0 : i32
      %parallel_loop3A_249 = arith.constant 128 : i32
      %parallel_loop3A_250 = arith.constant 1 : i32
      scf.for %parallel_loop3A_263 = %parallel_loop3A to %parallel_loop3A_249 step %parallel_loop3A_250  : i32 {
        %parallel_loop3A_264 = arith.constant 16 : i32
        %parallel_loop3A_265 = arith.muli %parallel_loop3A_263, %parallel_loop3A_264 : i32
        %parallel_loop3A_266 = arith.index_cast %rem3A_213 : i32 to index
        %parallel_loop3A_267 = arith.index_cast %parallel_loop3A_265 : i32 to index
        %parallel_loop3A_268 = tpu.vector_load %arg10[%parallel_loop3A_266, %parallel_loop3A_267] {strides = array<i32>} : memref<3x2048xf32, #tpu.memory_space<vmem>>, vector<1x16xf32>,
        %parallel_loop3A_269 = vector.shape_cast %parallel_loop3A_268 : vector<1x16xf32> to vector<16xf32>
        %parallel_loop3A_270 = arith.index_cast %rem3A_207 : i32 to index
        %parallel_loop3A_271 = arith.index_cast %parallel_loop3A_263 : i32 to index
        %parallel_loop3A_272 = arith.constant 0 : index
        %parallel_loop3A_273 = tpu.vector_load %arg11[%parallel_loop3A_270, %parallel_loop3A_271, %parallel_loop3A_272] {strides = array<i32>} : memref<2x128x128xf32, #tpu.memory_space<vmem>>, vector<1x1x16xf32>,
        %parallel_loop3A_274 = vector.shape_cast %parallel_loop3A_273 : vector<1x1x16xf32> to vector<16xf32>
        %parallel_loop3A_275 = arith.mulf %parallel_loop3A_274, %parallel_loop3A_269 : vector<16xf32>
        %parallel_loop3A_276 = arith.index_cast %rem3A_207 : i32 to index
        %parallel_loop3A_277 = arith.index_cast %parallel_loop3A_263 : i32 to index
        %parallel_loop3A_278 = arith.constant 0 : index
        %parallel_loop3A_279 = tpu.vector_load %arg11[%parallel_loop3A_276, %parallel_loop3A_277, %parallel_loop3A_278] {strides = array<i32>} : memref<2x128x128xf32, #tpu.memory_space<vmem>>, vector<1x1x16xf32>,
        %parallel_loop3A_280 = vector.shape_cast %parallel_loop3A_279 : vector<1x1x16xf32> to vector<16xf32>
        %parallel_loop3A_281 = vector.shape_cast %parallel_loop3A_275 : vector<16xf32> to vector<1x1x16xf32>
        tpu.vector_store %arg11[%parallel_loop3A_276, %parallel_loop3A_277, %parallel_loop3A_278], %parallel_loop3A_281 {strides = array<i32>} : memref<2x128x128xf32, #tpu.memory_space<vmem>>, vector<1x1x16xf32>,
        %parallel_loop3A_282 = arith.index_cast %rem3A_207 : i32 to index
        %parallel_loop3A_283 = arith.index_cast %parallel_loop3A_263 : i32 to index
        %parallel_loop3A_284 = arith.constant 16 : index
        %parallel_loop3A_285 = tpu.vector_load %arg11[%parallel_loop3A_282, %parallel_loop3A_283, %parallel_loop3A_284] {strides = array<i32>} : memref<2x128x128xf32, #tpu.memory_space<vmem>>, vector<1x1x16xf32>,
        %parallel_loop3A_286 = vector.shape_cast %parallel_loop3A_285 : vector<1x1x16xf32> to vector<16xf32>
        %parallel_loop3A_287 = arith.mulf %parallel_loop3A_286, %parallel_loop3A_269 : vector<16xf32>
        %parallel_loop3A_288 = arith.index_cast %rem3A_207 : i32 to index
        %parallel_loop3A_289 = arith.index_cast %parallel_loop3A_263 : i32 to index
        %parallel_loop3A_290 = arith.constant 16 : index
        %parallel_loop3A_291 = tpu.vector_load %arg11[%parallel_loop3A_288, %parallel_loop3A_289, %parallel_loop3A_290] {strides = array<i32>} : memref<2x128x128xf32, #tpu.memory_space<vmem>>, vector<1x1x16xf32>,
        %parallel_loop3A_292 = vector.shape_cast %parallel_loop3A_291 : vector<1x1x16xf32> to vector<16xf32>
        %parallel_loop3A_293 = vector.shape_cast %parallel_loop3A_287 : vector<16xf32> to vector<1x1x16xf32>
        tpu.vector_store %arg11[%parallel_loop3A_288, %parallel_loop3A_289, %parallel_loop3A_290], %parallel_loop3A_293 {strides = array<i32>} : memref<2x128x128xf32, #tpu.memory_space<vmem>>, vector<1x1x16xf32>,
        %parallel_loop3A_294 = arith.index_cast %rem3A_207 : i32 to index
        %parallel_loop3A_295 = arith.index_cast %parallel_loop3A_263 : i32 to index
        %parallel_loop3A_296 = arith.constant 32 : index
        %parallel_loop3A_297 = tpu.vector_load %arg11[%parallel_loop3A_294, %parallel_loop3A_295, %parallel_loop3A_296] {strides = array<i32>} : memref<2x128x128xf32, #tpu.memory_space<vmem>>, vector<1x1x16xf32>,
        %parallel_loop3A_298 = vector.shape_cast %parallel_loop3A_297 : vector<1x1x16xf32> to vector<16xf32>
        %parallel_loop3A_299 = arith.mulf %parallel_loop3A_298, %parallel_loop3A_269 : vector<16xf32>
        %parallel_loop3A_300 = arith.index_cast %rem3A_207 : i32 to index
        %parallel_loop3A_301 = arith.index_cast %parallel_loop3A_263 : i32 to index
        %parallel_loop3A_302 = arith.constant 32 : index
        %parallel_loop3A_303 = tpu.vector_load %arg11[%parallel_loop3A_300, %parallel_loop3A_301, %parallel_loop3A_302] {strides = array<i32>} : memref<2x128x128xf32, #tpu.memory_space<vmem>>, vector<1x1x16xf32>,
        %parallel_loop3A_304 = vector.shape_cast %parallel_loop3A_303 : vector<1x1x16xf32> to vector<16xf32>
        %parallel_loop3A_305 = vector.shape_cast %parallel_loop3A_299 : vector<16xf32> to vector<1x1x16xf32>
        tpu.vector_store %arg11[%parallel_loop3A_300, %parallel_loop3A_301, %parallel_loop3A_302], %parallel_loop3A_305 {strides = array<i32>} : memref<2x128x128xf32, #tpu.memory_space<vmem>>, vector<1x1x16xf32>,
        %parallel_loop3A_306 = arith.index_cast %rem3A_207 : i32 to index
        %parallel_loop3A_307 = arith.index_cast %parallel_loop3A_263 : i32 to index
        %parallel_loop3A_308 = arith.constant 48 : index
        %parallel_loop3A_309 = tpu.vector_load %arg11[%parallel_loop3A_306, %parallel_loop3A_307, %parallel_loop3A_308] {strides = array<i32>} : memref<2x128x128xf32, #tpu.memory_space<vmem>>, vector<1x1x16xf32>,
        %parallel_loop3A_310 = vector.shape_cast %parallel_loop3A_309 : vector<1x1x16xf32> to vector<16xf32>
        %parallel_loop3A_311 = arith.mulf %parallel_loop3A_310, %parallel_loop3A_269 : vector<16xf32>
        %parallel_loop3A_312 = arith.index_cast %rem3A_207 : i32 to index
        %parallel_loop3A_313 = arith.index_cast %parallel_loop3A_263 : i32 to index
        %parallel_loop3A_314 = arith.constant 48 : index
        %parallel_loop3A_315 = tpu.vector_load %arg11[%parallel_loop3A_312, %parallel_loop3A_313, %parallel_loop3A_314] {strides = array<i32>} : memref<2x128x128xf32, #tpu.memory_space<vmem>>, vector<1x1x16xf32>,
        %parallel_loop3A_316 = vector.shape_cast %parallel_loop3A_315 : vector<1x1x16xf32> to vector<16xf32>
        %parallel_loop3A_317 = vector.shape_cast %parallel_loop3A_311 : vector<16xf32> to vector<1x1x16xf32>
        tpu.vector_store %arg11[%parallel_loop3A_312, %parallel_loop3A_313, %parallel_loop3A_314], %parallel_loop3A_317 {strides = array<i32>} : memref<2x128x128xf32, #tpu.memory_space<vmem>>, vector<1x1x16xf32>,
        %parallel_loop3A_318 = arith.index_cast %rem3A_207 : i32 to index
        %parallel_loop3A_319 = arith.index_cast %parallel_loop3A_263 : i32 to index
        %parallel_loop3A_320 = arith.constant 64 : index
        %parallel_loop3A_321 = tpu.vector_load %arg11[%parallel_loop3A_318, %parallel_loop3A_319, %parallel_loop3A_320] {strides = array<i32>} : memref<2x128x128xf32, #tpu.memory_space<vmem>>, vector<1x1x16xf32>,
        %parallel_loop3A_322 = vector.shape_cast %parallel_loop3A_321 : vector<1x1x16xf32> to vector<16xf32>
        %parallel_loop3A_323 = arith.mulf %parallel_loop3A_322, %parallel_loop3A_269 : vector<16xf32>
        %parallel_loop3A_324 = arith.index_cast %rem3A_207 : i32 to index
        %parallel_loop3A_325 = arith.index_cast %parallel_loop3A_263 : i32 to index
        %parallel_loop3A_326 = arith.constant 64 : index
        %parallel_loop3A_327 = tpu.vector_load %arg11[%parallel_loop3A_324, %parallel_loop3A_325, %parallel_loop3A_326] {strides = array<i32>} : memref<2x128x128xf32, #tpu.memory_space<vmem>>, vector<1x1x16xf32>,
        %parallel_loop3A_328 = vector.shape_cast %parallel_loop3A_327 : vector<1x1x16xf32> to vector<16xf32>
        %parallel_loop3A_329 = vector.shape_cast %parallel_loop3A_323 : vector<16xf32> to vector<1x1x16xf32>
        tpu.vector_store %arg11[%parallel_loop3A_324, %parallel_loop3A_325, %parallel_loop3A_326], %parallel_loop3A_329 {strides = array<i32>} : memref<2x128x128xf32, #tpu.memory_space<vmem>>, vector<1x1x16xf32>,
        %parallel_loop3A_330 = arith.index_cast %rem3A_207 : i32 to index
        %parallel_loop3A_331 = arith.index_cast %parallel_loop3A_263 : i32 to index
        %parallel_loop3A_332 = arith.constant 80 : index
        %parallel_loop3A_333 = tpu.vector_load %arg11[%parallel_loop3A_330, %parallel_loop3A_331, %parallel_loop3A_332] {strides = array<i32>} : memref<2x128x128xf32, #tpu.memory_space<vmem>>, vector<1x1x16xf32>,
        %parallel_loop3A_334 = vector.shape_cast %parallel_loop3A_333 : vector<1x1x16xf32> to vector<16xf32>
        %parallel_loop3A_335 = arith.mulf %parallel_loop3A_334, %parallel_loop3A_269 : vector<16xf32>
        %parallel_loop3A_336 = arith.index_cast %rem3A_207 : i32 to index
        %parallel_loop3A_337 = arith.index_cast %parallel_loop3A_263 : i32 to index
        %parallel_loop3A_338 = arith.constant 80 : index
        %parallel_loop3A_339 = tpu.vector_load %arg11[%parallel_loop3A_336, %parallel_loop3A_337, %parallel_loop3A_338] {strides = array<i32>} : memref<2x128x128xf32, #tpu.memory_space<vmem>>, vector<1x1x16xf32>,
        %parallel_loop3A_340 = vector.shape_cast %parallel_loop3A_339 : vector<1x1x16xf32> to vector<16xf32>
        %parallel_loop3A_341 = vector.shape_cast %parallel_loop3A_335 : vector<16xf32> to vector<1x1x16xf32>
        tpu.vector_store %arg11[%parallel_loop3A_336, %parallel_loop3A_337, %parallel_loop3A_338], %parallel_loop3A_341 {strides = array<i32>} : memref<2x128x128xf32, #tpu.memory_space<vmem>>, vector<1x1x16xf32>,
        %parallel_loop3A_342 = arith.index_cast %rem3A_207 : i32 to index
        %parallel_loop3A_343 = arith.index_cast %parallel_loop3A_263 : i32 to index
        %parallel_loop3A_344 = arith.constant 96 : index
        %parallel_loop3A_345 = tpu.vector_load %arg11[%parallel_loop3A_342, %parallel_loop3A_343, %parallel_loop3A_344] {strides = array<i32>} : memref<2x128x128xf32, #tpu.memory_space<vmem>>, vector<1x1x16xf32>,
        %parallel_loop3A_346 = vector.shape_cast %parallel_loop3A_345 : vector<1x1x16xf32> to vector<16xf32>
        %parallel_loop3A_347 = arith.mulf %parallel_loop3A_346, %parallel_loop3A_269 : vector<16xf32>
        %parallel_loop3A_348 = arith.index_cast %rem3A_207 : i32 to index
        %parallel_loop3A_349 = arith.index_cast %parallel_loop3A_263 : i32 to index
        %parallel_loop3A_350 = arith.constant 96 : index
        %parallel_loop3A_351 = tpu.vector_load %arg11[%parallel_loop3A_348, %parallel_loop3A_349, %parallel_loop3A_350] {strides = array<i32>} : memref<2x128x128xf32, #tpu.memory_space<vmem>>, vector<1x1x16xf32>,
        %parallel_loop3A_352 = vector.shape_cast %parallel_loop3A_351 : vector<1x1x16xf32> to vector<16xf32>
        %parallel_loop3A_353 = vector.shape_cast %parallel_loop3A_347 : vector<16xf32> to vector<1x1x16xf32>
        tpu.vector_store %arg11[%parallel_loop3A_348, %parallel_loop3A_349, %parallel_loop3A_350], %parallel_loop3A_353 {strides = array<i32>} : memref<2x128x128xf32, #tpu.memory_space<vmem>>, vector<1x1x16xf32>,
        %parallel_loop3A_354 = arith.index_cast %rem3A_207 : i32 to index
        %parallel_loop3A_355 = arith.index_cast %parallel_loop3A_263 : i32 to index
        %parallel_loop3A_356 = arith.constant 112 : index
        %parallel_loop3A_357 = tpu.vector_load %arg11[%parallel_loop3A_354, %parallel_loop3A_355, %parallel_loop3A_356] {strides = array<i32>} : memref<2x128x128xf32, #tpu.memory_space<vmem>>, vector<1x1x16xf32>,
        %parallel_loop3A_358 = vector.shape_cast %parallel_loop3A_357 : vector<1x1x16xf32> to vector<16xf32>
        %parallel_loop3A_359 = arith.mulf %parallel_loop3A_358, %parallel_loop3A_269 : vector<16xf32>
        %parallel_loop3A_360 = arith.index_cast %rem3A_207 : i32 to index
        %parallel_loop3A_361 = arith.index_cast %parallel_loop3A_263 : i32 to index
        %parallel_loop3A_362 = arith.constant 112 : index
        %parallel_loop3A_363 = tpu.vector_load %arg11[%parallel_loop3A_360, %parallel_loop3A_361, %parallel_loop3A_362] {strides = array<i32>} : memref<2x128x128xf32, #tpu.memory_space<vmem>>, vector<1x1x16xf32>,
        %parallel_loop3A_364 = vector.shape_cast %parallel_loop3A_363 : vector<1x1x16xf32> to vector<16xf32>
        %parallel_loop3A_365 = vector.shape_cast %parallel_loop3A_359 : vector<16xf32> to vector<1x1x16xf32>
        tpu.vector_store %arg11[%parallel_loop3A_360, %parallel_loop3A_361, %parallel_loop3A_362], %parallel_loop3A_365 {strides = array<i32>} : memref<2x128x128xf32, #tpu.memory_space<vmem>>, vector<1x1x16xf32>,
      } {sc.loop_unroll_factor = 8 : i64, sc.parallel_access}
      %dma_start3A_251 = arith.constant 0 : i32
      %dma_start3A_252 = arith.constant 0 : i32
      %dma_start3A_253 = tpu.memref_slice %arg11[%rem3A_207, %dma_start3A_251, %dma_start3A_252] : memref<2x128x128xf32, #tpu.memory_space<vmem>> -> memref<1x128x128xf32, #tpu.memory_space<vmem>>
      %dma_start3A_254 = tpu.memref_squeeze %dma_start3A_253 : memref<1x128x128xf32, #tpu.memory_space<vmem>> -> memref<128x128xf32, #tpu.memory_space<vmem>>
      %dma_start3A_255 = arith.constant 0 : i32
      %dma_start3A_256 = tpu.memref_slice %arg8[%rem3A_213, %dma_start3A_255] : memref<3x128xi32, #tpu.memory_space<vmem>> -> memref<1x128xi32, #tpu.memory_space<vmem>>
      %dma_start3A_257 = tpu.memref_squeeze %dma_start3A_256 : memref<1x128xi32, #tpu.memory_space<vmem>> -> memref<128xi32, #tpu.memory_space<vmem>>
      %dma_start3A_258 = arith.constant 0 : i32
      %dma_start3A_259 = arith.constant 0 : i32
      %dma_start3A_260 = tpu.memref_slice %arg12[%dma_start3A_258, %dma_start3A_259] : memref<10240x128xf32, #tpu.memory_space<vmem_shared>> -> memref<10240x128xf32, #tpu.memory_space<vmem_shared>>
      %dma_start3A_261 = tpu.memref_slice %arg15[%rem3A_207] : memref<2x!tpu.dma_semaphore, #tpu.memory_space<semaphore_mem>> -> memref<1x!tpu.dma_semaphore, #tpu.memory_space<semaphore_mem>>
      %dma_start3A_262 = tpu.memref_squeeze %dma_start3A_261 : memref<1x!tpu.dma_semaphore, #tpu.memory_space<semaphore_mem>> -> memref<!tpu.dma_semaphore, #tpu.memory_space<semaphore_mem>>
      tpu.enqueue_indirect_dma source(%dma_start3A_254 : memref<128x128xf32, #tpu.memory_space<vmem>>) target(%dma_start3A_260 : memref<10240x128xf32, #tpu.memory_space<vmem_shared>>) offsets(%dma_start3A_257 : memref<128xi32, #tpu.memory_space<vmem>>) semaphore(%dma_start3A_262 : memref<!tpu.dma_semaphore, #tpu.memory_space<semaphore_mem>>) {add = true}
    }
    %scan3A_184 = arith.constant 80 : i32
    %rem3A = arith.constant 79 : i32
    %rem3A_185 = arith.constant 2 : i32
    %rem3A_186 = arith.remsi %rem3A, %rem3A_185 : i32
    %dma_wait3A_187 = arith.constant 0 : i32
    %dma_wait3A_188 = arith.constant 0 : i32
    %dma_wait3A_189 = arith.constant 0 : i32
    %dma_wait3A_190 = tpu.memref_slice %arg11[%rem3A_186, %dma_wait3A_188, %dma_wait3A_189] : memref<2x128x128xf32, #tpu.memory_space<vmem>> -> memref<1x128x128xf32, #tpu.memory_space<vmem>>
    %dma_wait3A_191 = tpu.memref_squeeze %dma_wait3A_190 : memref<1x128x128xf32, #tpu.memory_space<vmem>> -> memref<128x128xf32, #tpu.memory_space<vmem>>
    %dma_wait3A_192 = arith.constant 0 : i32
    %dma_wait3A_193 = tpu.memref_slice %arg8[%dma_wait3A_187, %dma_wait3A_192] : memref<3x128xi32, #tpu.memory_space<vmem>> -> memref<1x128xi32, #tpu.memory_space<vmem>>
    %dma_wait3A_194 = tpu.memref_squeeze %dma_wait3A_193 : memref<1x128xi32, #tpu.memory_space<vmem>> -> memref<128xi32, #tpu.memory_space<vmem>>
    %dma_wait3A_195 = arith.constant 0 : i32
    %dma_wait3A_196 = arith.constant 0 : i32
    %dma_wait3A_197 = tpu.memref_slice %arg12[%dma_wait3A_195, %dma_wait3A_196] : memref<10240x128xf32, #tpu.memory_space<vmem_shared>> -> memref<10240x128xf32, #tpu.memory_space<vmem_shared>>
    %dma_wait3A_198 = tpu.memref_slice %arg15[%rem3A_186] : memref<2x!tpu.dma_semaphore, #tpu.memory_space<semaphore_mem>> -> memref<1x!tpu.dma_semaphore, #tpu.memory_space<semaphore_mem>>
    %dma_wait3A_199 = tpu.memref_squeeze %dma_wait3A_198 : memref<1x!tpu.dma_semaphore, #tpu.memory_space<semaphore_mem>> -> memref<!tpu.dma_semaphore, #tpu.memory_space<semaphore_mem>>
    tpu.wait_indirect_dma semaphore(%dma_wait3A_199 : memref<!tpu.dma_semaphore, #tpu.memory_space<semaphore_mem>>) src(%dma_wait3A_191 : memref<128x128xf32, #tpu.memory_space<vmem>>) dst(%dma_wait3A_197 : memref<10240x128xf32, #tpu.memory_space<vmem_shared>>)
    %barrier3A_200 = arith.constant 0 : index
    tpu.barrier barrier_id(%barrier3A_200)
    %mul3A_201 = arith.constant 640 : i32
    %mul3A_202 = arith.muli %arg1, %mul3A_201 : i32
    %mul3A_203 = arith.constant 640 : i32
    %mul3A_204 = arith.muli %arg1, %mul3A_203 : i32
    "tpu.region"() ({
      %run_scoped3A_205 = tpu.sem_alloc : memref<!tpu.dma_semaphore, #tpu.memory_space<semaphore_mem>>
      %dma_start3A_206 = arith.constant 0 : i32
      %dma_start3A_207 = arith.constant 0 : i32
      %dma_start3A_208 = tpu.memref_slice %arg7[%arg0, %dma_start3A_206, %dma_start3A_207] : memref<2x10240x128xf32, #tpu.memory_space<hbm>> -> memref<1x10240x128xf32, #tpu.memory_space<hbm>>
      %dma_start3A_209 = tpu.memref_squeeze %dma_start3A_208 : memref<1x10240x128xf32, #tpu.memory_space<hbm>> -> memref<10240x128xf32, #tpu.memory_space<hbm>>
      %dma_start3A_210 = arith.constant 0 : i32
      %dma_start3A_211 = tpu.memref_slice %dma_start3A_209[%mul3A_204, %dma_start3A_210] : memref<10240x128xf32, #tpu.memory_space<hbm>> -> memref<640x128xf32, #tpu.memory_space<hbm>>
      %dma_start3A_212 = arith.constant 0 : i32
      %dma_start3A_213 = tpu.memref_slice %arg12[%mul3A_202, %dma_start3A_212] : memref<10240x128xf32, #tpu.memory_space<vmem_shared>> -> memref<640x128xf32, #tpu.memory_space<vmem_shared>>
      tpu.enqueue_dma source(%dma_start3A_213 : memref<640x128xf32, #tpu.memory_space<vmem_shared>>) target(%dma_start3A_211 : memref<640x128xf32, #tpu.memory_space<hbm>>) target_semaphore(%run_scoped3A_205 : memref<!tpu.dma_semaphore, #tpu.memory_space<semaphore_mem>>)
      %dma_wait3A_214 = arith.constant 0 : i32
      %dma_wait3A_215 = arith.constant 0 : i32
      %dma_wait3A_216 = tpu.memref_slice %arg7[%arg0, %dma_wait3A_214, %dma_wait3A_215] : memref<2x10240x128xf32, #tpu.memory_space<hbm>> -> memref<1x10240x128xf32, #tpu.memory_space<hbm>>
      %dma_wait3A_217 = tpu.memref_squeeze %dma_wait3A_216 : memref<1x10240x128xf32, #tpu.memory_space<hbm>> -> memref<10240x128xf32, #tpu.memory_space<hbm>>
      %dma_wait3A_218 = arith.constant 0 : i32
      %dma_wait3A_219 = tpu.memref_slice %dma_wait3A_217[%mul3A_204, %dma_wait3A_218] : memref<10240x128xf32, #tpu.memory_space<hbm>> -> memref<640x128xf32, #tpu.memory_space<hbm>>
      %dma_wait3A_220 = arith.constant 0 : i32
      %dma_wait3A_221 = tpu.memref_slice %arg12[%mul3A_202, %dma_wait3A_220] : memref<10240x128xf32, #tpu.memory_space<vmem_shared>> -> memref<640x128xf32, #tpu.memory_space<vmem_shared>>
      tpu.wait_dma2 semaphore(%run_scoped3A_205 : memref<!tpu.dma_semaphore, #tpu.memory_space<semaphore_mem>>) src(%dma_wait3A_221 : memref<640x128xf32, #tpu.memory_space<vmem_shared>>) dst(%dma_wait3A_219 : memref<640x128xf32, #tpu.memory_space<hbm>>)
      tpu.yield
    }) : () -> ()
    return
  }
}

#map = affine_map<(d0, d1) -> (0, 0)>
#map1 = affine_map<(d0, d1) -> (0)>
#map2 = affine_map<(d0, d1) -> (0, 0, 0)>
module attributes {stable_mosaic.version = 14 : i64} {
  func.func @hop_body(%arg0: i32, %arg1: i32, %arg2: memref<10000x128xf32, #tpu.memory_space<hbm>>, %arg3: memref<327680xi32, #tpu.memory_space<hbm>>, %arg4: memref<327680xi32, #tpu.memory_space<hbm>>, %arg5: memref<2560x2048xf32, #tpu.memory_space<hbm>>, %arg6: memref<128x128xf32, #tpu.memory_space<hbm>>, %arg7: memref<2x10240x128xf32, #tpu.memory_space<hbm>>, %arg8: memref<3x128xi32, #tpu.memory_space<vmem>>, %arg9: memref<3x128xi32, #tpu.memory_space<vmem>>, %arg10: memref<3x2048xf32, #tpu.memory_space<vmem>>, %arg11: memref<2x128x128xf32, #tpu.memory_space<vmem>>, %arg12: memref<10240x128xf32, #tpu.memory_space<vmem_shared>>, %arg13: memref<2x!tpu.dma_semaphore, #tpu.memory_space<semaphore_mem>>, %arg14: memref<3x!tpu.dma_semaphore, #tpu.memory_space<semaphore_mem>>, %arg15: memref<2x!tpu.dma_semaphore, #tpu.memory_space<semaphore_mem>>) attributes {dimension_semantics = [#tpu.dimension_semantics<core_parallel>, #tpu.dimension_semantics<subcore_parallel>], iteration_bounds = array<i64: 2, 16>, scalar_prefetch = 0 : i64, scratch_operands = 8 : i64, tpu.core_type = #tpu.core_type<sc_vector_subcore>, window_params = [{transform_indices = #map}, {transform_indices = #map1}, {transform_indices = #map1}, {transform_indices = #map}, {transform_indices = #map}, {transform_indices = #map2}]} {
    %mul3A = arith.constant 16 : i32
    %mul3A_0 = arith.muli %arg0, %mul3A : i32
    %add3A = arith.addi %mul3A_0, %arg1 : i32
    %mul3A_1 = arith.constant 80 : i32
    %mul3A_2 = arith.muli %add3A, %mul3A_1 : i32
    %add3A_3 = arith.constant 0 : i32
    %add3A_4 = arith.addi %mul3A_2, %add3A_3 : i32
    %mul3A_5 = arith.constant 128 : i32
    %mul3A_6 = arith.muli %add3A_4, %mul3A_5 : i32
    %dma_start3A = arith.constant 0 : i32
    %dma_start3A_7 = arith.constant 0 : i32
    %dma_start3A_8 = arith.constant 0 : i32
    %dma_start3A_9 = tpu.memref_slice %arg8[%dma_start3A, %dma_start3A_8] : memref<3x128xi32, #tpu.memory_space<vmem>> -> memref<1x128xi32, #tpu.memory_space<vmem>>
    %dma_start3A_10 = tpu.memref_squeeze %dma_start3A_9 : memref<1x128xi32, #tpu.memory_space<vmem>> -> memref<128xi32, #tpu.memory_space<vmem>>
    %dma_start3A_11 = tpu.memref_slice %arg3[%mul3A_6] : memref<327680xi32, #tpu.memory_space<hbm>> -> memref<128xi32, #tpu.memory_space<hbm>>
    %dma_start3A_12 = tpu.memref_slice %arg14[%dma_start3A_7] : memref<3x!tpu.dma_semaphore, #tpu.memory_space<semaphore_mem>> -> memref<1x!tpu.dma_semaphore, #tpu.memory_space<semaphore_mem>>
    %dma_start3A_13 = tpu.memref_squeeze %dma_start3A_12 : memref<1x!tpu.dma_semaphore, #tpu.memory_space<semaphore_mem>> -> memref<!tpu.dma_semaphore, #tpu.memory_space<semaphore_mem>>
    %dma_start3A_14 = arith.constant 0 : i32
    %dma_start3A_15 = tpu.memref_slice %arg8[%dma_start3A, %dma_start3A_14] : memref<3x128xi32, #tpu.memory_space<vmem>> -> memref<1x128xi32, #tpu.memory_space<vmem>>
    %dma_start3A_16 = tpu.memref_squeeze %dma_start3A_15 : memref<1x128xi32, #tpu.memory_space<vmem>> -> memref<128xi32, #tpu.memory_space<vmem>>
    %dma_start3A_17 = tpu.memref_slice %arg3[%mul3A_6] : memref<327680xi32, #tpu.memory_space<hbm>> -> memref<128xi32, #tpu.memory_space<hbm>>
    tpu.enqueue_dma source(%dma_start3A_17 : memref<128xi32, #tpu.memory_space<hbm>>) target(%dma_start3A_16 : memref<128xi32, #tpu.memory_space<vmem>>) target_semaphore(%dma_start3A_13 : memref<!tpu.dma_semaphore, #tpu.memory_space<semaphore_mem>>)
    %mul3A_18 = arith.constant 128 : i32
    %mul3A_19 = arith.muli %add3A_4, %mul3A_18 : i32
    %dma_start3A_20 = arith.constant 0 : i32
    %dma_start3A_21 = arith.constant 0 : i32
    %dma_start3A_22 = arith.constant 0 : i32
    %dma_start3A_23 = tpu.memref_slice %arg9[%dma_start3A_20, %dma_start3A_22] : memref<3x128xi32, #tpu.memory_space<vmem>> -> memref<1x128xi32, #tpu.memory_space<vmem>>
    %dma_start3A_24 = tpu.memref_squeeze %dma_start3A_23 : memref<1x128xi32, #tpu.memory_space<vmem>> -> memref<128xi32, #tpu.memory_space<vmem>>
    %dma_start3A_25 = tpu.memref_slice %arg4[%mul3A_19] : memref<327680xi32, #tpu.memory_space<hbm>> -> memref<128xi32, #tpu.memory_space<hbm>>
    %dma_start3A_26 = tpu.memref_slice %arg14[%dma_start3A_21] : memref<3x!tpu.dma_semaphore, #tpu.memory_space<semaphore_mem>> -> memref<1x!tpu.dma_semaphore, #tpu.memory_space<semaphore_mem>>
    %dma_start3A_27 = tpu.memref_squeeze %dma_start3A_26 : memref<1x!tpu.dma_semaphore, #tpu.memory_space<semaphore_mem>> -> memref<!tpu.dma_semaphore, #tpu.memory_space<semaphore_mem>>
    %dma_start3A_28 = arith.constant 0 : i32
    %dma_start3A_29 = tpu.memref_slice %arg9[%dma_start3A_20, %dma_start3A_28] : memref<3x128xi32, #tpu.memory_space<vmem>> -> memref<1x128xi32, #tpu.memory_space<vmem>>
    %dma_start3A_30 = tpu.memref_squeeze %dma_start3A_29 : memref<1x128xi32, #tpu.memory_space<vmem>> -> memref<128xi32, #tpu.memory_space<vmem>>
    %dma_start3A_31 = tpu.memref_slice %arg4[%mul3A_19] : memref<327680xi32, #tpu.memory_space<hbm>> -> memref<128xi32, #tpu.memory_space<hbm>>
    tpu.enqueue_dma source(%dma_start3A_31 : memref<128xi32, #tpu.memory_space<hbm>>) target(%dma_start3A_30 : memref<128xi32, #tpu.memory_space<vmem>>) target_semaphore(%dma_start3A_27 : memref<!tpu.dma_semaphore, #tpu.memory_space<semaphore_mem>>)
    %dma_start3A_32 = arith.constant 0 : i32
    %dma_start3A_33 = arith.constant 0 : i32
    %dma_start3A_34 = arith.constant 0 : i32
    %dma_start3A_35 = tpu.memref_slice %arg10[%dma_start3A_32, %dma_start3A_34] : memref<3x2048xf32, #tpu.memory_space<vmem>> -> memref<1x2048xf32, #tpu.memory_space<vmem>>
    %dma_start3A_36 = tpu.memref_squeeze %dma_start3A_35 : memref<1x2048xf32, #tpu.memory_space<vmem>> -> memref<2048xf32, #tpu.memory_space<vmem>>
    %dma_start3A_37 = arith.constant 0 : i32
    %dma_start3A_38 = tpu.memref_slice %arg5[%add3A_4, %dma_start3A_37] : memref<2560x2048xf32, #tpu.memory_space<hbm>> -> memref<1x2048xf32, #tpu.memory_space<hbm>>
    %dma_start3A_39 = tpu.memref_squeeze %dma_start3A_38 : memref<1x2048xf32, #tpu.memory_space<hbm>> -> memref<2048xf32, #tpu.memory_space<hbm>>
    %dma_start3A_40 = tpu.memref_slice %arg14[%dma_start3A_33] : memref<3x!tpu.dma_semaphore, #tpu.memory_space<semaphore_mem>> -> memref<1x!tpu.dma_semaphore, #tpu.memory_space<semaphore_mem>>
    %dma_start3A_41 = tpu.memref_squeeze %dma_start3A_40 : memref<1x!tpu.dma_semaphore, #tpu.memory_space<semaphore_mem>> -> memref<!tpu.dma_semaphore, #tpu.memory_space<semaphore_mem>>
    %dma_start3A_42 = arith.constant 0 : i32
    %dma_start3A_43 = tpu.memref_slice %arg10[%dma_start3A_32, %dma_start3A_42] : memref<3x2048xf32, #tpu.memory_space<vmem>> -> memref<1x2048xf32, #tpu.memory_space<vmem>>
    %dma_start3A_44 = tpu.memref_squeeze %dma_start3A_43 : memref<1x2048xf32, #tpu.memory_space<vmem>> -> memref<2048xf32, #tpu.memory_space<vmem>>
    %dma_start3A_45 = arith.constant 0 : i32
    %dma_start3A_46 = tpu.memref_slice %arg5[%add3A_4, %dma_start3A_45] : memref<2560x2048xf32, #tpu.memory_space<hbm>> -> memref<1x2048xf32, #tpu.memory_space<hbm>>
    %dma_start3A_47 = tpu.memref_squeeze %dma_start3A_46 : memref<1x2048xf32, #tpu.memory_space<hbm>> -> memref<2048xf32, #tpu.memory_space<hbm>>
    tpu.enqueue_dma source(%dma_start3A_47 : memref<2048xf32, #tpu.memory_space<hbm>>) target(%dma_start3A_44 : memref<2048xf32, #tpu.memory_space<vmem>>) target_semaphore(%dma_start3A_41 : memref<!tpu.dma_semaphore, #tpu.memory_space<semaphore_mem>>)
    %mul3A_48 = arith.constant 80 : i32
    %mul3A_49 = arith.muli %add3A, %mul3A_48 : i32
    %add3A_50 = arith.constant 1 : i32
    %add3A_51 = arith.addi %mul3A_49, %add3A_50 : i32
    %mul3A_52 = arith.constant 128 : i32
    %mul3A_53 = arith.muli %add3A_51, %mul3A_52 : i32
    %dma_start3A_54 = arith.constant 1 : i32
    %dma_start3A_55 = arith.constant 1 : i32
    %dma_start3A_56 = arith.constant 0 : i32
    %dma_start3A_57 = tpu.memref_slice %arg8[%dma_start3A_54, %dma_start3A_56] : memref<3x128xi32, #tpu.memory_space<vmem>> -> memref<1x128xi32, #tpu.memory_space<vmem>>
    %dma_start3A_58 = tpu.memref_squeeze %dma_start3A_57 : memref<1x128xi32, #tpu.memory_space<vmem>> -> memref<128xi32, #tpu.memory_space<vmem>>
    %dma_start3A_59 = tpu.memref_slice %arg3[%mul3A_53] : memref<327680xi32, #tpu.memory_space<hbm>> -> memref<128xi32, #tpu.memory_space<hbm>>
    %dma_start3A_60 = tpu.memref_slice %arg14[%dma_start3A_55] : memref<3x!tpu.dma_semaphore, #tpu.memory_space<semaphore_mem>> -> memref<1x!tpu.dma_semaphore, #tpu.memory_space<semaphore_mem>>
    %dma_start3A_61 = tpu.memref_squeeze %dma_start3A_60 : memref<1x!tpu.dma_semaphore, #tpu.memory_space<semaphore_mem>> -> memref<!tpu.dma_semaphore, #tpu.memory_space<semaphore_mem>>
    %dma_start3A_62 = arith.constant 0 : i32
    %dma_start3A_63 = tpu.memref_slice %arg8[%dma_start3A_54, %dma_start3A_62] : memref<3x128xi32, #tpu.memory_space<vmem>> -> memref<1x128xi32, #tpu.memory_space<vmem>>
    %dma_start3A_64 = tpu.memref_squeeze %dma_start3A_63 : memref<1x128xi32, #tpu.memory_space<vmem>> -> memref<128xi32, #tpu.memory_space<vmem>>
    %dma_start3A_65 = tpu.memref_slice %arg3[%mul3A_53] : memref<327680xi32, #tpu.memory_space<hbm>> -> memref<128xi32, #tpu.memory_space<hbm>>
    tpu.enqueue_dma source(%dma_start3A_65 : memref<128xi32, #tpu.memory_space<hbm>>) target(%dma_start3A_64 : memref<128xi32, #tpu.memory_space<vmem>>) target_semaphore(%dma_start3A_61 : memref<!tpu.dma_semaphore, #tpu.memory_space<semaphore_mem>>)
    %mul3A_66 = arith.constant 128 : i32
    %mul3A_67 = arith.muli %add3A_51, %mul3A_66 : i32
    %dma_start3A_68 = arith.constant 1 : i32
    %dma_start3A_69 = arith.constant 1 : i32
    %dma_start3A_70 = arith.constant 0 : i32
    %dma_start3A_71 = tpu.memref_slice %arg9[%dma_start3A_68, %dma_start3A_70] : memref<3x128xi32, #tpu.memory_space<vmem>> -> memref<1x128xi32, #tpu.memory_space<vmem>>
    %dma_start3A_72 = tpu.memref_squeeze %dma_start3A_71 : memref<1x128xi32, #tpu.memory_space<vmem>> -> memref<128xi32, #tpu.memory_space<vmem>>
    %dma_start3A_73 = tpu.memref_slice %arg4[%mul3A_67] : memref<327680xi32, #tpu.memory_space<hbm>> -> memref<128xi32, #tpu.memory_space<hbm>>
    %dma_start3A_74 = tpu.memref_slice %arg14[%dma_start3A_69] : memref<3x!tpu.dma_semaphore, #tpu.memory_space<semaphore_mem>> -> memref<1x!tpu.dma_semaphore, #tpu.memory_space<semaphore_mem>>
    %dma_start3A_75 = tpu.memref_squeeze %dma_start3A_74 : memref<1x!tpu.dma_semaphore, #tpu.memory_space<semaphore_mem>> -> memref<!tpu.dma_semaphore, #tpu.memory_space<semaphore_mem>>
    %dma_start3A_76 = arith.constant 0 : i32
    %dma_start3A_77 = tpu.memref_slice %arg9[%dma_start3A_68, %dma_start3A_76] : memref<3x128xi32, #tpu.memory_space<vmem>> -> memref<1x128xi32, #tpu.memory_space<vmem>>
    %dma_start3A_78 = tpu.memref_squeeze %dma_start3A_77 : memref<1x128xi32, #tpu.memory_space<vmem>> -> memref<128xi32, #tpu.memory_space<vmem>>
    %dma_start3A_79 = tpu.memref_slice %arg4[%mul3A_67] : memref<327680xi32, #tpu.memory_space<hbm>> -> memref<128xi32, #tpu.memory_space<hbm>>
    tpu.enqueue_dma source(%dma_start3A_79 : memref<128xi32, #tpu.memory_space<hbm>>) target(%dma_start3A_78 : memref<128xi32, #tpu.memory_space<vmem>>) target_semaphore(%dma_start3A_75 : memref<!tpu.dma_semaphore, #tpu.memory_space<semaphore_mem>>)
    %dma_start3A_80 = arith.constant 1 : i32
    %dma_start3A_81 = arith.constant 1 : i32
    %dma_start3A_82 = arith.constant 0 : i32
    %dma_start3A_83 = tpu.memref_slice %arg10[%dma_start3A_80, %dma_start3A_82] : memref<3x2048xf32, #tpu.memory_space<vmem>> -> memref<1x2048xf32, #tpu.memory_space<vmem>>
    %dma_start3A_84 = tpu.memref_squeeze %dma_start3A_83 : memref<1x2048xf32, #tpu.memory_space<vmem>> -> memref<2048xf32, #tpu.memory_space<vmem>>
    %dma_start3A_85 = arith.constant 0 : i32
    %dma_start3A_86 = tpu.memref_slice %arg5[%add3A_51, %dma_start3A_85] : memref<2560x2048xf32, #tpu.memory_space<hbm>> -> memref<1x2048xf32, #tpu.memory_space<hbm>>
    %dma_start3A_87 = tpu.memref_squeeze %dma_start3A_86 : memref<1x2048xf32, #tpu.memory_space<hbm>> -> memref<2048xf32, #tpu.memory_space<hbm>>
    %dma_start3A_88 = tpu.memref_slice %arg14[%dma_start3A_81] : memref<3x!tpu.dma_semaphore, #tpu.memory_space<semaphore_mem>> -> memref<1x!tpu.dma_semaphore, #tpu.memory_space<semaphore_mem>>
    %dma_start3A_89 = tpu.memref_squeeze %dma_start3A_88 : memref<1x!tpu.dma_semaphore, #tpu.memory_space<semaphore_mem>> -> memref<!tpu.dma_semaphore, #tpu.memory_space<semaphore_mem>>
    %dma_start3A_90 = arith.constant 0 : i32
    %dma_start3A_91 = tpu.memref_slice %arg10[%dma_start3A_80, %dma_start3A_90] : memref<3x2048xf32, #tpu.memory_space<vmem>> -> memref<1x2048xf32, #tpu.memory_space<vmem>>
    %dma_start3A_92 = tpu.memref_squeeze %dma_start3A_91 : memref<1x2048xf32, #tpu.memory_space<vmem>> -> memref<2048xf32, #tpu.memory_space<vmem>>
    %dma_start3A_93 = arith.constant 0 : i32
    %dma_start3A_94 = tpu.memref_slice %arg5[%add3A_51, %dma_start3A_93] : memref<2560x2048xf32, #tpu.memory_space<hbm>> -> memref<1x2048xf32, #tpu.memory_space<hbm>>
    %dma_start3A_95 = tpu.memref_squeeze %dma_start3A_94 : memref<1x2048xf32, #tpu.memory_space<hbm>> -> memref<2048xf32, #tpu.memory_space<hbm>>
    tpu.enqueue_dma source(%dma_start3A_95 : memref<2048xf32, #tpu.memory_space<hbm>>) target(%dma_start3A_92 : memref<2048xf32, #tpu.memory_space<vmem>>) target_semaphore(%dma_start3A_89 : memref<!tpu.dma_semaphore, #tpu.memory_space<semaphore_mem>>)
    %run_scoped3A = arith.constant 0 : i32
    "tpu.region"() ({
      %run_scoped3A_205 = tpu.sem_alloc : memref<!tpu.dma_semaphore, #tpu.memory_space<semaphore_mem>>
      %dma_start3A_206 = arith.constant 0 : i32
      %dma_start3A_207 = arith.constant 0 : i32
      %dma_start3A_208 = tpu.memref_slice %arg11[%run_scoped3A, %dma_start3A_206, %dma_start3A_207] : memref<2x128x128xf32, #tpu.memory_space<vmem>> -> memref<1x128x128xf32, #tpu.memory_space<vmem>>
      %dma_start3A_209 = tpu.memref_squeeze %dma_start3A_208 : memref<1x128x128xf32, #tpu.memory_space<vmem>> -> memref<128x128xf32, #tpu.memory_space<vmem>>
      %dma_start3A_210 = arith.constant 0 : i32
      %dma_start3A_211 = arith.constant 0 : i32
      %dma_start3A_212 = tpu.memref_slice %arg11[%run_scoped3A, %dma_start3A_210, %dma_start3A_211] : memref<2x128x128xf32, #tpu.memory_space<vmem>> -> memref<1x128x128xf32, #tpu.memory_space<vmem>>
      %dma_start3A_213 = tpu.memref_squeeze %dma_start3A_212 : memref<1x128x128xf32, #tpu.memory_space<vmem>> -> memref<128x128xf32, #tpu.memory_space<vmem>>
      tpu.enqueue_dma source(%arg6 : memref<128x128xf32, #tpu.memory_space<hbm>>) target(%dma_start3A_213 : memref<128x128xf32, #tpu.memory_space<vmem>>) target_semaphore(%run_scoped3A_205 : memref<!tpu.dma_semaphore, #tpu.memory_space<semaphore_mem>>)
      %dma_wait3A_214 = arith.constant 0 : i32
      %dma_wait3A_215 = arith.constant 0 : i32
      %dma_wait3A_216 = tpu.memref_slice %arg11[%run_scoped3A, %dma_wait3A_214, %dma_wait3A_215] : memref<2x128x128xf32, #tpu.memory_space<vmem>> -> memref<1x128x128xf32, #tpu.memory_space<vmem>>
      %dma_wait3A_217 = tpu.memref_squeeze %dma_wait3A_216 : memref<1x128x128xf32, #tpu.memory_space<vmem>> -> memref<128x128xf32, #tpu.memory_space<vmem>>
      %dma_wait3A_218 = arith.constant 0 : i32
      %dma_wait3A_219 = arith.constant 0 : i32
      %dma_wait3A_220 = tpu.memref_slice %arg11[%run_scoped3A, %dma_wait3A_218, %dma_wait3A_219] : memref<2x128x128xf32, #tpu.memory_space<vmem>> -> memref<1x128x128xf32, #tpu.memory_space<vmem>>
      %dma_wait3A_221 = tpu.memref_squeeze %dma_wait3A_220 : memref<1x128x128xf32, #tpu.memory_space<vmem>> -> memref<128x128xf32, #tpu.memory_space<vmem>>
      tpu.wait_dma2 semaphore(%run_scoped3A_205 : memref<!tpu.dma_semaphore, #tpu.memory_space<semaphore_mem>>) src(%arg6 : memref<128x128xf32, #tpu.memory_space<hbm>>) dst(%dma_wait3A_221 : memref<128x128xf32, #tpu.memory_space<vmem>>)
      tpu.yield
    }) : () -> ()
    %mul3A_96 = arith.constant 640 : i32
    %mul3A_97 = arith.muli %arg1, %mul3A_96 : i32
    %add3A_98 = arith.constant 0 : i32
    %add3A_99 = arith.addi %mul3A_97, %add3A_98 : i32
    %run_scoped3A_100 = arith.constant 0 : i32
    "tpu.region"() ({
      %run_scoped3A_205 = tpu.sem_alloc : memref<!tpu.dma_semaphore, #tpu.memory_space<semaphore_mem>>
      %dma_start3A_206 = arith.constant 0 : i32
      %dma_start3A_207 = arith.constant 0 : i32
      %dma_start3A_208 = tpu.memref_slice %arg11[%run_scoped3A_100, %dma_start3A_206, %dma_start3A_207] : memref<2x128x128xf32, #tpu.memory_space<vmem>> -> memref<1x128x128xf32, #tpu.memory_space<vmem>>
      %dma_start3A_209 = tpu.memref_squeeze %dma_start3A_208 : memref<1x128x128xf32, #tpu.memory_space<vmem>> -> memref<128x128xf32, #tpu.memory_space<vmem>>
      %dma_start3A_210 = arith.constant 0 : i32
      %dma_start3A_211 = tpu.memref_slice %arg12[%add3A_99, %dma_start3A_210] : memref<10240x128xf32, #tpu.memory_space<vmem_shared>> -> memref<128x128xf32, #tpu.memory_space<vmem_shared>>
      %dma_start3A_212 = arith.constant 0 : i32
      %dma_start3A_213 = tpu.memref_slice %arg12[%add3A_99, %dma_start3A_212] : memref<10240x128xf32, #tpu.memory_space<vmem_shared>> -> memref<128x128xf32, #tpu.memory_space<vmem_shared>>
      %dma_start3A_214 = arith.constant 0 : i32
      %dma_start3A_215 = arith.constant 0 : i32
      %dma_start3A_216 = tpu.memref_slice %arg11[%run_scoped3A_100, %dma_start3A_214, %dma_start3A_215] : memref<2x128x128xf32, #tpu.memory_space<vmem>> -> memref<1x128x128xf32, #tpu.memory_space<vmem>>
      %dma_start3A_217 = tpu.memref_squeeze %dma_start3A_216 : memref<1x128x128xf32, #tpu.memory_space<vmem>> -> memref<128x128xf32, #tpu.memory_space<vmem>>
      tpu.enqueue_dma source(%dma_start3A_217 : memref<128x128xf32, #tpu.memory_space<vmem>>) target(%dma_start3A_213 : memref<128x128xf32, #tpu.memory_space<vmem_shared>>) target_semaphore(%run_scoped3A_205 : memref<!tpu.dma_semaphore, #tpu.memory_space<semaphore_mem>>)
      %dma_wait3A_218 = arith.constant 0 : i32
      %dma_wait3A_219 = arith.constant 0 : i32
      %dma_wait3A_220 = tpu.memref_slice %arg11[%run_scoped3A_100, %dma_wait3A_218, %dma_wait3A_219] : memref<2x128x128xf32, #tpu.memory_space<vmem>> -> memref<1x128x128xf32, #tpu.memory_space<vmem>>
      %dma_wait3A_221 = tpu.memref_squeeze %dma_wait3A_220 : memref<1x128x128xf32, #tpu.memory_space<vmem>> -> memref<128x128xf32, #tpu.memory_space<vmem>>
      %dma_wait3A_222 = arith.constant 0 : i32
      %dma_wait3A_223 = tpu.memref_slice %arg12[%add3A_99, %dma_wait3A_222] : memref<10240x128xf32, #tpu.memory_space<vmem_shared>> -> memref<128x128xf32, #tpu.memory_space<vmem_shared>>
      %dma_wait3A_224 = arith.constant 0 : i32
      %dma_wait3A_225 = tpu.memref_slice %arg12[%add3A_99, %dma_wait3A_224] : memref<10240x128xf32, #tpu.memory_space<vmem_shared>> -> memref<128x128xf32, #tpu.memory_space<vmem_shared>>
      %dma_wait3A_226 = arith.constant 0 : i32
      %dma_wait3A_227 = arith.constant 0 : i32
      %dma_wait3A_228 = tpu.memref_slice %arg11[%run_scoped3A_100, %dma_wait3A_226, %dma_wait3A_227] : memref<2x128x128xf32, #tpu.memory_space<vmem>> -> memref<1x128x128xf32, #tpu.memory_space<vmem>>
      %dma_wait3A_229 = tpu.memref_squeeze %dma_wait3A_228 : memref<1x128x128xf32, #tpu.memory_space<vmem>> -> memref<128x128xf32, #tpu.memory_space<vmem>>
      tpu.wait_dma2 semaphore(%run_scoped3A_205 : memref<!tpu.dma_semaphore, #tpu.memory_space<semaphore_mem>>) src(%dma_wait3A_229 : memref<128x128xf32, #tpu.memory_space<vmem>>) dst(%dma_wait3A_225 : memref<128x128xf32, #tpu.memory_space<vmem_shared>>)
      tpu.yield
    }) : () -> ()
    %mul3A_101 = arith.constant 640 : i32
    %mul3A_102 = arith.muli %arg1, %mul3A_101 : i32
    %add3A_103 = arith.constant 128 : i32
    %add3A_104 = arith.addi %mul3A_102, %add3A_103 : i32
    %run_scoped3A_105 = arith.constant 0 : i32
    "tpu.region"() ({
      %run_scoped3A_205 = tpu.sem_alloc : memref<!tpu.dma_semaphore, #tpu.memory_space<semaphore_mem>>
      %dma_start3A_206 = arith.constant 0 : i32
      %dma_start3A_207 = arith.constant 0 : i32
      %dma_start3A_208 = tpu.memref_slice %arg11[%run_scoped3A_105, %dma_start3A_206, %dma_start3A_207] : memref<2x128x128xf32, #tpu.memory_space<vmem>> -> memref<1x128x128xf32, #tpu.memory_space<vmem>>
      %dma_start3A_209 = tpu.memref_squeeze %dma_start3A_208 : memref<1x128x128xf32, #tpu.memory_space<vmem>> -> memref<128x128xf32, #tpu.memory_space<vmem>>
      %dma_start3A_210 = arith.constant 0 : i32
      %dma_start3A_211 = tpu.memref_slice %arg12[%add3A_104, %dma_start3A_210] : memref<10240x128xf32, #tpu.memory_space<vmem_shared>> -> memref<128x128xf32, #tpu.memory_space<vmem_shared>>
      %dma_start3A_212 = arith.constant 0 : i32
      %dma_start3A_213 = tpu.memref_slice %arg12[%add3A_104, %dma_start3A_212] : memref<10240x128xf32, #tpu.memory_space<vmem_shared>> -> memref<128x128xf32, #tpu.memory_space<vmem_shared>>
      %dma_start3A_214 = arith.constant 0 : i32
      %dma_start3A_215 = arith.constant 0 : i32
      %dma_start3A_216 = tpu.memref_slice %arg11[%run_scoped3A_105, %dma_start3A_214, %dma_start3A_215] : memref<2x128x128xf32, #tpu.memory_space<vmem>> -> memref<1x128x128xf32, #tpu.memory_space<vmem>>
      %dma_start3A_217 = tpu.memref_squeeze %dma_start3A_216 : memref<1x128x128xf32, #tpu.memory_space<vmem>> -> memref<128x128xf32, #tpu.memory_space<vmem>>
      tpu.enqueue_dma source(%dma_start3A_217 : memref<128x128xf32, #tpu.memory_space<vmem>>) target(%dma_start3A_213 : memref<128x128xf32, #tpu.memory_space<vmem_shared>>) target_semaphore(%run_scoped3A_205 : memref<!tpu.dma_semaphore, #tpu.memory_space<semaphore_mem>>)
      %dma_wait3A_218 = arith.constant 0 : i32
      %dma_wait3A_219 = arith.constant 0 : i32
      %dma_wait3A_220 = tpu.memref_slice %arg11[%run_scoped3A_105, %dma_wait3A_218, %dma_wait3A_219] : memref<2x128x128xf32, #tpu.memory_space<vmem>> -> memref<1x128x128xf32, #tpu.memory_space<vmem>>
      %dma_wait3A_221 = tpu.memref_squeeze %dma_wait3A_220 : memref<1x128x128xf32, #tpu.memory_space<vmem>> -> memref<128x128xf32, #tpu.memory_space<vmem>>
      %dma_wait3A_222 = arith.constant 0 : i32
      %dma_wait3A_223 = tpu.memref_slice %arg12[%add3A_104, %dma_wait3A_222] : memref<10240x128xf32, #tpu.memory_space<vmem_shared>> -> memref<128x128xf32, #tpu.memory_space<vmem_shared>>
      %dma_wait3A_224 = arith.constant 0 : i32
      %dma_wait3A_225 = tpu.memref_slice %arg12[%add3A_104, %dma_wait3A_224] : memref<10240x128xf32, #tpu.memory_space<vmem_shared>> -> memref<128x128xf32, #tpu.memory_space<vmem_shared>>
      %dma_wait3A_226 = arith.constant 0 : i32
      %dma_wait3A_227 = arith.constant 0 : i32
      %dma_wait3A_228 = tpu.memref_slice %arg11[%run_scoped3A_105, %dma_wait3A_226, %dma_wait3A_227] : memref<2x128x128xf32, #tpu.memory_space<vmem>> -> memref<1x128x128xf32, #tpu.memory_space<vmem>>
      %dma_wait3A_229 = tpu.memref_squeeze %dma_wait3A_228 : memref<1x128x128xf32, #tpu.memory_space<vmem>> -> memref<128x128xf32, #tpu.memory_space<vmem>>
      tpu.wait_dma2 semaphore(%run_scoped3A_205 : memref<!tpu.dma_semaphore, #tpu.memory_space<semaphore_mem>>) src(%dma_wait3A_229 : memref<128x128xf32, #tpu.memory_space<vmem>>) dst(%dma_wait3A_225 : memref<128x128xf32, #tpu.memory_space<vmem_shared>>)
      tpu.yield
    }) : () -> ()
    %mul3A_106 = arith.constant 640 : i32
    %mul3A_107 = arith.muli %arg1, %mul3A_106 : i32
    %add3A_108 = arith.constant 256 : i32
    %add3A_109 = arith.addi %mul3A_107, %add3A_108 : i32
    %run_scoped3A_110 = arith.constant 0 : i32
    "tpu.region"() ({
      %run_scoped3A_205 = tpu.sem_alloc : memref<!tpu.dma_semaphore, #tpu.memory_space<semaphore_mem>>
      %dma_start3A_206 = arith.constant 0 : i32
      %dma_start3A_207 = arith.constant 0 : i32
      %dma_start3A_208 = tpu.memref_slice %arg11[%run_scoped3A_110, %dma_start3A_206, %dma_start3A_207] : memref<2x128x128xf32, #tpu.memory_space<vmem>> -> memref<1x128x128xf32, #tpu.memory_space<vmem>>
      %dma_start3A_209 = tpu.memref_squeeze %dma_start3A_208 : memref<1x128x128xf32, #tpu.memory_space<vmem>> -> memref<128x128xf32, #tpu.memory_space<vmem>>
      %dma_start3A_210 = arith.constant 0 : i32
      %dma_start3A_211 = tpu.memref_slice %arg12[%add3A_109, %dma_start3A_210] : memref<10240x128xf32, #tpu.memory_space<vmem_shared>> -> memref<128x128xf32, #tpu.memory_space<vmem_shared>>
      %dma_start3A_212 = arith.constant 0 : i32
      %dma_start3A_213 = tpu.memref_slice %arg12[%add3A_109, %dma_start3A_212] : memref<10240x128xf32, #tpu.memory_space<vmem_shared>> -> memref<128x128xf32, #tpu.memory_space<vmem_shared>>
      %dma_start3A_214 = arith.constant 0 : i32
      %dma_start3A_215 = arith.constant 0 : i32
      %dma_start3A_216 = tpu.memref_slice %arg11[%run_scoped3A_110, %dma_start3A_214, %dma_start3A_215] : memref<2x128x128xf32, #tpu.memory_space<vmem>> -> memref<1x128x128xf32, #tpu.memory_space<vmem>>
      %dma_start3A_217 = tpu.memref_squeeze %dma_start3A_216 : memref<1x128x128xf32, #tpu.memory_space<vmem>> -> memref<128x128xf32, #tpu.memory_space<vmem>>
      tpu.enqueue_dma source(%dma_start3A_217 : memref<128x128xf32, #tpu.memory_space<vmem>>) target(%dma_start3A_213 : memref<128x128xf32, #tpu.memory_space<vmem_shared>>) target_semaphore(%run_scoped3A_205 : memref<!tpu.dma_semaphore, #tpu.memory_space<semaphore_mem>>)
      %dma_wait3A_218 = arith.constant 0 : i32
      %dma_wait3A_219 = arith.constant 0 : i32
      %dma_wait3A_220 = tpu.memref_slice %arg11[%run_scoped3A_110, %dma_wait3A_218, %dma_wait3A_219] : memref<2x128x128xf32, #tpu.memory_space<vmem>> -> memref<1x128x128xf32, #tpu.memory_space<vmem>>
      %dma_wait3A_221 = tpu.memref_squeeze %dma_wait3A_220 : memref<1x128x128xf32, #tpu.memory_space<vmem>> -> memref<128x128xf32, #tpu.memory_space<vmem>>
      %dma_wait3A_222 = arith.constant 0 : i32
      %dma_wait3A_223 = tpu.memref_slice %arg12[%add3A_109, %dma_wait3A_222] : memref<10240x128xf32, #tpu.memory_space<vmem_shared>> -> memref<128x128xf32, #tpu.memory_space<vmem_shared>>
      %dma_wait3A_224 = arith.constant 0 : i32
      %dma_wait3A_225 = tpu.memref_slice %arg12[%add3A_109, %dma_wait3A_224] : memref<10240x128xf32, #tpu.memory_space<vmem_shared>> -> memref<128x128xf32, #tpu.memory_space<vmem_shared>>
      %dma_wait3A_226 = arith.constant 0 : i32
      %dma_wait3A_227 = arith.constant 0 : i32
      %dma_wait3A_228 = tpu.memref_slice %arg11[%run_scoped3A_110, %dma_wait3A_226, %dma_wait3A_227] : memref<2x128x128xf32, #tpu.memory_space<vmem>> -> memref<1x128x128xf32, #tpu.memory_space<vmem>>
      %dma_wait3A_229 = tpu.memref_squeeze %dma_wait3A_228 : memref<1x128x128xf32, #tpu.memory_space<vmem>> -> memref<128x128xf32, #tpu.memory_space<vmem>>
      tpu.wait_dma2 semaphore(%run_scoped3A_205 : memref<!tpu.dma_semaphore, #tpu.memory_space<semaphore_mem>>) src(%dma_wait3A_229 : memref<128x128xf32, #tpu.memory_space<vmem>>) dst(%dma_wait3A_225 : memref<128x128xf32, #tpu.memory_space<vmem_shared>>)
      tpu.yield
    }) : () -> ()
    %mul3A_111 = arith.constant 640 : i32
    %mul3A_112 = arith.muli %arg1, %mul3A_111 : i32
    %add3A_113 = arith.constant 384 : i32
    %add3A_114 = arith.addi %mul3A_112, %add3A_113 : i32
    %run_scoped3A_115 = arith.constant 0 : i32
    "tpu.region"() ({
      %run_scoped3A_205 = tpu.sem_alloc : memref<!tpu.dma_semaphore, #tpu.memory_space<semaphore_mem>>
      %dma_start3A_206 = arith.constant 0 : i32
      %dma_start3A_207 = arith.constant 0 : i32
      %dma_start3A_208 = tpu.memref_slice %arg11[%run_scoped3A_115, %dma_start3A_206, %dma_start3A_207] : memref<2x128x128xf32, #tpu.memory_space<vmem>> -> memref<1x128x128xf32, #tpu.memory_space<vmem>>
      %dma_start3A_209 = tpu.memref_squeeze %dma_start3A_208 : memref<1x128x128xf32, #tpu.memory_space<vmem>> -> memref<128x128xf32, #tpu.memory_space<vmem>>
      %dma_start3A_210 = arith.constant 0 : i32
      %dma_start3A_211 = tpu.memref_slice %arg12[%add3A_114, %dma_start3A_210] : memref<10240x128xf32, #tpu.memory_space<vmem_shared>> -> memref<128x128xf32, #tpu.memory_space<vmem_shared>>
      %dma_start3A_212 = arith.constant 0 : i32
      %dma_start3A_213 = tpu.memref_slice %arg12[%add3A_114, %dma_start3A_212] : memref<10240x128xf32, #tpu.memory_space<vmem_shared>> -> memref<128x128xf32, #tpu.memory_space<vmem_shared>>
      %dma_start3A_214 = arith.constant 0 : i32
      %dma_start3A_215 = arith.constant 0 : i32
      %dma_start3A_216 = tpu.memref_slice %arg11[%run_scoped3A_115, %dma_start3A_214, %dma_start3A_215] : memref<2x128x128xf32, #tpu.memory_space<vmem>> -> memref<1x128x128xf32, #tpu.memory_space<vmem>>
      %dma_start3A_217 = tpu.memref_squeeze %dma_start3A_216 : memref<1x128x128xf32, #tpu.memory_space<vmem>> -> memref<128x128xf32, #tpu.memory_space<vmem>>
      tpu.enqueue_dma source(%dma_start3A_217 : memref<128x128xf32, #tpu.memory_space<vmem>>) target(%dma_start3A_213 : memref<128x128xf32, #tpu.memory_space<vmem_shared>>) target_semaphore(%run_scoped3A_205 : memref<!tpu.dma_semaphore, #tpu.memory_space<semaphore_mem>>)
      %dma_wait3A_218 = arith.constant 0 : i32
      %dma_wait3A_219 = arith.constant 0 : i32
      %dma_wait3A_220 = tpu.memref_slice %arg11[%run_scoped3A_115, %dma_wait3A_218, %dma_wait3A_219] : memref<2x128x128xf32, #tpu.memory_space<vmem>> -> memref<1x128x128xf32, #tpu.memory_space<vmem>>
      %dma_wait3A_221 = tpu.memref_squeeze %dma_wait3A_220 : memref<1x128x128xf32, #tpu.memory_space<vmem>> -> memref<128x128xf32, #tpu.memory_space<vmem>>
      %dma_wait3A_222 = arith.constant 0 : i32
      %dma_wait3A_223 = tpu.memref_slice %arg12[%add3A_114, %dma_wait3A_222] : memref<10240x128xf32, #tpu.memory_space<vmem_shared>> -> memref<128x128xf32, #tpu.memory_space<vmem_shared>>
      %dma_wait3A_224 = arith.constant 0 : i32
      %dma_wait3A_225 = tpu.memref_slice %arg12[%add3A_114, %dma_wait3A_224] : memref<10240x128xf32, #tpu.memory_space<vmem_shared>> -> memref<128x128xf32, #tpu.memory_space<vmem_shared>>
      %dma_wait3A_226 = arith.constant 0 : i32
      %dma_wait3A_227 = arith.constant 0 : i32
      %dma_wait3A_228 = tpu.memref_slice %arg11[%run_scoped3A_115, %dma_wait3A_226, %dma_wait3A_227] : memref<2x128x128xf32, #tpu.memory_space<vmem>> -> memref<1x128x128xf32, #tpu.memory_space<vmem>>
      %dma_wait3A_229 = tpu.memref_squeeze %dma_wait3A_228 : memref<1x128x128xf32, #tpu.memory_space<vmem>> -> memref<128x128xf32, #tpu.memory_space<vmem>>
      tpu.wait_dma2 semaphore(%run_scoped3A_205 : memref<!tpu.dma_semaphore, #tpu.memory_space<semaphore_mem>>) src(%dma_wait3A_229 : memref<128x128xf32, #tpu.memory_space<vmem>>) dst(%dma_wait3A_225 : memref<128x128xf32, #tpu.memory_space<vmem_shared>>)
      tpu.yield
    }) : () -> ()
    %mul3A_116 = arith.constant 640 : i32
    %mul3A_117 = arith.muli %arg1, %mul3A_116 : i32
    %add3A_118 = arith.constant 512 : i32
    %add3A_119 = arith.addi %mul3A_117, %add3A_118 : i32
    %run_scoped3A_120 = arith.constant 0 : i32
    "tpu.region"() ({
      %run_scoped3A_205 = tpu.sem_alloc : memref<!tpu.dma_semaphore, #tpu.memory_space<semaphore_mem>>
      %dma_start3A_206 = arith.constant 0 : i32
      %dma_start3A_207 = arith.constant 0 : i32
      %dma_start3A_208 = tpu.memref_slice %arg11[%run_scoped3A_120, %dma_start3A_206, %dma_start3A_207] : memref<2x128x128xf32, #tpu.memory_space<vmem>> -> memref<1x128x128xf32, #tpu.memory_space<vmem>>
      %dma_start3A_209 = tpu.memref_squeeze %dma_start3A_208 : memref<1x128x128xf32, #tpu.memory_space<vmem>> -> memref<128x128xf32, #tpu.memory_space<vmem>>
      %dma_start3A_210 = arith.constant 0 : i32
      %dma_start3A_211 = tpu.memref_slice %arg12[%add3A_119, %dma_start3A_210] : memref<10240x128xf32, #tpu.memory_space<vmem_shared>> -> memref<128x128xf32, #tpu.memory_space<vmem_shared>>
      %dma_start3A_212 = arith.constant 0 : i32
      %dma_start3A_213 = tpu.memref_slice %arg12[%add3A_119, %dma_start3A_212] : memref<10240x128xf32, #tpu.memory_space<vmem_shared>> -> memref<128x128xf32, #tpu.memory_space<vmem_shared>>
      %dma_start3A_214 = arith.constant 0 : i32
      %dma_start3A_215 = arith.constant 0 : i32
      %dma_start3A_216 = tpu.memref_slice %arg11[%run_scoped3A_120, %dma_start3A_214, %dma_start3A_215] : memref<2x128x128xf32, #tpu.memory_space<vmem>> -> memref<1x128x128xf32, #tpu.memory_space<vmem>>
      %dma_start3A_217 = tpu.memref_squeeze %dma_start3A_216 : memref<1x128x128xf32, #tpu.memory_space<vmem>> -> memref<128x128xf32, #tpu.memory_space<vmem>>
      tpu.enqueue_dma source(%dma_start3A_217 : memref<128x128xf32, #tpu.memory_space<vmem>>) target(%dma_start3A_213 : memref<128x128xf32, #tpu.memory_space<vmem_shared>>) target_semaphore(%run_scoped3A_205 : memref<!tpu.dma_semaphore, #tpu.memory_space<semaphore_mem>>)
      %dma_wait3A_218 = arith.constant 0 : i32
      %dma_wait3A_219 = arith.constant 0 : i32
      %dma_wait3A_220 = tpu.memref_slice %arg11[%run_scoped3A_120, %dma_wait3A_218, %dma_wait3A_219] : memref<2x128x128xf32, #tpu.memory_space<vmem>> -> memref<1x128x128xf32, #tpu.memory_space<vmem>>
      %dma_wait3A_221 = tpu.memref_squeeze %dma_wait3A_220 : memref<1x128x128xf32, #tpu.memory_space<vmem>> -> memref<128x128xf32, #tpu.memory_space<vmem>>
      %dma_wait3A_222 = arith.constant 0 : i32
      %dma_wait3A_223 = tpu.memref_slice %arg12[%add3A_119, %dma_wait3A_222] : memref<10240x128xf32, #tpu.memory_space<vmem_shared>> -> memref<128x128xf32, #tpu.memory_space<vmem_shared>>
      %dma_wait3A_224 = arith.constant 0 : i32
      %dma_wait3A_225 = tpu.memref_slice %arg12[%add3A_119, %dma_wait3A_224] : memref<10240x128xf32, #tpu.memory_space<vmem_shared>> -> memref<128x128xf32, #tpu.memory_space<vmem_shared>>
      %dma_wait3A_226 = arith.constant 0 : i32
      %dma_wait3A_227 = arith.constant 0 : i32
      %dma_wait3A_228 = tpu.memref_slice %arg11[%run_scoped3A_120, %dma_wait3A_226, %dma_wait3A_227] : memref<2x128x128xf32, #tpu.memory_space<vmem>> -> memref<1x128x128xf32, #tpu.memory_space<vmem>>
      %dma_wait3A_229 = tpu.memref_squeeze %dma_wait3A_228 : memref<1x128x128xf32, #tpu.memory_space<vmem>> -> memref<128x128xf32, #tpu.memory_space<vmem>>
      tpu.wait_dma2 semaphore(%run_scoped3A_205 : memref<!tpu.dma_semaphore, #tpu.memory_space<semaphore_mem>>) src(%dma_wait3A_229 : memref<128x128xf32, #tpu.memory_space<vmem>>) dst(%dma_wait3A_225 : memref<128x128xf32, #tpu.memory_space<vmem_shared>>)
      tpu.yield
    }) : () -> ()
    %dma_wait3A = arith.constant 0 : i32
    %dma_wait3A_121 = arith.constant 0 : i32
    %dma_wait3A_122 = arith.constant 0 : i32
    %dma_wait3A_123 = tpu.memref_slice %arg8[%dma_wait3A, %dma_wait3A_122] : memref<3x128xi32, #tpu.memory_space<vmem>> -> memref<1x128xi32, #tpu.memory_space<vmem>>
    %dma_wait3A_124 = tpu.memref_squeeze %dma_wait3A_123 : memref<1x128xi32, #tpu.memory_space<vmem>> -> memref<128xi32, #tpu.memory_space<vmem>>
    %dma_wait3A_125 = arith.constant 0 : i32
    %dma_wait3A_126 = tpu.memref_slice %arg3[%dma_wait3A_125] : memref<327680xi32, #tpu.memory_space<hbm>> -> memref<128xi32, #tpu.memory_space<hbm>>
    %dma_wait3A_127 = tpu.memref_slice %arg14[%dma_wait3A_121] : memref<3x!tpu.dma_semaphore, #tpu.memory_space<semaphore_mem>> -> memref<1x!tpu.dma_semaphore, #tpu.memory_space<semaphore_mem>>
    %dma_wait3A_128 = tpu.memref_squeeze %dma_wait3A_127 : memref<1x!tpu.dma_semaphore, #tpu.memory_space<semaphore_mem>> -> memref<!tpu.dma_semaphore, #tpu.memory_space<semaphore_mem>>
    %dma_wait3A_129 = arith.constant 0 : i32
    %dma_wait3A_130 = tpu.memref_slice %arg8[%dma_wait3A, %dma_wait3A_129] : memref<3x128xi32, #tpu.memory_space<vmem>> -> memref<1x128xi32, #tpu.memory_space<vmem>>
    %dma_wait3A_131 = tpu.memref_squeeze %dma_wait3A_130 : memref<1x128xi32, #tpu.memory_space<vmem>> -> memref<128xi32, #tpu.memory_space<vmem>>
    %dma_wait3A_132 = arith.constant 0 : i32
    %dma_wait3A_133 = tpu.memref_slice %arg3[%dma_wait3A_132] : memref<327680xi32, #tpu.memory_space<hbm>> -> memref<128xi32, #tpu.memory_space<hbm>>
    tpu.wait_dma2 semaphore(%dma_wait3A_128 : memref<!tpu.dma_semaphore, #tpu.memory_space<semaphore_mem>>) src(%dma_wait3A_133 : memref<128xi32, #tpu.memory_space<hbm>>) dst(%dma_wait3A_131 : memref<128xi32, #tpu.memory_space<vmem>>)
    %dma_wait3A_134 = arith.constant 0 : i32
    %dma_wait3A_135 = arith.constant 0 : i32
    %dma_wait3A_136 = arith.constant 0 : i32
    %dma_wait3A_137 = tpu.memref_slice %arg9[%dma_wait3A_134, %dma_wait3A_136] : memref<3x128xi32, #tpu.memory_space<vmem>> -> memref<1x128xi32, #tpu.memory_space<vmem>>
    %dma_wait3A_138 = tpu.memref_squeeze %dma_wait3A_137 : memref<1x128xi32, #tpu.memory_space<vmem>> -> memref<128xi32, #tpu.memory_space<vmem>>
    %dma_wait3A_139 = arith.constant 0 : i32
    %dma_wait3A_140 = tpu.memref_slice %arg4[%dma_wait3A_139] : memref<327680xi32, #tpu.memory_space<hbm>> -> memref<128xi32, #tpu.memory_space<hbm>>
    %dma_wait3A_141 = tpu.memref_slice %arg14[%dma_wait3A_135] : memref<3x!tpu.dma_semaphore, #tpu.memory_space<semaphore_mem>> -> memref<1x!tpu.dma_semaphore, #tpu.memory_space<semaphore_mem>>
    %dma_wait3A_142 = tpu.memref_squeeze %dma_wait3A_141 : memref<1x!tpu.dma_semaphore, #tpu.memory_space<semaphore_mem>> -> memref<!tpu.dma_semaphore, #tpu.memory_space<semaphore_mem>>
    %dma_wait3A_143 = arith.constant 0 : i32
    %dma_wait3A_144 = tpu.memref_slice %arg9[%dma_wait3A_134, %dma_wait3A_143] : memref<3x128xi32, #tpu.memory_space<vmem>> -> memref<1x128xi32, #tpu.memory_space<vmem>>
    %dma_wait3A_145 = tpu.memref_squeeze %dma_wait3A_144 : memref<1x128xi32, #tpu.memory_space<vmem>> -> memref<128xi32, #tpu.memory_space<vmem>>
    %dma_wait3A_146 = arith.constant 0 : i32
    %dma_wait3A_147 = tpu.memref_slice %arg4[%dma_wait3A_146] : memref<327680xi32, #tpu.memory_space<hbm>> -> memref<128xi32, #tpu.memory_space<hbm>>
    tpu.wait_dma2 semaphore(%dma_wait3A_142 : memref<!tpu.dma_semaphore, #tpu.memory_space<semaphore_mem>>) src(%dma_wait3A_147 : memref<128xi32, #tpu.memory_space<hbm>>) dst(%dma_wait3A_145 : memref<128xi32, #tpu.memory_space<vmem>>)
    %dma_wait3A_148 = arith.constant 0 : i32
    %dma_wait3A_149 = arith.constant 0 : i32
    %dma_wait3A_150 = arith.constant 0 : i32
    %dma_wait3A_151 = arith.constant 0 : i32
    %dma_wait3A_152 = tpu.memref_slice %arg10[%dma_wait3A_149, %dma_wait3A_151] : memref<3x2048xf32, #tpu.memory_space<vmem>> -> memref<1x2048xf32, #tpu.memory_space<vmem>>
    %dma_wait3A_153 = tpu.memref_squeeze %dma_wait3A_152 : memref<1x2048xf32, #tpu.memory_space<vmem>> -> memref<2048xf32, #tpu.memory_space<vmem>>
    %dma_wait3A_154 = arith.constant 0 : i32
    %dma_wait3A_155 = tpu.memref_slice %arg5[%dma_wait3A_148, %dma_wait3A_154] : memref<2560x2048xf32, #tpu.memory_space<hbm>> -> memref<1x2048xf32, #tpu.memory_space<hbm>>
    %dma_wait3A_156 = tpu.memref_squeeze %dma_wait3A_155 : memref<1x2048xf32, #tpu.memory_space<hbm>> -> memref<2048xf32, #tpu.memory_space<hbm>>
    %dma_wait3A_157 = tpu.memref_slice %arg14[%dma_wait3A_150] : memref<3x!tpu.dma_semaphore, #tpu.memory_space<semaphore_mem>> -> memref<1x!tpu.dma_semaphore, #tpu.memory_space<semaphore_mem>>
    %dma_wait3A_158 = tpu.memref_squeeze %dma_wait3A_157 : memref<1x!tpu.dma_semaphore, #tpu.memory_space<semaphore_mem>> -> memref<!tpu.dma_semaphore, #tpu.memory_space<semaphore_mem>>
    %dma_wait3A_159 = arith.constant 0 : i32
    %dma_wait3A_160 = tpu.memref_slice %arg10[%dma_wait3A_149, %dma_wait3A_159] : memref<3x2048xf32, #tpu.memory_space<vmem>> -> memref<1x2048xf32, #tpu.memory_space<vmem>>
    %dma_wait3A_161 = tpu.memref_squeeze %dma_wait3A_160 : memref<1x2048xf32, #tpu.memory_space<vmem>> -> memref<2048xf32, #tpu.memory_space<vmem>>
    %dma_wait3A_162 = arith.constant 0 : i32
    %dma_wait3A_163 = tpu.memref_slice %arg5[%dma_wait3A_148, %dma_wait3A_162] : memref<2560x2048xf32, #tpu.memory_space<hbm>> -> memref<1x2048xf32, #tpu.memory_space<hbm>>
    %dma_wait3A_164 = tpu.memref_squeeze %dma_wait3A_163 : memref<1x2048xf32, #tpu.memory_space<hbm>> -> memref<2048xf32, #tpu.memory_space<hbm>>
    tpu.wait_dma2 semaphore(%dma_wait3A_158 : memref<!tpu.dma_semaphore, #tpu.memory_space<semaphore_mem>>) src(%dma_wait3A_164 : memref<2048xf32, #tpu.memory_space<hbm>>) dst(%dma_wait3A_161 : memref<2048xf32, #tpu.memory_space<vmem>>)
    %dma_start3A_165 = arith.constant 0 : i32
    %dma_start3A_166 = arith.constant 0 : i32
    %dma_start3A_167 = arith.constant 0 : i32
    %dma_start3A_168 = arith.constant 0 : i32
    %dma_start3A_169 = arith.constant 0 : i32
    %dma_start3A_170 = tpu.memref_slice %arg11[%dma_start3A_166, %dma_start3A_168, %dma_start3A_169] : memref<2x128x128xf32, #tpu.memory_space<vmem>> -> memref<1x128x128xf32, #tpu.memory_space<vmem>>
    %dma_start3A_171 = tpu.memref_squeeze %dma_start3A_170 : memref<1x128x128xf32, #tpu.memory_space<vmem>> -> memref<128x128xf32, #tpu.memory_space<vmem>>
    %dma_start3A_172 = arith.constant 0 : i32
    %dma_start3A_173 = tpu.memref_slice %arg9[%dma_start3A_165, %dma_start3A_172] : memref<3x128xi32, #tpu.memory_space<vmem>> -> memref<1x128xi32, #tpu.memory_space<vmem>>
    %dma_start3A_174 = tpu.memref_squeeze %dma_start3A_173 : memref<1x128xi32, #tpu.memory_space<vmem>> -> memref<128xi32, #tpu.memory_space<vmem>>
    %dma_start3A_175 = arith.constant 0 : i32
    %dma_start3A_176 = arith.constant 0 : i32
    %dma_start3A_177 = tpu.memref_slice %arg2[%dma_start3A_175, %dma_start3A_176] : memref<10000x128xf32, #tpu.memory_space<hbm>> -> memref<10000x128xf32, #tpu.memory_space<hbm>>
    %dma_start3A_178 = tpu.memref_slice %arg13[%dma_start3A_167] : memref<2x!tpu.dma_semaphore, #tpu.memory_space<semaphore_mem>> -> memref<1x!tpu.dma_semaphore, #tpu.memory_space<semaphore_mem>>
    %dma_start3A_179 = tpu.memref_squeeze %dma_start3A_178 : memref<1x!tpu.dma_semaphore, #tpu.memory_space<semaphore_mem>> -> memref<!tpu.dma_semaphore, #tpu.memory_space<semaphore_mem>>
    tpu.enqueue_indirect_dma source(%dma_start3A_177 : memref<10000x128xf32, #tpu.memory_space<hbm>>) target(%dma_start3A_171 : memref<128x128xf32, #tpu.memory_space<vmem>>) offsets(%dma_start3A_174 : memref<128xi32, #tpu.memory_space<vmem>>) semaphore(%dma_start3A_179 : memref<!tpu.dma_semaphore, #tpu.memory_space<semaphore_mem>>)
    %barrier3A = arith.constant 0 : index
    tpu.barrier barrier_id(%barrier3A)
    %scan3A = arith.constant 0 : i32
    %scan3A_180 = arith.constant 0 : i32
    %scan3A_181 = arith.constant 80 : i32
    %scan3A_182 = arith.addi %scan3A_180, %scan3A_181 : i32
    %scan3A_183 = arith.constant 1 : i32
    scf.for %scan3A_205 = %scan3A_180 to %scan3A_182 step %scan3A_183  : i32 {
      %rem3A_206 = arith.constant 2 : i32
      %rem3A_207 = arith.remsi %scan3A_205, %rem3A_206 : i32
      %add3A_208 = arith.constant 1 : i32
      %add3A_209 = arith.addi %scan3A_205, %add3A_208 : i32
      %rem3A_210 = arith.constant 2 : i32
      %rem3A_211 = arith.remsi %add3A_209, %rem3A_210 : i32
      %rem3A_212 = arith.constant 3 : i32
      %rem3A_213 = arith.remsi %scan3A_205, %rem3A_212 : i32
      %add3A_214 = arith.constant 1 : i32
      %add3A_215 = arith.addi %scan3A_205, %add3A_214 : i32
      %rem3A_216 = arith.constant 3 : i32
      %rem3A_217 = arith.remsi %add3A_215, %rem3A_216 : i32
      %ge3A = arith.constant 1 : i32
      %ge3A_218 = arith.cmpi sge, %scan3A_205, %ge3A : i32
      %convert_element_type3A = arith.extui %ge3A_218 : i1 to i32
      %cond3A = arith.constant 0 : i32
      %cond3A_219 = arith.cmpi ne, %convert_element_type3A, %cond3A : i32
      scf.if %cond3A_219 {
        %dma_wait3A_263 = arith.constant 0 : i32
        %dma_wait3A_264 = arith.constant 0 : i32
        %dma_wait3A_265 = arith.constant 0 : i32
        %dma_wait3A_266 = tpu.memref_slice %arg11[%rem3A_211, %dma_wait3A_264, %dma_wait3A_265] : memref<2x128x128xf32, #tpu.memory_space<vmem>> -> memref<1x128x128xf32, #tpu.memory_space<vmem>>
        %dma_wait3A_267 = tpu.memref_squeeze %dma_wait3A_266 : memref<1x128x128xf32, #tpu.memory_space<vmem>> -> memref<128x128xf32, #tpu.memory_space<vmem>>
        %dma_wait3A_268 = arith.constant 0 : i32
        %dma_wait3A_269 = tpu.memref_slice %arg8[%dma_wait3A_263, %dma_wait3A_268] : memref<3x128xi32, #tpu.memory_space<vmem>> -> memref<1x128xi32, #tpu.memory_space<vmem>>
        %dma_wait3A_270 = tpu.memref_squeeze %dma_wait3A_269 : memref<1x128xi32, #tpu.memory_space<vmem>> -> memref<128xi32, #tpu.memory_space<vmem>>
        %dma_wait3A_271 = arith.constant 0 : i32
        %dma_wait3A_272 = arith.constant 0 : i32
        %dma_wait3A_273 = tpu.memref_slice %arg12[%dma_wait3A_271, %dma_wait3A_272] : memref<10240x128xf32, #tpu.memory_space<vmem_shared>> -> memref<10240x128xf32, #tpu.memory_space<vmem_shared>>
        %dma_wait3A_274 = tpu.memref_slice %arg15[%rem3A_211] : memref<2x!tpu.dma_semaphore, #tpu.memory_space<semaphore_mem>> -> memref<1x!tpu.dma_semaphore, #tpu.memory_space<semaphore_mem>>
        %dma_wait3A_275 = tpu.memref_squeeze %dma_wait3A_274 : memref<1x!tpu.dma_semaphore, #tpu.memory_space<semaphore_mem>> -> memref<!tpu.dma_semaphore, #tpu.memory_space<semaphore_mem>>
        tpu.wait_indirect_dma semaphore(%dma_wait3A_275 : memref<!tpu.dma_semaphore, #tpu.memory_space<semaphore_mem>>) src(%dma_wait3A_267 : memref<128x128xf32, #tpu.memory_space<vmem>>) dst(%dma_wait3A_273 : memref<10240x128xf32, #tpu.memory_space<vmem_shared>>)
      } else {
      }
      %add3A_220 = arith.constant 1 : i32
      %add3A_221 = arith.addi %scan3A_205, %add3A_220 : i32
      %lt3A = arith.constant 80 : i32
      %lt3A_222 = arith.cmpi slt, %add3A_221, %lt3A : i32
      %convert_element_type3A_223 = arith.extui %lt3A_222 : i1 to i32
      %cond3A_224 = arith.constant 0 : i32
      %cond3A_225 = arith.cmpi ne, %convert_element_type3A_223, %cond3A_224 : i32
      scf.if %cond3A_225 {
        %dma_wait3A_263 = arith.constant 0 : i32
        %dma_wait3A_264 = tpu.memref_slice %arg8[%rem3A_217, %dma_wait3A_263] : memref<3x128xi32, #tpu.memory_space<vmem>> -> memref<1x128xi32, #tpu.memory_space<vmem>>
        %dma_wait3A_265 = tpu.memref_squeeze %dma_wait3A_264 : memref<1x128xi32, #tpu.memory_space<vmem>> -> memref<128xi32, #tpu.memory_space<vmem>>
        %dma_wait3A_266 = arith.constant 0 : i32
        %dma_wait3A_267 = tpu.memref_slice %arg3[%dma_wait3A_266] : memref<327680xi32, #tpu.memory_space<hbm>> -> memref<128xi32, #tpu.memory_space<hbm>>
        %dma_wait3A_268 = tpu.memref_slice %arg14[%rem3A_217] : memref<3x!tpu.dma_semaphore, #tpu.memory_space<semaphore_mem>> -> memref<1x!tpu.dma_semaphore, #tpu.memory_space<semaphore_mem>>
        %dma_wait3A_269 = tpu.memref_squeeze %dma_wait3A_268 : memref<1x!tpu.dma_semaphore, #tpu.memory_space<semaphore_mem>> -> memref<!tpu.dma_semaphore, #tpu.memory_space<semaphore_mem>>
        %dma_wait3A_270 = arith.constant 0 : i32
        %dma_wait3A_271 = tpu.memref_slice %arg8[%rem3A_217, %dma_wait3A_270] : memref<3x128xi32, #tpu.memory_space<vmem>> -> memref<1x128xi32, #tpu.memory_space<vmem>>
        %dma_wait3A_272 = tpu.memref_squeeze %dma_wait3A_271 : memref<1x128xi32, #tpu.memory_space<vmem>> -> memref<128xi32, #tpu.memory_space<vmem>>
        %dma_wait3A_273 = arith.constant 0 : i32
        %dma_wait3A_274 = tpu.memref_slice %arg3[%dma_wait3A_273] : memref<327680xi32, #tpu.memory_space<hbm>> -> memref<128xi32, #tpu.memory_space<hbm>>
        tpu.wait_dma2 semaphore(%dma_wait3A_269 : memref<!tpu.dma_semaphore, #tpu.memory_space<semaphore_mem>>) src(%dma_wait3A_274 : memref<128xi32, #tpu.memory_space<hbm>>) dst(%dma_wait3A_272 : memref<128xi32, #tpu.memory_space<vmem>>)
        %dma_wait3A_275 = arith.constant 0 : i32
        %dma_wait3A_276 = tpu.memref_slice %arg9[%rem3A_217, %dma_wait3A_275] : memref<3x128xi32, #tpu.memory_space<vmem>> -> memref<1x128xi32, #tpu.memory_space<vmem>>
        %dma_wait3A_277 = tpu.memref_squeeze %dma_wait3A_276 : memref<1x128xi32, #tpu.memory_space<vmem>> -> memref<128xi32, #tpu.memory_space<vmem>>
        %dma_wait3A_278 = arith.constant 0 : i32
        %dma_wait3A_279 = tpu.memref_slice %arg4[%dma_wait3A_278] : memref<327680xi32, #tpu.memory_space<hbm>> -> memref<128xi32, #tpu.memory_space<hbm>>
        %dma_wait3A_280 = tpu.memref_slice %arg14[%rem3A_217] : memref<3x!tpu.dma_semaphore, #tpu.memory_space<semaphore_mem>> -> memref<1x!tpu.dma_semaphore, #tpu.memory_space<semaphore_mem>>
        %dma_wait3A_281 = tpu.memref_squeeze %dma_wait3A_280 : memref<1x!tpu.dma_semaphore, #tpu.memory_space<semaphore_mem>> -> memref<!tpu.dma_semaphore, #tpu.memory_space<semaphore_mem>>
        %dma_wait3A_282 = arith.constant 0 : i32
        %dma_wait3A_283 = tpu.memref_slice %arg9[%rem3A_217, %dma_wait3A_282] : memref<3x128xi32, #tpu.memory_space<vmem>> -> memref<1x128xi32, #tpu.memory_space<vmem>>
        %dma_wait3A_284 = tpu.memref_squeeze %dma_wait3A_283 : memref<1x128xi32, #tpu.memory_space<vmem>> -> memref<128xi32, #tpu.memory_space<vmem>>
        %dma_wait3A_285 = arith.constant 0 : i32
        %dma_wait3A_286 = tpu.memref_slice %arg4[%dma_wait3A_285] : memref<327680xi32, #tpu.memory_space<hbm>> -> memref<128xi32, #tpu.memory_space<hbm>>
        tpu.wait_dma2 semaphore(%dma_wait3A_281 : memref<!tpu.dma_semaphore, #tpu.memory_space<semaphore_mem>>) src(%dma_wait3A_286 : memref<128xi32, #tpu.memory_space<hbm>>) dst(%dma_wait3A_284 : memref<128xi32, #tpu.memory_space<vmem>>)
        %dma_wait3A_287 = arith.constant 0 : i32
        %dma_wait3A_288 = arith.constant 0 : i32
        %dma_wait3A_289 = tpu.memref_slice %arg10[%rem3A_217, %dma_wait3A_288] : memref<3x2048xf32, #tpu.memory_space<vmem>> -> memref<1x2048xf32, #tpu.memory_space<vmem>>
        %dma_wait3A_290 = tpu.memref_squeeze %dma_wait3A_289 : memref<1x2048xf32, #tpu.memory_space<vmem>> -> memref<2048xf32, #tpu.memory_space<vmem>>
        %dma_wait3A_291 = arith.constant 0 : i32
        %dma_wait3A_292 = tpu.memref_slice %arg5[%dma_wait3A_287, %dma_wait3A_291] : memref<2560x2048xf32, #tpu.memory_space<hbm>> -> memref<1x2048xf32, #tpu.memory_space<hbm>>
        %dma_wait3A_293 = tpu.memref_squeeze %dma_wait3A_292 : memref<1x2048xf32, #tpu.memory_space<hbm>> -> memref<2048xf32, #tpu.memory_space<hbm>>
        %dma_wait3A_294 = tpu.memref_slice %arg14[%rem3A_217] : memref<3x!tpu.dma_semaphore, #tpu.memory_space<semaphore_mem>> -> memref<1x!tpu.dma_semaphore, #tpu.memory_space<semaphore_mem>>
        %dma_wait3A_295 = tpu.memref_squeeze %dma_wait3A_294 : memref<1x!tpu.dma_semaphore, #tpu.memory_space<semaphore_mem>> -> memref<!tpu.dma_semaphore, #tpu.memory_space<semaphore_mem>>
        %dma_wait3A_296 = arith.constant 0 : i32
        %dma_wait3A_297 = tpu.memref_slice %arg10[%rem3A_217, %dma_wait3A_296] : memref<3x2048xf32, #tpu.memory_space<vmem>> -> memref<1x2048xf32, #tpu.memory_space<vmem>>
        %dma_wait3A_298 = tpu.memref_squeeze %dma_wait3A_297 : memref<1x2048xf32, #tpu.memory_space<vmem>> -> memref<2048xf32, #tpu.memory_space<vmem>>
        %dma_wait3A_299 = arith.constant 0 : i32
        %dma_wait3A_300 = tpu.memref_slice %arg5[%dma_wait3A_287, %dma_wait3A_299] : memref<2560x2048xf32, #tpu.memory_space<hbm>> -> memref<1x2048xf32, #tpu.memory_space<hbm>>
        %dma_wait3A_301 = tpu.memref_squeeze %dma_wait3A_300 : memref<1x2048xf32, #tpu.memory_space<hbm>> -> memref<2048xf32, #tpu.memory_space<hbm>>
        tpu.wait_dma2 semaphore(%dma_wait3A_295 : memref<!tpu.dma_semaphore, #tpu.memory_space<semaphore_mem>>) src(%dma_wait3A_301 : memref<2048xf32, #tpu.memory_space<hbm>>) dst(%dma_wait3A_298 : memref<2048xf32, #tpu.memory_space<vmem>>)
        %dma_start3A_302 = arith.constant 0 : i32
        %dma_start3A_303 = arith.constant 0 : i32
        %dma_start3A_304 = tpu.memref_slice %arg11[%rem3A_211, %dma_start3A_302, %dma_start3A_303] : memref<2x128x128xf32, #tpu.memory_space<vmem>> -> memref<1x128x128xf32, #tpu.memory_space<vmem>>
        %dma_start3A_305 = tpu.memref_squeeze %dma_start3A_304 : memref<1x128x128xf32, #tpu.memory_space<vmem>> -> memref<128x128xf32, #tpu.memory_space<vmem>>
        %dma_start3A_306 = arith.constant 0 : i32
        %dma_start3A_307 = tpu.memref_slice %arg9[%rem3A_217, %dma_start3A_306] : memref<3x128xi32, #tpu.memory_space<vmem>> -> memref<1x128xi32, #tpu.memory_space<vmem>>
        %dma_start3A_308 = tpu.memref_squeeze %dma_start3A_307 : memref<1x128xi32, #tpu.memory_space<vmem>> -> memref<128xi32, #tpu.memory_space<vmem>>
        %dma_start3A_309 = arith.constant 0 : i32
        %dma_start3A_310 = arith.constant 0 : i32
        %dma_start3A_311 = tpu.memref_slice %arg2[%dma_start3A_309, %dma_start3A_310] : memref<10000x128xf32, #tpu.memory_space<hbm>> -> memref<10000x128xf32, #tpu.memory_space<hbm>>
        %dma_start3A_312 = tpu.memref_slice %arg13[%rem3A_211] : memref<2x!tpu.dma_semaphore, #tpu.memory_space<semaphore_mem>> -> memref<1x!tpu.dma_semaphore, #tpu.memory_space<semaphore_mem>>
        %dma_start3A_313 = tpu.memref_squeeze %dma_start3A_312 : memref<1x!tpu.dma_semaphore, #tpu.memory_space<semaphore_mem>> -> memref<!tpu.dma_semaphore, #tpu.memory_space<semaphore_mem>>
        tpu.enqueue_indirect_dma source(%dma_start3A_311 : memref<10000x128xf32, #tpu.memory_space<hbm>>) target(%dma_start3A_305 : memref<128x128xf32, #tpu.memory_space<vmem>>) offsets(%dma_start3A_308 : memref<128xi32, #tpu.memory_space<vmem>>) semaphore(%dma_start3A_313 : memref<!tpu.dma_semaphore, #tpu.memory_space<semaphore_mem>>)
      } else {
      }
      %add3A_226 = arith.constant 2 : i32
      %add3A_227 = arith.addi %scan3A_205, %add3A_226 : i32
      %lt3A_228 = arith.constant 80 : i32
      %lt3A_229 = arith.cmpi slt, %add3A_227, %lt3A_228 : i32
      %convert_element_type3A_230 = arith.extui %lt3A_229 : i1 to i32
      %cond3A_231 = arith.constant 0 : i32
      %cond3A_232 = arith.cmpi ne, %convert_element_type3A_230, %cond3A_231 : i32
      scf.if %cond3A_232 {
        %add3A_263 = arith.constant 2 : i32
        %add3A_264 = arith.addi %scan3A_205, %add3A_263 : i32
        %add3A_265 = arith.constant 2 : i32
        %add3A_266 = arith.addi %scan3A_205, %add3A_265 : i32
        %rem3A_267 = arith.constant 3 : i32
        %rem3A_268 = arith.remsi %add3A_266, %rem3A_267 : i32
        %mul3A_269 = arith.constant 80 : i32
        %mul3A_270 = arith.muli %add3A, %mul3A_269 : i32
        %add3A_271 = arith.addi %mul3A_270, %add3A_264 : i32
        %mul3A_272 = arith.constant 128 : i32
        %mul3A_273 = arith.muli %add3A_271, %mul3A_272 : i32
        %dma_start3A_274 = arith.constant 0 : i32
        %dma_start3A_275 = tpu.memref_slice %arg8[%rem3A_268, %dma_start3A_274] : memref<3x128xi32, #tpu.memory_space<vmem>> -> memref<1x128xi32, #tpu.memory_space<vmem>>
        %dma_start3A_276 = tpu.memref_squeeze %dma_start3A_275 : memref<1x128xi32, #tpu.memory_space<vmem>> -> memref<128xi32, #tpu.memory_space<vmem>>
        %dma_start3A_277 = tpu.memref_slice %arg3[%mul3A_273] : memref<327680xi32, #tpu.memory_space<hbm>> -> memref<128xi32, #tpu.memory_space<hbm>>
        %dma_start3A_278 = tpu.memref_slice %arg14[%rem3A_268] : memref<3x!tpu.dma_semaphore, #tpu.memory_space<semaphore_mem>> -> memref<1x!tpu.dma_semaphore, #tpu.memory_space<semaphore_mem>>
        %dma_start3A_279 = tpu.memref_squeeze %dma_start3A_278 : memref<1x!tpu.dma_semaphore, #tpu.memory_space<semaphore_mem>> -> memref<!tpu.dma_semaphore, #tpu.memory_space<semaphore_mem>>
        %dma_start3A_280 = arith.constant 0 : i32
        %dma_start3A_281 = tpu.memref_slice %arg8[%rem3A_268, %dma_start3A_280] : memref<3x128xi32, #tpu.memory_space<vmem>> -> memref<1x128xi32, #tpu.memory_space<vmem>>
        %dma_start3A_282 = tpu.memref_squeeze %dma_start3A_281 : memref<1x128xi32, #tpu.memory_space<vmem>> -> memref<128xi32, #tpu.memory_space<vmem>>
        %dma_start3A_283 = tpu.memref_slice %arg3[%mul3A_273] : memref<327680xi32, #tpu.memory_space<hbm>> -> memref<128xi32, #tpu.memory_space<hbm>>
        tpu.enqueue_dma source(%dma_start3A_283 : memref<128xi32, #tpu.memory_space<hbm>>) target(%dma_start3A_282 : memref<128xi32, #tpu.memory_space<vmem>>) target_semaphore(%dma_start3A_279 : memref<!tpu.dma_semaphore, #tpu.memory_space<semaphore_mem>>)
        %mul3A_284 = arith.constant 128 : i32
        %mul3A_285 = arith.muli %add3A_271, %mul3A_284 : i32
        %dma_start3A_286 = arith.constant 0 : i32
        %dma_start3A_287 = tpu.memref_slice %arg9[%rem3A_268, %dma_start3A_286] : memref<3x128xi32, #tpu.memory_space<vmem>> -> memref<1x128xi32, #tpu.memory_space<vmem>>
        %dma_start3A_288 = tpu.memref_squeeze %dma_start3A_287 : memref<1x128xi32, #tpu.memory_space<vmem>> -> memref<128xi32, #tpu.memory_space<vmem>>
        %dma_start3A_289 = tpu.memref_slice %arg4[%mul3A_285] : memref<327680xi32, #tpu.memory_space<hbm>> -> memref<128xi32, #tpu.memory_space<hbm>>
        %dma_start3A_290 = tpu.memref_slice %arg14[%rem3A_268] : memref<3x!tpu.dma_semaphore, #tpu.memory_space<semaphore_mem>> -> memref<1x!tpu.dma_semaphore, #tpu.memory_space<semaphore_mem>>
        %dma_start3A_291 = tpu.memref_squeeze %dma_start3A_290 : memref<1x!tpu.dma_semaphore, #tpu.memory_space<semaphore_mem>> -> memref<!tpu.dma_semaphore, #tpu.memory_space<semaphore_mem>>
        %dma_start3A_292 = arith.constant 0 : i32
        %dma_start3A_293 = tpu.memref_slice %arg9[%rem3A_268, %dma_start3A_292] : memref<3x128xi32, #tpu.memory_space<vmem>> -> memref<1x128xi32, #tpu.memory_space<vmem>>
        %dma_start3A_294 = tpu.memref_squeeze %dma_start3A_293 : memref<1x128xi32, #tpu.memory_space<vmem>> -> memref<128xi32, #tpu.memory_space<vmem>>
        %dma_start3A_295 = tpu.memref_slice %arg4[%mul3A_285] : memref<327680xi32, #tpu.memory_space<hbm>> -> memref<128xi32, #tpu.memory_space<hbm>>
        tpu.enqueue_dma source(%dma_start3A_295 : memref<128xi32, #tpu.memory_space<hbm>>) target(%dma_start3A_294 : memref<128xi32, #tpu.memory_space<vmem>>) target_semaphore(%dma_start3A_291 : memref<!tpu.dma_semaphore, #tpu.memory_space<semaphore_mem>>)
        %dma_start3A_296 = arith.constant 0 : i32
        %dma_start3A_297 = tpu.memref_slice %arg10[%rem3A_268, %dma_start3A_296] : memref<3x2048xf32, #tpu.memory_space<vmem>> -> memref<1x2048xf32, #tpu.memory_space<vmem>>
        %dma_start3A_298 = tpu.memref_squeeze %dma_start3A_297 : memref<1x2048xf32, #tpu.memory_space<vmem>> -> memref<2048xf32, #tpu.memory_space<vmem>>
        %dma_start3A_299 = arith.constant 0 : i32
        %dma_start3A_300 = tpu.memref_slice %arg5[%add3A_271, %dma_start3A_299] : memref<2560x2048xf32, #tpu.memory_space<hbm>> -> memref<1x2048xf32, #tpu.memory_space<hbm>>
        %dma_start3A_301 = tpu.memref_squeeze %dma_start3A_300 : memref<1x2048xf32, #tpu.memory_space<hbm>> -> memref<2048xf32, #tpu.memory_space<hbm>>
        %dma_start3A_302 = tpu.memref_slice %arg14[%rem3A_268] : memref<3x!tpu.dma_semaphore, #tpu.memory_space<semaphore_mem>> -> memref<1x!tpu.dma_semaphore, #tpu.memory_space<semaphore_mem>>
        %dma_start3A_303 = tpu.memref_squeeze %dma_start3A_302 : memref<1x!tpu.dma_semaphore, #tpu.memory_space<semaphore_mem>> -> memref<!tpu.dma_semaphore, #tpu.memory_space<semaphore_mem>>
        %dma_start3A_304 = arith.constant 0 : i32
        %dma_start3A_305 = tpu.memref_slice %arg10[%rem3A_268, %dma_start3A_304] : memref<3x2048xf32, #tpu.memory_space<vmem>> -> memref<1x2048xf32, #tpu.memory_space<vmem>>
        %dma_start3A_306 = tpu.memref_squeeze %dma_start3A_305 : memref<1x2048xf32, #tpu.memory_space<vmem>> -> memref<2048xf32, #tpu.memory_space<vmem>>
        %dma_start3A_307 = arith.constant 0 : i32
        %dma_start3A_308 = tpu.memref_slice %arg5[%add3A_271, %dma_start3A_307] : memref<2560x2048xf32, #tpu.memory_space<hbm>> -> memref<1x2048xf32, #tpu.memory_space<hbm>>
        %dma_start3A_309 = tpu.memref_squeeze %dma_start3A_308 : memref<1x2048xf32, #tpu.memory_space<hbm>> -> memref<2048xf32, #tpu.memory_space<hbm>>
        tpu.enqueue_dma source(%dma_start3A_309 : memref<2048xf32, #tpu.memory_space<hbm>>) target(%dma_start3A_306 : memref<2048xf32, #tpu.memory_space<vmem>>) target_semaphore(%dma_start3A_303 : memref<!tpu.dma_semaphore, #tpu.memory_space<semaphore_mem>>)
      } else {
      }
      %dma_wait3A_233 = arith.constant 0 : i32
      %dma_wait3A_234 = arith.constant 0 : i32
      %dma_wait3A_235 = tpu.memref_slice %arg11[%rem3A_207, %dma_wait3A_233, %dma_wait3A_234] : memref<2x128x128xf32, #tpu.memory_space<vmem>> -> memref<1x128x128xf32, #tpu.memory_space<vmem>>
      %dma_wait3A_236 = tpu.memref_squeeze %dma_wait3A_235 : memref<1x128x128xf32, #tpu.memory_space<vmem>> -> memref<128x128xf32, #tpu.memory_space<vmem>>
      %dma_wait3A_237 = arith.constant 0 : i32
      %dma_wait3A_238 = arith.constant 0 : i32
      %dma_wait3A_239 = tpu.memref_slice %arg2[%dma_wait3A_237, %dma_wait3A_238] : memref<10000x128xf32, #tpu.memory_space<hbm>> -> memref<128x128xf32, #tpu.memory_space<hbm>>
      %dma_wait3A_240 = tpu.memref_slice %arg13[%rem3A_207] : memref<2x!tpu.dma_semaphore, #tpu.memory_space<semaphore_mem>> -> memref<1x!tpu.dma_semaphore, #tpu.memory_space<semaphore_mem>>
      %dma_wait3A_241 = tpu.memref_squeeze %dma_wait3A_240 : memref<1x!tpu.dma_semaphore, #tpu.memory_space<semaphore_mem>> -> memref<!tpu.dma_semaphore, #tpu.memory_space<semaphore_mem>>
      %dma_wait3A_242 = arith.constant 0 : i32
      %dma_wait3A_243 = arith.constant 0 : i32
      %dma_wait3A_244 = tpu.memref_slice %arg11[%rem3A_207, %dma_wait3A_242, %dma_wait3A_243] : memref<2x128x128xf32, #tpu.memory_space<vmem>> -> memref<1x128x128xf32, #tpu.memory_space<vmem>>
      %dma_wait3A_245 = tpu.memref_squeeze %dma_wait3A_244 : memref<1x128x128xf32, #tpu.memory_space<vmem>> -> memref<128x128xf32, #tpu.memory_space<vmem>>
      %dma_wait3A_246 = arith.constant 0 : i32
      %dma_wait3A_247 = arith.constant 0 : i32
      %dma_wait3A_248 = tpu.memref_slice %arg2[%dma_wait3A_246, %dma_wait3A_247] : memref<10000x128xf32, #tpu.memory_space<hbm>> -> memref<128x128xf32, #tpu.memory_space<hbm>>
      tpu.wait_dma2 semaphore(%dma_wait3A_241 : memref<!tpu.dma_semaphore, #tpu.memory_space<semaphore_mem>>) src(%dma_wait3A_248 : memref<128x128xf32, #tpu.memory_space<hbm>>) dst(%dma_wait3A_245 : memref<128x128xf32, #tpu.memory_space<vmem>>)
      %parallel_loop3A = arith.constant 0 : i32
      %parallel_loop3A_249 = arith.constant 128 : i32
      %parallel_loop3A_250 = arith.constant 1 : i32
      scf.for %parallel_loop3A_263 = %parallel_loop3A to %parallel_loop3A_249 step %parallel_loop3A_250  : i32 {
        %parallel_loop3A_264 = arith.constant 16 : i32
        %parallel_loop3A_265 = arith.muli %parallel_loop3A_263, %parallel_loop3A_264 : i32
        %parallel_loop3A_266 = arith.index_cast %rem3A_213 : i32 to index
        %parallel_loop3A_267 = arith.index_cast %parallel_loop3A_265 : i32 to index
        %parallel_loop3A_268 = tpu.vector_load %arg10[%parallel_loop3A_266, %parallel_loop3A_267] {strides = array<i32>} : memref<3x2048xf32, #tpu.memory_space<vmem>>, vector<1x16xf32>,
        %parallel_loop3A_269 = vector.shape_cast %parallel_loop3A_268 : vector<1x16xf32> to vector<16xf32>
        %parallel_loop3A_270 = arith.index_cast %rem3A_207 : i32 to index
        %parallel_loop3A_271 = arith.index_cast %parallel_loop3A_263 : i32 to index
        %parallel_loop3A_272 = arith.constant 0 : index
        %parallel_loop3A_273 = tpu.vector_load %arg11[%parallel_loop3A_270, %parallel_loop3A_271, %parallel_loop3A_272] {strides = array<i32>} : memref<2x128x128xf32, #tpu.memory_space<vmem>>, vector<1x1x16xf32>,
        %parallel_loop3A_274 = vector.shape_cast %parallel_loop3A_273 : vector<1x1x16xf32> to vector<16xf32>
        %parallel_loop3A_275 = arith.mulf %parallel_loop3A_274, %parallel_loop3A_269 : vector<16xf32>
        %parallel_loop3A_276 = arith.index_cast %rem3A_207 : i32 to index
        %parallel_loop3A_277 = arith.index_cast %parallel_loop3A_263 : i32 to index
        %parallel_loop3A_278 = arith.constant 0 : index
        %parallel_loop3A_279 = tpu.vector_load %arg11[%parallel_loop3A_276, %parallel_loop3A_277, %parallel_loop3A_278] {strides = array<i32>} : memref<2x128x128xf32, #tpu.memory_space<vmem>>, vector<1x1x16xf32>,
        %parallel_loop3A_280 = vector.shape_cast %parallel_loop3A_279 : vector<1x1x16xf32> to vector<16xf32>
        %parallel_loop3A_281 = vector.shape_cast %parallel_loop3A_275 : vector<16xf32> to vector<1x1x16xf32>
        tpu.vector_store %arg11[%parallel_loop3A_276, %parallel_loop3A_277, %parallel_loop3A_278], %parallel_loop3A_281 {strides = array<i32>} : memref<2x128x128xf32, #tpu.memory_space<vmem>>, vector<1x1x16xf32>,
        %parallel_loop3A_282 = arith.index_cast %rem3A_207 : i32 to index
        %parallel_loop3A_283 = arith.index_cast %parallel_loop3A_263 : i32 to index
        %parallel_loop3A_284 = arith.constant 16 : index
        %parallel_loop3A_285 = tpu.vector_load %arg11[%parallel_loop3A_282, %parallel_loop3A_283, %parallel_loop3A_284] {strides = array<i32>} : memref<2x128x128xf32, #tpu.memory_space<vmem>>, vector<1x1x16xf32>,
        %parallel_loop3A_286 = vector.shape_cast %parallel_loop3A_285 : vector<1x1x16xf32> to vector<16xf32>
        %parallel_loop3A_287 = arith.mulf %parallel_loop3A_286, %parallel_loop3A_269 : vector<16xf32>
        %parallel_loop3A_288 = arith.index_cast %rem3A_207 : i32 to index
        %parallel_loop3A_289 = arith.index_cast %parallel_loop3A_263 : i32 to index
        %parallel_loop3A_290 = arith.constant 16 : index
        %parallel_loop3A_291 = tpu.vector_load %arg11[%parallel_loop3A_288, %parallel_loop3A_289, %parallel_loop3A_290] {strides = array<i32>} : memref<2x128x128xf32, #tpu.memory_space<vmem>>, vector<1x1x16xf32>,
        %parallel_loop3A_292 = vector.shape_cast %parallel_loop3A_291 : vector<1x1x16xf32> to vector<16xf32>
        %parallel_loop3A_293 = vector.shape_cast %parallel_loop3A_287 : vector<16xf32> to vector<1x1x16xf32>
        tpu.vector_store %arg11[%parallel_loop3A_288, %parallel_loop3A_289, %parallel_loop3A_290], %parallel_loop3A_293 {strides = array<i32>} : memref<2x128x128xf32, #tpu.memory_space<vmem>>, vector<1x1x16xf32>,
        %parallel_loop3A_294 = arith.index_cast %rem3A_207 : i32 to index
        %parallel_loop3A_295 = arith.index_cast %parallel_loop3A_263 : i32 to index
        %parallel_loop3A_296 = arith.constant 32 : index
        %parallel_loop3A_297 = tpu.vector_load %arg11[%parallel_loop3A_294, %parallel_loop3A_295, %parallel_loop3A_296] {strides = array<i32>} : memref<2x128x128xf32, #tpu.memory_space<vmem>>, vector<1x1x16xf32>,
        %parallel_loop3A_298 = vector.shape_cast %parallel_loop3A_297 : vector<1x1x16xf32> to vector<16xf32>
        %parallel_loop3A_299 = arith.mulf %parallel_loop3A_298, %parallel_loop3A_269 : vector<16xf32>
        %parallel_loop3A_300 = arith.index_cast %rem3A_207 : i32 to index
        %parallel_loop3A_301 = arith.index_cast %parallel_loop3A_263 : i32 to index
        %parallel_loop3A_302 = arith.constant 32 : index
        %parallel_loop3A_303 = tpu.vector_load %arg11[%parallel_loop3A_300, %parallel_loop3A_301, %parallel_loop3A_302] {strides = array<i32>} : memref<2x128x128xf32, #tpu.memory_space<vmem>>, vector<1x1x16xf32>,
        %parallel_loop3A_304 = vector.shape_cast %parallel_loop3A_303 : vector<1x1x16xf32> to vector<16xf32>
        %parallel_loop3A_305 = vector.shape_cast %parallel_loop3A_299 : vector<16xf32> to vector<1x1x16xf32>
        tpu.vector_store %arg11[%parallel_loop3A_300, %parallel_loop3A_301, %parallel_loop3A_302], %parallel_loop3A_305 {strides = array<i32>} : memref<2x128x128xf32, #tpu.memory_space<vmem>>, vector<1x1x16xf32>,
        %parallel_loop3A_306 = arith.index_cast %rem3A_207 : i32 to index
        %parallel_loop3A_307 = arith.index_cast %parallel_loop3A_263 : i32 to index
        %parallel_loop3A_308 = arith.constant 48 : index
        %parallel_loop3A_309 = tpu.vector_load %arg11[%parallel_loop3A_306, %parallel_loop3A_307, %parallel_loop3A_308] {strides = array<i32>} : memref<2x128x128xf32, #tpu.memory_space<vmem>>, vector<1x1x16xf32>,
        %parallel_loop3A_310 = vector.shape_cast %parallel_loop3A_309 : vector<1x1x16xf32> to vector<16xf32>
        %parallel_loop3A_311 = arith.mulf %parallel_loop3A_310, %parallel_loop3A_269 : vector<16xf32>
        %parallel_loop3A_312 = arith.index_cast %rem3A_207 : i32 to index
        %parallel_loop3A_313 = arith.index_cast %parallel_loop3A_263 : i32 to index
        %parallel_loop3A_314 = arith.constant 48 : index
        %parallel_loop3A_315 = tpu.vector_load %arg11[%parallel_loop3A_312, %parallel_loop3A_313, %parallel_loop3A_314] {strides = array<i32>} : memref<2x128x128xf32, #tpu.memory_space<vmem>>, vector<1x1x16xf32>,
        %parallel_loop3A_316 = vector.shape_cast %parallel_loop3A_315 : vector<1x1x16xf32> to vector<16xf32>
        %parallel_loop3A_317 = vector.shape_cast %parallel_loop3A_311 : vector<16xf32> to vector<1x1x16xf32>
        tpu.vector_store %arg11[%parallel_loop3A_312, %parallel_loop3A_313, %parallel_loop3A_314], %parallel_loop3A_317 {strides = array<i32>} : memref<2x128x128xf32, #tpu.memory_space<vmem>>, vector<1x1x16xf32>,
        %parallel_loop3A_318 = arith.index_cast %rem3A_207 : i32 to index
        %parallel_loop3A_319 = arith.index_cast %parallel_loop3A_263 : i32 to index
        %parallel_loop3A_320 = arith.constant 64 : index
        %parallel_loop3A_321 = tpu.vector_load %arg11[%parallel_loop3A_318, %parallel_loop3A_319, %parallel_loop3A_320] {strides = array<i32>} : memref<2x128x128xf32, #tpu.memory_space<vmem>>, vector<1x1x16xf32>,
        %parallel_loop3A_322 = vector.shape_cast %parallel_loop3A_321 : vector<1x1x16xf32> to vector<16xf32>
        %parallel_loop3A_323 = arith.mulf %parallel_loop3A_322, %parallel_loop3A_269 : vector<16xf32>
        %parallel_loop3A_324 = arith.index_cast %rem3A_207 : i32 to index
        %parallel_loop3A_325 = arith.index_cast %parallel_loop3A_263 : i32 to index
        %parallel_loop3A_326 = arith.constant 64 : index
        %parallel_loop3A_327 = tpu.vector_load %arg11[%parallel_loop3A_324, %parallel_loop3A_325, %parallel_loop3A_326] {strides = array<i32>} : memref<2x128x128xf32, #tpu.memory_space<vmem>>, vector<1x1x16xf32>,
        %parallel_loop3A_328 = vector.shape_cast %parallel_loop3A_327 : vector<1x1x16xf32> to vector<16xf32>
        %parallel_loop3A_329 = vector.shape_cast %parallel_loop3A_323 : vector<16xf32> to vector<1x1x16xf32>
        tpu.vector_store %arg11[%parallel_loop3A_324, %parallel_loop3A_325, %parallel_loop3A_326], %parallel_loop3A_329 {strides = array<i32>} : memref<2x128x128xf32, #tpu.memory_space<vmem>>, vector<1x1x16xf32>,
        %parallel_loop3A_330 = arith.index_cast %rem3A_207 : i32 to index
        %parallel_loop3A_331 = arith.index_cast %parallel_loop3A_263 : i32 to index
        %parallel_loop3A_332 = arith.constant 80 : index
        %parallel_loop3A_333 = tpu.vector_load %arg11[%parallel_loop3A_330, %parallel_loop3A_331, %parallel_loop3A_332] {strides = array<i32>} : memref<2x128x128xf32, #tpu.memory_space<vmem>>, vector<1x1x16xf32>,
        %parallel_loop3A_334 = vector.shape_cast %parallel_loop3A_333 : vector<1x1x16xf32> to vector<16xf32>
        %parallel_loop3A_335 = arith.mulf %parallel_loop3A_334, %parallel_loop3A_269 : vector<16xf32>
        %parallel_loop3A_336 = arith.index_cast %rem3A_207 : i32 to index
        %parallel_loop3A_337 = arith.index_cast %parallel_loop3A_263 : i32 to index
        %parallel_loop3A_338 = arith.constant 80 : index
        %parallel_loop3A_339 = tpu.vector_load %arg11[%parallel_loop3A_336, %parallel_loop3A_337, %parallel_loop3A_338] {strides = array<i32>} : memref<2x128x128xf32, #tpu.memory_space<vmem>>, vector<1x1x16xf32>,
        %parallel_loop3A_340 = vector.shape_cast %parallel_loop3A_339 : vector<1x1x16xf32> to vector<16xf32>
        %parallel_loop3A_341 = vector.shape_cast %parallel_loop3A_335 : vector<16xf32> to vector<1x1x16xf32>
        tpu.vector_store %arg11[%parallel_loop3A_336, %parallel_loop3A_337, %parallel_loop3A_338], %parallel_loop3A_341 {strides = array<i32>} : memref<2x128x128xf32, #tpu.memory_space<vmem>>, vector<1x1x16xf32>,
        %parallel_loop3A_342 = arith.index_cast %rem3A_207 : i32 to index
        %parallel_loop3A_343 = arith.index_cast %parallel_loop3A_263 : i32 to index
        %parallel_loop3A_344 = arith.constant 96 : index
        %parallel_loop3A_345 = tpu.vector_load %arg11[%parallel_loop3A_342, %parallel_loop3A_343, %parallel_loop3A_344] {strides = array<i32>} : memref<2x128x128xf32, #tpu.memory_space<vmem>>, vector<1x1x16xf32>,
        %parallel_loop3A_346 = vector.shape_cast %parallel_loop3A_345 : vector<1x1x16xf32> to vector<16xf32>
        %parallel_loop3A_347 = arith.mulf %parallel_loop3A_346, %parallel_loop3A_269 : vector<16xf32>
        %parallel_loop3A_348 = arith.index_cast %rem3A_207 : i32 to index
        %parallel_loop3A_349 = arith.index_cast %parallel_loop3A_263 : i32 to index
        %parallel_loop3A_350 = arith.constant 96 : index
        %parallel_loop3A_351 = tpu.vector_load %arg11[%parallel_loop3A_348, %parallel_loop3A_349, %parallel_loop3A_350] {strides = array<i32>} : memref<2x128x128xf32, #tpu.memory_space<vmem>>, vector<1x1x16xf32>,
        %parallel_loop3A_352 = vector.shape_cast %parallel_loop3A_351 : vector<1x1x16xf32> to vector<16xf32>
        %parallel_loop3A_353 = vector.shape_cast %parallel_loop3A_347 : vector<16xf32> to vector<1x1x16xf32>
        tpu.vector_store %arg11[%parallel_loop3A_348, %parallel_loop3A_349, %parallel_loop3A_350], %parallel_loop3A_353 {strides = array<i32>} : memref<2x128x128xf32, #tpu.memory_space<vmem>>, vector<1x1x16xf32>,
        %parallel_loop3A_354 = arith.index_cast %rem3A_207 : i32 to index
        %parallel_loop3A_355 = arith.index_cast %parallel_loop3A_263 : i32 to index
        %parallel_loop3A_356 = arith.constant 112 : index
        %parallel_loop3A_357 = tpu.vector_load %arg11[%parallel_loop3A_354, %parallel_loop3A_355, %parallel_loop3A_356] {strides = array<i32>} : memref<2x128x128xf32, #tpu.memory_space<vmem>>, vector<1x1x16xf32>,
        %parallel_loop3A_358 = vector.shape_cast %parallel_loop3A_357 : vector<1x1x16xf32> to vector<16xf32>
        %parallel_loop3A_359 = arith.mulf %parallel_loop3A_358, %parallel_loop3A_269 : vector<16xf32>
        %parallel_loop3A_360 = arith.index_cast %rem3A_207 : i32 to index
        %parallel_loop3A_361 = arith.index_cast %parallel_loop3A_263 : i32 to index
        %parallel_loop3A_362 = arith.constant 112 : index
        %parallel_loop3A_363 = tpu.vector_load %arg11[%parallel_loop3A_360, %parallel_loop3A_361, %parallel_loop3A_362] {strides = array<i32>} : memref<2x128x128xf32, #tpu.memory_space<vmem>>, vector<1x1x16xf32>,
        %parallel_loop3A_364 = vector.shape_cast %parallel_loop3A_363 : vector<1x1x16xf32> to vector<16xf32>
        %parallel_loop3A_365 = vector.shape_cast %parallel_loop3A_359 : vector<16xf32> to vector<1x1x16xf32>
        tpu.vector_store %arg11[%parallel_loop3A_360, %parallel_loop3A_361, %parallel_loop3A_362], %parallel_loop3A_365 {strides = array<i32>} : memref<2x128x128xf32, #tpu.memory_space<vmem>>, vector<1x1x16xf32>,
      } {sc.loop_unroll_factor = 8 : i64, sc.parallel_access}
      %dma_start3A_251 = arith.constant 0 : i32
      %dma_start3A_252 = arith.constant 0 : i32
      %dma_start3A_253 = tpu.memref_slice %arg11[%rem3A_207, %dma_start3A_251, %dma_start3A_252] : memref<2x128x128xf32, #tpu.memory_space<vmem>> -> memref<1x128x128xf32, #tpu.memory_space<vmem>>
      %dma_start3A_254 = tpu.memref_squeeze %dma_start3A_253 : memref<1x128x128xf32, #tpu.memory_space<vmem>> -> memref<128x128xf32, #tpu.memory_space<vmem>>
      %dma_start3A_255 = arith.constant 0 : i32
      %dma_start3A_256 = tpu.memref_slice %arg8[%rem3A_213, %dma_start3A_255] : memref<3x128xi32, #tpu.memory_space<vmem>> -> memref<1x128xi32, #tpu.memory_space<vmem>>
      %dma_start3A_257 = tpu.memref_squeeze %dma_start3A_256 : memref<1x128xi32, #tpu.memory_space<vmem>> -> memref<128xi32, #tpu.memory_space<vmem>>
      %dma_start3A_258 = arith.constant 0 : i32
      %dma_start3A_259 = arith.constant 0 : i32
      %dma_start3A_260 = tpu.memref_slice %arg12[%dma_start3A_258, %dma_start3A_259] : memref<10240x128xf32, #tpu.memory_space<vmem_shared>> -> memref<10240x128xf32, #tpu.memory_space<vmem_shared>>
      %dma_start3A_261 = tpu.memref_slice %arg15[%rem3A_207] : memref<2x!tpu.dma_semaphore, #tpu.memory_space<semaphore_mem>> -> memref<1x!tpu.dma_semaphore, #tpu.memory_space<semaphore_mem>>
      %dma_start3A_262 = tpu.memref_squeeze %dma_start3A_261 : memref<1x!tpu.dma_semaphore, #tpu.memory_space<semaphore_mem>> -> memref<!tpu.dma_semaphore, #tpu.memory_space<semaphore_mem>>
      tpu.enqueue_indirect_dma source(%dma_start3A_254 : memref<128x128xf32, #tpu.memory_space<vmem>>) target(%dma_start3A_260 : memref<10240x128xf32, #tpu.memory_space<vmem_shared>>) offsets(%dma_start3A_257 : memref<128xi32, #tpu.memory_space<vmem>>) semaphore(%dma_start3A_262 : memref<!tpu.dma_semaphore, #tpu.memory_space<semaphore_mem>>) {add = true}
    }
    %scan3A_184 = arith.constant 80 : i32
    %rem3A = arith.constant 79 : i32
    %rem3A_185 = arith.constant 2 : i32
    %rem3A_186 = arith.remsi %rem3A, %rem3A_185 : i32
    %dma_wait3A_187 = arith.constant 0 : i32
    %dma_wait3A_188 = arith.constant 0 : i32
    %dma_wait3A_189 = arith.constant 0 : i32
    %dma_wait3A_190 = tpu.memref_slice %arg11[%rem3A_186, %dma_wait3A_188, %dma_wait3A_189] : memref<2x128x128xf32, #tpu.memory_space<vmem>> -> memref<1x128x128xf32, #tpu.memory_space<vmem>>
    %dma_wait3A_191 = tpu.memref_squeeze %dma_wait3A_190 : memref<1x128x128xf32, #tpu.memory_space<vmem>> -> memref<128x128xf32, #tpu.memory_space<vmem>>
    %dma_wait3A_192 = arith.constant 0 : i32
    %dma_wait3A_193 = tpu.memref_slice %arg8[%dma_wait3A_187, %dma_wait3A_192] : memref<3x128xi32, #tpu.memory_space<vmem>> -> memref<1x128xi32, #tpu.memory_space<vmem>>
    %dma_wait3A_194 = tpu.memref_squeeze %dma_wait3A_193 : memref<1x128xi32, #tpu.memory_space<vmem>> -> memref<128xi32, #tpu.memory_space<vmem>>
    %dma_wait3A_195 = arith.constant 0 : i32
    %dma_wait3A_196 = arith.constant 0 : i32
    %dma_wait3A_197 = tpu.memref_slice %arg12[%dma_wait3A_195, %dma_wait3A_196] : memref<10240x128xf32, #tpu.memory_space<vmem_shared>> -> memref<10240x128xf32, #tpu.memory_space<vmem_shared>>
    %dma_wait3A_198 = tpu.memref_slice %arg15[%rem3A_186] : memref<2x!tpu.dma_semaphore, #tpu.memory_space<semaphore_mem>> -> memref<1x!tpu.dma_semaphore, #tpu.memory_space<semaphore_mem>>
    %dma_wait3A_199 = tpu.memref_squeeze %dma_wait3A_198 : memref<1x!tpu.dma_semaphore, #tpu.memory_space<semaphore_mem>> -> memref<!tpu.dma_semaphore, #tpu.memory_space<semaphore_mem>>
    tpu.wait_indirect_dma semaphore(%dma_wait3A_199 : memref<!tpu.dma_semaphore, #tpu.memory_space<semaphore_mem>>) src(%dma_wait3A_191 : memref<128x128xf32, #tpu.memory_space<vmem>>) dst(%dma_wait3A_197 : memref<10240x128xf32, #tpu.memory_space<vmem_shared>>)
    %barrier3A_200 = arith.constant 0 : index
    tpu.barrier barrier_id(%barrier3A_200)
    %mul3A_201 = arith.constant 640 : i32
    %mul3A_202 = arith.muli %arg1, %mul3A_201 : i32
    %mul3A_203 = arith.constant 640 : i32
    %mul3A_204 = arith.muli %arg1, %mul3A_203 : i32
    "tpu.region"() ({
      %run_scoped3A_205 = tpu.sem_alloc : memref<!tpu.dma_semaphore, #tpu.memory_space<semaphore_mem>>
      %dma_start3A_206 = arith.constant 0 : i32
      %dma_start3A_207 = arith.constant 0 : i32
      %dma_start3A_208 = tpu.memref_slice %arg7[%arg0, %dma_start3A_206, %dma_start3A_207] : memref<2x10240x128xf32, #tpu.memory_space<hbm>> -> memref<1x10240x128xf32, #tpu.memory_space<hbm>>
      %dma_start3A_209 = tpu.memref_squeeze %dma_start3A_208 : memref<1x10240x128xf32, #tpu.memory_space<hbm>> -> memref<10240x128xf32, #tpu.memory_space<hbm>>
      %dma_start3A_210 = arith.constant 0 : i32
      %dma_start3A_211 = tpu.memref_slice %dma_start3A_209[%mul3A_204, %dma_start3A_210] : memref<10240x128xf32, #tpu.memory_space<hbm>> -> memref<640x128xf32, #tpu.memory_space<hbm>>
      %dma_start3A_212 = arith.constant 0 : i32
      %dma_start3A_213 = tpu.memref_slice %arg12[%mul3A_202, %dma_start3A_212] : memref<10240x128xf32, #tpu.memory_space<vmem_shared>> -> memref<640x128xf32, #tpu.memory_space<vmem_shared>>
      tpu.enqueue_dma source(%dma_start3A_213 : memref<640x128xf32, #tpu.memory_space<vmem_shared>>) target(%dma_start3A_211 : memref<640x128xf32, #tpu.memory_space<hbm>>) target_semaphore(%run_scoped3A_205 : memref<!tpu.dma_semaphore, #tpu.memory_space<semaphore_mem>>)
      %dma_wait3A_214 = arith.constant 0 : i32
      %dma_wait3A_215 = arith.constant 0 : i32
      %dma_wait3A_216 = tpu.memref_slice %arg7[%arg0, %dma_wait3A_214, %dma_wait3A_215] : memref<2x10240x128xf32, #tpu.memory_space<hbm>> -> memref<1x10240x128xf32, #tpu.memory_space<hbm>>
      %dma_wait3A_217 = tpu.memref_squeeze %dma_wait3A_216 : memref<1x10240x128xf32, #tpu.memory_space<hbm>> -> memref<10240x128xf32, #tpu.memory_space<hbm>>
      %dma_wait3A_218 = arith.constant 0 : i32
      %dma_wait3A_219 = tpu.memref_slice %dma_wait3A_217[%mul3A_204, %dma_wait3A_218] : memref<10240x128xf32, #tpu.memory_space<hbm>> -> memref<640x128xf32, #tpu.memory_space<hbm>>
      %dma_wait3A_220 = arith.constant 0 : i32
      %dma_wait3A_221 = tpu.memref_slice %arg12[%mul3A_202, %dma_wait3A_220] : memref<10240x128xf32, #tpu.memory_space<vmem_shared>> -> memref<640x128xf32, #tpu.memory_space<vmem_shared>>
      tpu.wait_dma2 semaphore(%run_scoped3A_205 : memref<!tpu.dma_semaphore, #tpu.memory_space<semaphore_mem>>) src(%dma_wait3A_221 : memref<640x128xf32, #tpu.memory_space<vmem_shared>>) dst(%dma_wait3A_219 : memref<640x128xf32, #tpu.memory_space<hbm>>)
      tpu.yield
    }) : () -> ()
    return
  }
}

module attributes {stable_mosaic.version = 14 : i64} {
  func.func @_expand_body(%arg0: i32, %arg1: memref<640x128xf32, #tpu.memory_space<vmem>>, %arg2: memref<640x2048xf32, #tpu.memory_space<vmem>>) attributes {dimension_semantics = [#tpu.dimension_semantics<arbitrary>], iteration_bounds = array<i64: 4>, scalar_prefetch = 0 : i64, scratch_operands = 0 : i64, tpu.core_type = #tpu.core_type<tc>, window_params = [{transform_indices = @transform_0, window_bounds = array<i64: 640, 128>}, {transform_indices = @transform_1, window_bounds = array<i64: 640, 2048>}]} {
    %iota3A = tpu.iota {dimensions = array<i32: 1>} : vector<128x2048xi32>
    %iota3A_0 = tpu.iota {dimensions = array<i32: 0>} : vector<128x2048xi32>
    %jit3A = arith.constant 16 : i32
    %div3A = vector.broadcast %jit3A : i32 to vector<128x2048xi32>
    %div3A_1 = arith.divsi %iota3A, %div3A : vector<128x2048xi32>
    %sign3A = arith.constant 0 : i32
    %sign3A_2 = vector.broadcast %sign3A : i32 to vector<128x2048xi32>
    %sign3A_3 = arith.cmpi sgt, %iota3A, %sign3A_2 : vector<128x2048xi32>
    %sign3A_4 = arith.extui %sign3A_3 : vector<128x2048xi1> to vector<128x2048xi32>
    %sign3A_5 = arith.constant 0 : i32
    %sign3A_6 = vector.broadcast %sign3A_5 : i32 to vector<128x2048xi32>
    %sign3A_7 = arith.cmpi slt, %iota3A, %sign3A_6 : vector<128x2048xi32>
    %sign3A_8 = arith.extui %sign3A_7 : vector<128x2048xi1> to vector<128x2048xi32>
    %sign3A_9 = arith.subi %sign3A_4, %sign3A_8 : vector<128x2048xi32>
    %sign3A_10 = arith.constant 0 : i32
    %sign3A_11 = arith.cmpi sgt, %jit3A, %sign3A_10 : i32
    %sign3A_12 = arith.extui %sign3A_11 : i1 to i32
    %sign3A_13 = arith.constant 0 : i32
    %sign3A_14 = arith.cmpi slt, %jit3A, %sign3A_13 : i32
    %sign3A_15 = arith.extui %sign3A_14 : i1 to i32
    %sign3A_16 = arith.subi %sign3A_12, %sign3A_15 : i32
    %ne3A = vector.broadcast %sign3A_16 : i32 to vector<128x2048xi32>
    %ne3A_17 = arith.cmpi ne, %sign3A_9, %ne3A : vector<128x2048xi32>
    %rem3A = vector.broadcast %jit3A : i32 to vector<128x2048xi32>
    %rem3A_18 = arith.remsi %iota3A, %rem3A : vector<128x2048xi32>
    %ne3A_19 = arith.constant 0 : i32
    %ne3A_20 = vector.broadcast %ne3A_19 : i32 to vector<128x2048xi32>
    %ne3A_21 = arith.cmpi ne, %rem3A_18, %ne3A_20 : vector<128x2048xi32>
    %and3A = arith.andi %ne3A_17, %ne3A_21 : vector<128x2048xi1>
    %sub3A = arith.constant 1 : i32
    %sub3A_22 = vector.broadcast %sub3A : i32 to vector<128x2048xi32>
    %sub3A_23 = arith.subi %div3A_1, %sub3A_22 : vector<128x2048xi32>
    %select_n3A = arith.select %and3A, %sub3A_23, %div3A_1 : vector<128x2048xi1>, vector<128x2048xi32>
    %eq3A = arith.cmpi eq, %select_n3A, %iota3A_0 : vector<128x2048xi32>
    %convert_element_type3A = arith.extui %eq3A : vector<128x2048xi1> to vector<128x2048xi32>
    %convert_element_type3A_24 = arith.sitofp %convert_element_type3A : vector<128x2048xi32> to vector<128x2048xf32>
    %get3A = arith.constant 0 : index
    %get3A_25 = arith.constant 0 : index
    %get3A_26 = vector.load %arg1[%get3A, %get3A_25] : memref<640x128xf32, #tpu.memory_space<vmem>>, vector<640x128xf32>
    %dot_general3A = arith.constant dense<0.000000e+00> : vector<640x2048xf32>
    %dot_general3A_27 = tpu.matmul %get3A_26, %convert_element_type3A_24, %dot_general3A {dimension_numbers = #tpu.dot_dimension_numbers<[1], [0], [0], [1], [0, 0, 1, 1], [], []>, transpose_lhs_hint = false} : vector<640x128xf32>, vector<128x2048xf32>, vector<640x2048xf32> -> vector<640x2048xf32>
    %swap3A = arith.constant 0 : index
    %swap3A_28 = arith.constant 0 : index
    %swap3A_29 = vector.load %arg2[%swap3A, %swap3A_28] : memref<640x2048xf32, #tpu.memory_space<vmem>>, vector<640x2048xf32>
    tpu.vector_store %arg2[%swap3A, %swap3A_28], %dot_general3A_27 {strides = array<i32>} : memref<640x2048xf32, #tpu.memory_space<vmem>>, vector<640x2048xf32>,
    return
  }
  func.func @transform_0(%arg0: i32) -> (i32, i32) {
    %c0_i32 = arith.constant 0 : i32
    %c0_i32_0 = arith.constant 0 : i32
    return %arg0, %c0_i32 : i32, i32
  }
  func.func @transform_1(%arg0: i32) -> (i32, i32) {
    %c0_i32 = arith.constant 0 : i32
    %c0_i32_0 = arith.constant 0 : i32
    return %arg0, %c0_i32 : i32, i32
  }
}

module attributes {stable_mosaic.version = 14 : i64} {
  func.func @_mm_relu_body(%arg0: memref<10000x128xf32, #tpu.memory_space<vmem>>, %arg1: memref<128x128xf32, #tpu.memory_space<vmem>>, %arg2: memref<10000x128xf32, #tpu.memory_space<vmem>>) attributes {dimension_semantics = [], scalar_prefetch = 0 : i64, scratch_operands = 0 : i64, tpu.core_type = #tpu.core_type<tc>} {
    %get3A = arith.constant 0 : index
    %get3A_0 = arith.constant 0 : index
    %get3A_1 = vector.load %arg0[%get3A, %get3A_0] : memref<10000x128xf32, #tpu.memory_space<vmem>>, vector<10000x128xf32>
    %get3A_2 = arith.constant 0 : index
    %get3A_3 = arith.constant 0 : index
    %get3A_4 = vector.load %arg1[%get3A_2, %get3A_3] : memref<128x128xf32, #tpu.memory_space<vmem>>, vector<128x128xf32>
    %dot_general3A = arith.constant dense<0.000000e+00> : vector<10000x128xf32>
    %dot_general3A_5 = tpu.matmul %get3A_1, %get3A_4, %dot_general3A {dimension_numbers = #tpu.dot_dimension_numbers<[1], [0], [0], [1], [0, 0, 1, 1], [], []>, transpose_lhs_hint = false} : vector<10000x128xf32>, vector<128x128xf32>, vector<10000x128xf32> -> vector<10000x128xf32>
    %max3A = arith.constant 0.000000e+00 : f32
    %max3A_6 = vector.broadcast %max3A : f32 to vector<10000x128xf32>
    %max3A_7 = arith.maximumf %dot_general3A_5, %max3A_6 : vector<10000x128xf32>
    %swap3A = arith.constant 0 : index
    %swap3A_8 = arith.constant 0 : index
    %swap3A_9 = vector.load %arg2[%swap3A, %swap3A_8] : memref<10000x128xf32, #tpu.memory_space<vmem>>, vector<10000x128xf32>
    tpu.vector_store %arg2[%swap3A, %swap3A_8], %max3A_7 {strides = array<i32>} : memref<10000x128xf32, #tpu.memory_space<vmem>>, vector<10000x128xf32>,
    return
  }
}

module attributes {stable_mosaic.version = 14 : i64} {
  func.func @_merge_body(%arg0: memref<2x10240x128xf32, #tpu.memory_space<vmem>>, %arg1: memref<10000x128xf32, #tpu.memory_space<vmem>>) attributes {dimension_semantics = [], scalar_prefetch = 0 : i64, scratch_operands = 0 : i64, tpu.core_type = #tpu.core_type<tc>} {
    %get3A = arith.constant 0 : index
    %get3A_0 = arith.constant 0 : index
    %get3A_1 = arith.constant 0 : index
    %get3A_2 = vector.load %arg0[%get3A, %get3A_0, %get3A_1] : memref<2x10240x128xf32, #tpu.memory_space<vmem>>, vector<1x10000x128xf32>
    %get3A_3 = vector.shape_cast %get3A_2 : vector<1x10000x128xf32> to vector<10000x128xf32>
    %get3A_4 = arith.constant 1 : index
    %get3A_5 = arith.constant 0 : index
    %get3A_6 = arith.constant 0 : index
    %get3A_7 = vector.load %arg0[%get3A_4, %get3A_5, %get3A_6] : memref<2x10240x128xf32, #tpu.memory_space<vmem>>, vector<1x10000x128xf32>
    %get3A_8 = vector.shape_cast %get3A_7 : vector<1x10000x128xf32> to vector<10000x128xf32>
    %add3A = arith.addf %get3A_3, %get3A_8 : vector<10000x128xf32>
    %swap3A = arith.constant 0 : index
    %swap3A_9 = arith.constant 0 : index
    %swap3A_10 = vector.load %arg1[%swap3A, %swap3A_9] : memref<10000x128xf32, #tpu.memory_space<vmem>>, vector<10000x128xf32>
    tpu.vector_store %arg1[%swap3A, %swap3A_9], %add3A {strides = array<i32>} : memref<10000x128xf32, #tpu.memory_space<vmem>>, vector<10000x128xf32>,
    return
  }
}

module attributes {stable_mosaic.version = 14 : i64} {
  func.func @_final_body(%arg0: memref<10000x128xf32, #tpu.memory_space<vmem>>, %arg1: memref<2x10240x128xf32, #tpu.memory_space<vmem>>, %arg2: memref<128x128xf32, #tpu.memory_space<vmem>>, %arg3: memref<1x128xf32, #tpu.memory_space<vmem>>, %arg4: memref<10000x128xf32, #tpu.memory_space<vmem>>) attributes {dimension_semantics = [], scalar_prefetch = 0 : i64, scratch_operands = 0 : i64, tpu.core_type = #tpu.core_type<tc>} {
    %get3A = arith.constant 0 : index
    %get3A_0 = arith.constant 0 : index
    %get3A_1 = vector.load %arg0[%get3A, %get3A_0] : memref<10000x128xf32, #tpu.memory_space<vmem>>, vector<10000x128xf32>
    %get3A_2 = arith.constant 0 : index
    %get3A_3 = arith.constant 0 : index
    %get3A_4 = arith.constant 0 : index
    %get3A_5 = vector.load %arg1[%get3A_2, %get3A_3, %get3A_4] : memref<2x10240x128xf32, #tpu.memory_space<vmem>>, vector<1x10000x128xf32>
    %get3A_6 = vector.shape_cast %get3A_5 : vector<1x10000x128xf32> to vector<10000x128xf32>
    %add3A = arith.addf %get3A_1, %get3A_6 : vector<10000x128xf32>
    %get3A_7 = arith.constant 1 : index
    %get3A_8 = arith.constant 0 : index
    %get3A_9 = arith.constant 0 : index
    %get3A_10 = vector.load %arg1[%get3A_7, %get3A_8, %get3A_9] : memref<2x10240x128xf32, #tpu.memory_space<vmem>>, vector<1x10000x128xf32>
    %get3A_11 = vector.shape_cast %get3A_10 : vector<1x10000x128xf32> to vector<10000x128xf32>
    %add3A_12 = arith.addf %add3A, %get3A_11 : vector<10000x128xf32>
    %get3A_13 = arith.constant 0 : index
    %get3A_14 = arith.constant 0 : index
    %get3A_15 = vector.load %arg2[%get3A_13, %get3A_14] : memref<128x128xf32, #tpu.memory_space<vmem>>, vector<128x128xf32>
    %dot_general3A = arith.constant dense<0.000000e+00> : vector<10000x128xf32>
    %dot_general3A_16 = tpu.matmul %add3A_12, %get3A_15, %dot_general3A {dimension_numbers = #tpu.dot_dimension_numbers<[1], [1], [0], [0], [0, 0, 1, 0], [], []>, transpose_lhs_hint = false} : vector<10000x128xf32>, vector<128x128xf32>, vector<10000x128xf32> -> vector<10000x128xf32>
    %get3A_17 = arith.constant 0 : index
    %get3A_18 = arith.constant 0 : index
    %get3A_19 = vector.load %arg3[%get3A_17, %get3A_18] : memref<1x128xf32, #tpu.memory_space<vmem>>, vector<1x128xf32>
    %mul3A = arith.constant 2.000000e+00 : f32
    %mul3A_20 = vector.broadcast %mul3A : f32 to vector<1x128xf32>
    %mul3A_21 = arith.mulf %mul3A_20, %get3A_19 : vector<1x128xf32>
    %add3A_22 = vector.broadcast %mul3A_21 : vector<1x128xf32> to vector<10000x128xf32>
    %add3A_23 = arith.addf %dot_general3A_16, %add3A_22 : vector<10000x128xf32>
    %swap3A = arith.constant 0 : index
    %swap3A_24 = arith.constant 0 : index
    %swap3A_25 = vector.load %arg4[%swap3A, %swap3A_24] : memref<10000x128xf32, #tpu.memory_space<vmem>>, vector<10000x128xf32>
    tpu.vector_store %arg4[%swap3A, %swap3A_24], %add3A_23 {strides = array<i32>} : memref<10000x128xf32, #tpu.memory_space<vmem>>, vector<10000x128xf32>,
    return
  }
}

</mosaic_0001>

<sc_bundles>
// kernel: kernel.11.cloned.1.call-start
scs
__scs_entry_jumppad:
0x0: {  	(pc) =	sbr.rel $0x88, $3  }
0x1: {  	(tag) =	ssettag $0x0;
	lr =	simm.s32 $0x1  }
0x2: {  	[smem:$0x3F9B] =	sst lr;
	_ =	strace $0xD0000000  }
0x3: {  	_ = 	snop  }
0x4: {  	_ = 	snop  }
0x5: {  	_ = 	snop  }
0x6: {  	_ = 	snop  }
0x7: {  	_ = 	snop  }
__scs_overlays_trampoline_lowered:
0x8: {  	[smem:$0x3FAA] =	sst s0  }
0x9: {  	[smem:$0x3FAB] =	sst s1  }
0xa: {  	[smem:$0x3FAC] =	sst s2  }
0xb: {  	[smem:$0x3FAD] =	sst s3  }
0xc: {  	[smem:$0x3FAE] =	sst s4  }
0xd: {  	[smem:$0x3FAF] =	sst s5  }
0xe: {  	[smem:$0x3FB0] =	sst s6  }
0xf: {  	[smem:$0x3FB1] =	sst s7  }
0x10: {  	[smem:$0x3FB2] =	sst s8  }
0x11: {  	[smem:$0x3FB3] =	sst s9;
	s0 =	simm.s32 @!p0 $0x0  }
0x12: {  	s1 =	sld [smem:$0x3F99];
	s0 =	simm.s32 @p0 $0x1  }
0x13: {  	[smem:$0x3FB4] =	sst s0;
	s0 =	simm.s32 @!p1 $0x0  }
0x14: {  	s2 =	sld [smem:$0x3F98];
	s0 =	simm.s32 @p1 $0x1  }
0x15: {  	[smem:$0x3FB5] =	sst s0;
	s0 =	simm.s32 @!p2 $0x0  }
0x16: {  	s3 =	sld [smem:$0x3FDB];
	s0 =	simm.s32 @p2 $0x1  }
0x17: {  	s4 =	simm.s32 $0x1BF5;
	[smem:$0x3FB7] =	sst s0  }
0x18: {  	s0 =	sld [smem:$0x3F9A];
	_ =	swait.ge [sflag:s4], $0x0  }
0x19: {  	s7 =	sld [smem:$0x3F9B]  }
0x1a: {  	s8 =	sadd.s32 $0xFFFFE003, lr  }
0x1b: {  	s9 =	sadd.s32 $0xFFFFFEF7, lr;
	s5 =	simm.s32 $0xFFFFFFFF;
	p2 =	slt.u32 s8, $0xFFFFF086  }
0x1c: {  	p1 =	slt.u32 s9, $0xF7A;
	s5 =	simm.s32 @!p2 $0x0  }
0x1d: {  	s5 =	simm.s32 @p1 $0x1;
	p0 =	seq.s32 s7, s2  }
0x1e: {  	s7 =	smul.u32 @!p0 $0xF7A, s2;
	p2 =	seq.s32 @!p0 s5, $0x0  }
0x1f: {  	s9 =	smul.u32 $0xF7A, s1;
	s8 =	simm.s32 @!p0 $0x1BF5;
	p2 =	por !p2, p0  }
0x20: {  	[sflag:s8] =	ssyncset.s32 @!p0 $0xFFFFF086;
	s6 =	sadd.s32 @!p0 s3, s7;
	s7 =	simm.s32 @!p0 $0x108  }
0x21: {  	s3 =	sadd.s32 s3, s9;
	s6 =	sadd.s32 @!p0 $0x88, s6;
	s7 =	simm.s32 @p2 $0x1082  }
0x22: {  	[simem:s7], [sflag:s8] =	dma.local @!p0 [hbm:s6], $0xF7A  }
0x23: {  	s9 =	sor.u32 $0xD0000000, s2;
	s6 =	simm.s32 $0x108;
	_ =	swait.ge @!p0 [sflag:s8], $0x0  }
0x24: {  	s3 =	sadd.s32 $0x88, s3;
	s6 =	simm.s32 @!p1 $0x1082;
	[sflag:s4] =	ssyncset.s32 $0xFFFFF086  }
0x25: {  	[simem:s6], [sflag:s4] =	dma.local [hbm:s3], $0xF7A  }
0x26: {  	[smem:$0x3F9B] =	sst s1;
	(tag) =	ssettag s2;
	_ =	strace s9  }
0x27: {  	s1 =	sld [smem:$0x3FAB]  }
0x28: {  	s2 =	sld [smem:$0x3FAC]  }
0x29: {  	s4 =	sld [smem:$0x3FAE]  }
0x2a: {  	p0 =	seq.s32 s5, $0x0;
	s5 =	sld [smem:$0x3FAF]  }
0x2b: {  	s6 =	sld [smem:$0x3FB0]  }
0x2c: {  	s7 =	sld [smem:$0x3FB1]  }
0x2d: {  	s3 =	simm.s32 $0x108;
	s8 =	sld [smem:$0x3FB2]  }
0x2e: {  	s3 =	simm.s32 @!p0 $0x1082;
	s9 =	sld [smem:$0x3FB3]  }
0x2f: {  	lr =	sadd.s32 s0, s3;
	s0 =	sld [smem:$0x3FAA]  }
0x30: {  	s3 =	sld [smem:$0x3FAD]  }
0x31: {  	[smem:$0x3FB6] =	sst s10  }
0x32: {  	s10 =	sld [smem:$0x3FB4];
	_ =	sdelay $0x3  }
0x33: {  	p0 =	seq.s32 s10, $0x1;
	s10 =	sld [smem:$0x3FB6];
	_ =	sdelay $0x3  }
0x34: {  	[smem:$0x3FB6] =	sst s10  }
0x35: {  	s10 =	sld [smem:$0x3FB5];
	_ =	sdelay $0x3  }
0x36: {  	p1 =	seq.s32 s10, $0x1;
	s10 =	sld [smem:$0x3FB6];
	_ =	sdelay $0x3  }
0x37: {  	[smem:$0x3FB6] =	sst s10  }
0x38: {  	s10 =	sld [smem:$0x3FB7]  }
0x39: {  	_ = 	snop;
	(pc) =	sbr.ind lr, $3  }
0x3a: {  	_ = 	snop  }
0x3b: {  	_ = 	snop  }
0x3c: {  	p2 =	seq.s32 s10, $0x1;
	s10 =	sld [smem:$0x3FB6]  }
0x3d: {  	_ =	shalt  }
0x3e: {  	_ =	shalt  }
0x3f: {  	_ =	shalt  }
0x40: {  	_ =	shalt  }
0x41: {  	_ =	shalt  }
0x42: {  	_ =	shalt  }
0x43: {  	_ =	shalt  }
0x44: {  	_ =	shalt  }
0x45: {  	_ =	shalt  }
0x46: {  	_ =	shalt  }
0x47: {  	_ =	shalt  }
0x48: {  	_ =	shalt  }
0x49: {  	_ =	shalt  }
0x4a: {  	_ =	shalt  }
0x4b: {  	_ =	shalt  }
0x4c: {  	_ =	shalt  }
0x4d: {  	_ =	shalt  }
0x4e: {  	_ =	shalt  }
0x4f: {  	_ =	shalt  }
0x50: {  	_ =	shalt  }
0x51: {  	_ =	shalt  }
0x52: {  	_ =	shalt  }
0x53: {  	_ =	shalt  }
0x54: {  	_ =	shalt  }
0x55: {  	_ =	shalt  }
0x56: {  	_ =	shalt  }
0x57: {  	_ =	shalt  }
0x58: {  	_ =	shalt  }
0x59: {  	_ =	shalt  }
0x5a: {  	_ =	shalt  }
0x5b: {  	_ =	shalt  }
0x5c: {  	_ =	shalt  }
0x5d: {  	_ =	shalt  }
0x5e: {  	_ =	shalt  }
0x5f: {  	_ =	shalt  }
0x60: {  	_ =	shalt  }
0x61: {  	_ =	shalt  }
0x62: {  	_ =	shalt  }
0x63: {  	_ =	shalt  }
0x64: {  	_ =	shalt  }
0x65: {  	_ =	shalt  }
0x66: {  	_ =	shalt  }
0x67: {  	_ =	shalt  }
0x68: {  	_ =	shalt  }
0x69: {  	_ =	shalt  }
0x6a: {  	_ =	shalt  }
0x6b: {  	_ =	shalt  }
0x6c: {  	_ =	shalt  }
0x6d: {  	_ =	shalt  }
0x6e: {  	_ =	shalt  }
0x6f: {  	_ =	shalt  }
0x70: {  	_ =	shalt  }
0x71: {  	_ =	shalt  }
0x72: {  	_ =	shalt  }
0x73: {  	_ =	shalt  }
0x74: {  	_ =	shalt  }
0x75: {  	_ =	shalt  }
0x76: {  	_ =	shalt  }
0x77: {  	_ =	shalt  }
0x78: {  	_ =	shalt  }
0x79: {  	_ =	shalt  }
0x7a: {  	_ =	shalt  }
0x7b: {  	_ =	shalt  }
0x7c: {  	_ =	shalt  }
0x7d: {  	_ =	shalt  }
0x7e: {  	_ =	shalt  }
0x7f: {  	_ =	shalt  }
0x80: {  	_ =	shalt  }
0x81: {  	_ =	shalt  }
0x82: {  	_ =	shalt  }
0x83: {  	_ =	shalt  }
0x84: {  	_ =	shalt  }
0x85: {  	_ =	shalt  }
0x86: {  	_ =	shalt  }
0x87: {  	_ =	shalt  }
.Lfunc_end0:
.L_simem_size_0:
called_computation.1_lowered:
.L_overlay_start_0:
0x88: {  	s2 =	sld [smem:$0x3FD9]  }
0x89: {  	s3 =	sld [smem:$0x3FFE];
	_ =	sdelay $0x1  }
0x8a: {  	s1 =	srdreg.scid  }
0x8b: {  	s0 =	sand.u32 $0x1, s1  }
0x8c: {  	s17 =	sshll.u32 s0, $0xA;
	s2 =	sadd.s32 s3, s2  }
0x8d: {  	s2 =	sadd.s32 s2, s17  }
0x8e: {  	[smem:$0x3FC2] =	sst s2  }
0x8f: {  	_ = 	snop  }
0x90: {  	s2 =	sld [smem:$0x3FD0];
	(tm) =	ssettm $0x1  }
0x91: {  	s18 =	sld [smem:$0x3FFB];
	_ =	sdelay $0x3  }
0x92: {  	_ =	strace s18  }
0x93: {  	s3 =	sld [smem:$0x3FFC];
	_ =	sdelay $0x3  }
0x94: {  	_ =	strace s3  }
0x95: {  	s3 =	sld [smem:$0x3FFD];
	_ =	sdelay $0x3  }
0x96: {  	_ =	strace s3  }
0x97: {  	_ =	strace $0x8FFFFFFF  }
0x98: {  	s19 =	sld [smem:$0x3FDB];
	_ =	sdelay $0x1  }
0x99: {  	s4 =	simm.s32 $_scs_section_size  }
0x9a: {  	s5 =	simm.s32 $_size__tile_overlayer_lowered;
	s6 =	simm.s32 $_tile_overlayer_lowered  }
0x9b: {  	s22 =	simm.s32 $0x1BFF;
	s21 =	sshll.u32 s6, $0x1;
	s3 =	sadd.s32 s4, s19  }
0x9c: {  	s7 =	simm.s32 $0x0;
	s20 =	sshll.u32 s5, $0x1;
	s5 =	sadd.s32 s21, s3  }
0x9d: {  	[timem:s7], [sflag:s22] =	dma.local [hbm:s5], s20  }
0x9e: {  	_ =	swait.ge [sflag:s22], s20  }
0x9f: {  	s4 =	ssub.s32 $0x0, s20;
	[sflag:s22] =	ssyncset.done $0x0  }
0xa0: {  	[sflag:s22] =	ssyncadd.s32 s4;
	_ =	sdelay $0x1  }
0xa1: {  	s23 =	simm.s32 $0x1B8B  }
0xa2: {  	_ =	swait.ge [sflag:s23], $0x1  }
0xa3: {  	[sflag:s23] =	ssyncset.done $0x0  }
0xa4: {  	s25 =	simm.s32 $0x1B8E;
	s24 =	sld [smem:$0x3FFE];
	[sflag:s23] =	ssyncadd.s32 $0xFFFFFFFF  }
0xa5: {  	s26 =	simm.s32 $execute0_lowered;
	[smem:$0x3FD2] =	sst s25  }
0xa6: {  	s5 =	sshll.u32 s26, $0x1;
	_ =	strace $0x80000049;
	[dreg:$0x1] =	wrdreg $0xFFFFFFFF  }
0xa7: {  	s28 =	simm.s32 $_size_execute0_lowered;
	s3 =	sadd.s32 s3, s5;
	[dreg:$0x0] =	wrdreg $0x0  }
0xa8: {  	s5 =	sshll.u32 s28, $0x1;
	[dreg:$0x2] =	wrdreg s3  }
0xa9: {  	[dreg:$0x3] =	wrdreg s5  }
0xaa: {  	[dreg:$0x4] =	wrdreg $0xC0  }
0xab: {  	_ =	task [dreg:s7], $0x5FFFF  }
0xac: {  	[dreg:$0x1] =	wrdreg $0xFFFFFFFF  }
0xad: {  	[dreg:$0x0] =	wrdreg $0x60  }
0xae: {  	[dreg:$0x2] =	wrdreg s2  }
0xaf: {  	[dreg:$0x3] =	wrdreg s24  }
0xb0: {  	[dreg:$0x4] =	wrdreg $0xA4000  }
0xb1: {  	[dreg:$0x5] =	wrdreg $0x9  }
0xb2: {  	_ =	task.clear_ibuf [dreg:s7], $0x6FFFF;
	_ =	strace $0x90000049  }
0xb3: {  	s29 =	simm.s32 $0x9;
	_ =	strace $0x8000004B  }
0xb4: {  	_ =	swait.ge [sflag:s29], $0x1  }
0xb5: {  	[sflag:s29] =	ssyncadd.s32 $0xFFFFFFFF  }
0xb6: {  	_ =	strace $0x9000004B  }
0xb7: {  	_ =	sfence  }
0xb8: {  	s30 =	sld [smem:$0x0];
	_ =	sdelay $0x2  }
0xb9: {  	s31 =	sshll.u32 s1, $0xD;
	s1 =	sshrl.u32 s1, $0x2  }
0xba: {  	s3 =	sand.u32 $0x4000, s31;
	s1 =	sadd.s32 s1, s30  }
0xbb: {  	s0 =	sor.u32 s3, s0;
	s1 =	sshll.u32 s1, $0x11  }
0xbc: {  	s0 =	sor.u32 s1, s0  }
0xbd: {  	s0 =	sadd.s32 $0x8F2B, s0  }
0xbe: {  	[sflag:s0] =	ssyncadd.remote.s32 $0x1  }
0xbf: {  	_ =	sfence.sel $0xFFFF  }
0xc0: {  	[dreg:$0x0] =	wrdreg $0xFFFFFFFF;
	(pc) =	sbr.abs _section_cstart, $3  }
0xc1: {  	[dreg:$0x1] =	wrdreg $0xFFFFFFFF  }
0xc2: {  	_ =	task.clear_ibuf [dreg:s7], $0x2FFFF;
	_ =	strace $0x9FFFFFFF  }
0xc3: {  	(tm) =	ssettm $0x7FFFFFFF  }
tec
execute0_lowered:
.L_overlay_start_1:
0x0: {  	(tag) =	ssettag $0x1  }
0x1: {  	s1 =	rddreg [dreg:$0x0]  }
0x2: {  	s0 =	rddreg [dreg:$0x1]  }
0x3: {  	s2 =	rddreg [dreg:$0x2]  }
0x4: {  	s3 =	srdreg.scid;
	s4 =	simm.s32 $0x0;
	s13 =	stileid.u32  }
0x5: {  	s3 =	sand.u32 $0x1, s3;
	[smem:$0x7FF] =	sst s4;
	s6 =	sadd.s32 $0xABE00, s0  }
0x6: {  	s8 =	sadd.s32 $0x1E00, s0;
	s12 =	sadd.s32 $0xB5E00, s0;
	s23 =	smul.u32 $0x50000, s13  }
0x7: {  	s5 =	sshll.u32 s3, $0x4;
	s9 =	smul.u32 $0x28000, s3;
	s3 =	ssub.s32 $0x2, s3  }
0x8: {  	_ =	strace $0x8000004A;
	s10 =	sor.u32 s13, s5;
	s22 =	sshrl.u32 s3, $0x1  }
0x9: {  	[dreg:$0x4] =	wrdreg s12;
	s11 =	smul.u32 $0x500, s10;
	s3 =	ssub.s32 s3, s22  }
0xa: {  	s5 =	sadd.s32 $0xA1E00, s0;
	s0 =	sadd.s32 s9, s0;
	s3 =	smax.u32 s3, $0x1  }
0xb: {  	s9 =	sshrl.u32 s23, $0x2;
	s24 =	sadd.s32 s5, s11;
	[dreg:$0xe] =	wrdreg s3  }
0xc: {  	s16 =	sadd.s32 s9, s2;
	s25 =	sadd.s32 s6, s11;
	[dreg:$0x5] =	wrdreg s24  }
0xd: {  	s19 =	smul.u32 $0x2800, s13;
	s9 =	sadd.s32 $0x4000, s16;
	[dreg:$0x6] =	wrdreg s25  }
0xe: {  	s7 =	smul.u32 $0x50, s10;
	s15 =	sadd.s32 $0x8000, s16;
	[dreg:$0xa] =	wrdreg s9  }
0xf: {  	s10 =	smul.u32 $0x5000, s10;
	s17 =	sadd.s32 $0xC000, s16;
	[dreg:$0xb] =	wrdreg s15  }
0x10: {  	s0 =	sadd.s32 $0xB6600, s0;
	s18 =	sadd.s32 $0x10000, s16;
	[dreg:$0xc] =	wrdreg s17  }
0x11: {  	s11 =	sor.u32 $0x10, s11;
	s0 =	sadd.s32 s19, s0;
	[dreg:$0xd] =	wrdreg s18  }
0x12: {  	s26 =	sadd.s32 s5, s11;
	[dreg:$0x11] =	wrdreg s0  }
0x13: {  	s12 =	sadd.s32 s8, s10;
	s11 =	sadd.s32 s6, s11;
	[dreg:$0x7] =	wrdreg s26  }
0x14: {  	s14 =	sadd.s32 $0x10, s12;
	[dreg:$0x8] =	wrdreg s11  }
0x15: {  	s20 =	sadd.s32 $0x80, s12;
	[dreg:$0x9] =	wrdreg s14  }
0x16: {  	s21 =	sadd.s32 $0x100, s12;
	[dreg:$0xf] =	wrdreg s20  }
0x17: {  	s22 =	sadd.s32 $0x180, s12;
	[dreg:$0x10] =	wrdreg s21  }
0x18: {  	s23 =	sadd.s32 $0x200, s12;
	[dreg:$0x12] =	wrdreg s22  }
0x19: {  	s24 =	sadd.s32 $0x280, s12;
	[dreg:$0x13] =	wrdreg s23  }
0x1a: {  	s25 =	sadd.s32 $0x300, s12;
	[dreg:$0x14] =	wrdreg s24  }
0x1b: {  	s3 =	sadd.s32 $0x400, s12;
	[dreg:$0x15] =	wrdreg s25  }
0x1c: {  	s9 =	sadd.s32 $0x480, s12;
	[dreg:$0x17] =	wrdreg s3  }
0x1d: {  	s10 =	sadd.s32 $0x500, s12;
	[dreg:$0x18] =	wrdreg s9  }
0x1e: {  	s13 =	sadd.s32 $0x600, s12;
	[dreg:$0x19] =	wrdreg s10  }
0x1f: {  	s15 =	sadd.s32 $0x700, s12;
	[dreg:$0x1b] =	wrdreg s13  }
0x20: {  	s17 =	sadd.s32 $0x780, s12;
	[dreg:$0x1d] =	wrdreg s15  }
0x21: {  	s18 =	sadd.s32 $0x90, s12;
	[dreg:$0x1e] =	wrdreg s17  }
0x22: {  	s19 =	sadd.s32 $0x110, s12;
	[dreg:$0x1f] =	wrdreg s18  }
0x23: {  	s26 =	sadd.s32 $0x380, s12;
	[smem:$0x7F6] =	sst s19  }
0x24: {  	s11 =	sadd.s32 $0x580, s12;
	[dreg:$0x16] =	wrdreg s26  }
0x25: {  	s14 =	sadd.s32 $0x680, s12;
	[dreg:$0x1a] =	wrdreg s11  }
0x26: {  	s28 =	sadd.s32 $0x610, s12;
	s20 =	sadd.s32 $0x190, s12;
	[dreg:$0x1c] =	wrdreg s14  }
0x27: {  	s29 =	sadd.s32 $0x690, s12;
	s21 =	sadd.s32 $0x210, s12;
	[smem:$0x7F7] =	sst s20  }
0x28: {  	s30 =	sadd.s32 $0x710, s12;
	s22 =	sadd.s32 $0x290, s12;
	[smem:$0x7F8] =	sst s21  }
0x29: {  	s31 =	sadd.s32 $0x790, s12;
	s23 =	sadd.s32 $0x310, s12;
	[smem:$0x7F9] =	sst s22  }
0x2a: {  	s24 =	sadd.s32 $0x390, s12;
	s25 =	sadd.s32 $0x410, s12;
	[smem:$0x7FA] =	sst s23  }
0x2b: {  	s3 =	simm.s32 $0x80;
	s9 =	simm.s32 $0x2400;
	[smem:$0x7FB] =	sst s24  }
0x2c: {  	s10 =	simm.s32 $0x8;
	s13 =	simm.s32 $0x7;
	[smem:$0x7FC] =	sst s25  }
0x2d: {  	s26 =	sadd.s32 $0x490, s12;
	s25 =	sadd.s32 $0x510, s12;
	s11 =	simm.s32 $0x3  }
0x2e: {  	s14 =	simm.s32 $0x0;
	[smem:$0x7FD] =	sst s26;
	s26 =	sadd.s32 $0x590, s12  }
.LBB2_1:
0x2f: {  	s0 =	rddreg [dreg:$0x5]  }
0x30: {  	[tilespmem:s4], [sflag:$0x3] =	stream.linear.gather [hbm4b:s0+s4], $0x80, $0x38;
	[tilespmem:$0x1E400] =	vst v63  }
0x31: {  	s22 =	rddreg [dreg:$0x6];
	s15 =	simm.s32 $0x200  }
0x32: {  	[tilespmem:s15], [sflag:$0x3] =	stream.linear.gather [hbm4b:s22+s4], $0x80, $0x38;
	[tilespmem:$0x1E400] =	vst v63  }
0x33: {  	s23 =	simm.s32 $0x400;
	s24 =	rddreg [dreg:$0xf]  }
0x34: {  	[tilespmem:s23], [sflag:$0x3] =	stream.linear.gather [hbm4b:s12+s4], $0x80, $0x38;
	[tilespmem:$0x1E400] =	vst v63  }
0x35: {  	s17 =	simm.s32 $0x600;
	s19 =	rddreg [dreg:$0x12]  }
0x36: {  	[tilespmem:s17], [sflag:$0x3] =	stream.linear.gather [hbm4b:s24+s4], $0x80, $0x38;
	[tilespmem:$0x1E400] =	vst v63  }
0x37: {  	s18 =	simm.s32 $0x800;
	s17 =	rddreg [dreg:$0x10]  }
0x38: {  	[tilespmem:s18], [sflag:$0x3] =	stream.linear.gather [hbm4b:s17+s4], $0x80, $0x38;
	[tilespmem:$0x1E400] =	vst v63  }
0x39: {  	s20 =	simm.s32 $0xA00;
	s21 =	rddreg [dreg:$0x13]  }
0x3a: {  	[tilespmem:s20], [sflag:$0x3] =	stream.linear.gather [hbm4b:s19+s4], $0x80, $0x38;
	[tilespmem:$0x1E400] =	vst v63  }
0x3b: {  	s22 =	simm.s32 $0xC00;
	s23 =	rddreg [dreg:$0x14]  }
0x3c: {  	[tilespmem:s22], [sflag:$0x3] =	stream.linear.gather [hbm4b:s21+s4], $0x80, $0x38;
	[tilespmem:$0x1E400] =	vst v63  }
0x3d: {  	s24 =	simm.s32 $0xE00;
	s17 =	rddreg [dreg:$0x15]  }
0x3e: {  	[tilespmem:s24], [sflag:$0x3] =	stream.linear.gather [hbm4b:s23+s4], $0x80, $0x38;
	[tilespmem:$0x1E400] =	vst v63  }
0x3f: {  	s18 =	simm.s32 $0x1000;
	s19 =	rddreg [dreg:$0x16]  }
0x40: {  	[tilespmem:s18], [sflag:$0x3] =	stream.linear.gather [hbm4b:s17+s4], $0x80, $0x38;
	[tilespmem:$0x1E400] =	vst v63  }
0x41: {  	s20 =	simm.s32 $0x1200;
	s21 =	rddreg [dreg:$0x17]  }
0x42: {  	[tilespmem:s20], [sflag:$0x3] =	stream.linear.gather [hbm4b:s19+s4], $0x80, $0x38;
	[tilespmem:$0x1E400] =	vst v63  }
0x43: {  	s22 =	simm.s32 $0x1400;
	s23 =	rddreg [dreg:$0x18]  }
0x44: {  	[tilespmem:s22], [sflag:$0x3] =	stream.linear.gather [hbm4b:s21+s4], $0x80, $0x38;
	[tilespmem:$0x1E400] =	vst v63  }
0x45: {  	s24 =	simm.s32 $0x1600;
	s17 =	rddreg [dreg:$0x19]  }
0x46: {  	[tilespmem:s24], [sflag:$0x3] =	stream.linear.gather [hbm4b:s23+s4], $0x80, $0x38;
	[tilespmem:$0x1E400] =	vst v63  }
0x47: {  	s18 =	simm.s32 $0x1800;
	s19 =	rddreg [dreg:$0x1a]  }
0x48: {  	[tilespmem:s18], [sflag:$0x3] =	stream.linear.gather [hbm4b:s17+s4], $0x80, $0x38;
	[tilespmem:$0x1E400] =	vst v63  }
0x49: {  	s20 =	simm.s32 $0x1A00;
	s21 =	rddreg [dreg:$0x1b]  }
0x4a: {  	[tilespmem:s20], [sflag:$0x3] =	stream.linear.gather [hbm4b:s19+s4], $0x80, $0x38;
	[tilespmem:$0x1E400] =	vst v63  }
0x4b: {  	s22 =	simm.s32 $0x1C00;
	s23 =	rddreg [dreg:$0x1c]  }
0x4c: {  	[tilespmem:s22], [sflag:$0x3] =	stream.linear.gather [hbm4b:s21+s4], $0x80, $0x38;
	[tilespmem:$0x1E400] =	vst v63  }
0x4d: {  	s24 =	simm.s32 $0x1E00;
	s18 =	rddreg [dreg:$0x1d]  }
0x4e: {  	[tilespmem:s24], [sflag:$0x3] =	stream.linear.gather [hbm4b:s23+s4], $0x80, $0x38;
	[tilespmem:$0x1E400] =	vst v63  }
0x4f: {  	s17 =	rddreg [dreg:$0x9];
	s19 =	simm.s32 $0x2000  }
0x50: {  	[tilespmem:s19], [sflag:$0x3] =	stream.linear.gather [hbm4b:s18+s4], $0x80, $0x38;
	[tilespmem:$0x1E400] =	vst v63  }
0x51: {  	s20 =	rddreg [dreg:$0x1e];
	s21 =	simm.s32 $0x2200  }
0x52: {  	[tilespmem:s21], [sflag:$0x3] =	stream.linear.gather [hbm4b:s20+s4], $0x80, $0x38;
	[tilespmem:$0x1E400] =	vst v63  }
0x53: {  	s22 =	rddreg [dreg:$0x7]  }
0x54: {  	[tilespmem:s3], [sflag:$0x4] =	stream.linear.gather [hbm4b:s22+s4], $0x80, $0x38;
	[tilespmem:$0x1E400] =	vst v63  }
0x55: {  	s23 =	rddreg [dreg:$0x8];
	s24 =	simm.s32 $0x280  }
0x56: {  	[tilespmem:s24], [sflag:$0x4] =	stream.linear.gather [hbm4b:s23+s4], $0x80, $0x38;
	[tilespmem:$0x1E400] =	vst v63  }
0x57: {  	s18 =	simm.s32 $0x480;
	s19 =	rddreg [dreg:$0x1f]  }
0x58: {  	[tilespmem:s18], [sflag:$0x4] =	stream.linear.gather [hbm4b:s17+s4], $0x80, $0x38;
	[tilespmem:$0x1E400] =	vst v63  }
0x59: {  	s20 =	simm.s32 $0x680;
	s21 =	sld [smem:$0x7F6]  }
0x5a: {  	[tilespmem:s20], [sflag:$0x4] =	stream.linear.gather [hbm4b:s19+s4], $0x80, $0x38;
	[tilespmem:$0x1E400] =	vst v63  }
0x5b: {  	s22 =	simm.s32 $0x880;
	s23 =	sld [smem:$0x7F7]  }
0x5c: {  	[tilespmem:s22], [sflag:$0x4] =	stream.linear.gather [hbm4b:s21+s4], $0x80, $0x38;
	[tilespmem:$0x1E400] =	vst v63  }
0x5d: {  	s24 =	simm.s32 $0xA80;
	s17 =	sld [smem:$0x7F8]  }
0x5e: {  	[tilespmem:s24], [sflag:$0x4] =	stream.linear.gather [hbm4b:s23+s4], $0x80, $0x38;
	[tilespmem:$0x1E400] =	vst v63  }
0x5f: {  	s18 =	simm.s32 $0xC80;
	s19 =	sld [smem:$0x7F9]  }
0x60: {  	[tilespmem:s18], [sflag:$0x4] =	stream.linear.gather [hbm4b:s17+s4], $0x80, $0x38;
	[tilespmem:$0x1E400] =	vst v63  }
0x61: {  	s20 =	simm.s32 $0xE80;
	s21 =	sld [smem:$0x7FA]  }
0x62: {  	[tilespmem:s20], [sflag:$0x4] =	stream.linear.gather [hbm4b:s19+s4], $0x80, $0x38;
	[tilespmem:$0x1E400] =	vst v63  }
0x63: {  	s22 =	simm.s32 $0x1080;
	s23 =	sld [smem:$0x7FB]  }
0x64: {  	[tilespmem:s22], [sflag:$0x4] =	stream.linear.gather [hbm4b:s21+s4], $0x80, $0x38;
	[tilespmem:$0x1E400] =	vst v63  }
0x65: {  	s24 =	simm.s32 $0x1280;
	s18 =	sld [smem:$0x7FC]  }
0x66: {  	[tilespmem:s24], [sflag:$0x4] =	stream.linear.gather [hbm4b:s23+s4], $0x80, $0x38;
	[tilespmem:$0x1E400] =	vst v63  }
0x67: {  	s19 =	simm.s32 $0x1480;
	s20 =	sld [smem:$0x7FD]  }
0x68: {  	[tilespmem:s19], [sflag:$0x4] =	stream.linear.gather [hbm4b:s18+s4], $0x80, $0x38;
	[tilespmem:$0x1E400] =	vst v63  }
0x69: {  	s21 =	simm.s32 $0x1680  }
0x6a: {  	[tilespmem:s21], [sflag:$0x4] =	stream.linear.gather [hbm4b:s20+s4], $0x80, $0x38;
	[tilespmem:$0x1E400] =	vst v63  }
0x6b: {  	s22 =	simm.s32 $0x1880  }
0x6c: {  	[tilespmem:s22], [sflag:$0x4] =	stream.linear.gather [hbm4b:s25+s4], $0x80, $0x38;
	[tilespmem:$0x1E400] =	vst v63  }
0x6d: {  	s23 =	simm.s32 $0x1A80  }
0x6e: {  	[tilespmem:s23], [sflag:$0x4] =	stream.linear.gather [hbm4b:s26+s4], $0x80, $0x38;
	[tilespmem:$0x1E400] =	vst v63  }
0x6f: {  	s24 =	simm.s32 $0x1C80  }
0x70: {  	[tilespmem:s24], [sflag:$0x4] =	stream.linear.gather [hbm4b:s28+s4], $0x80, $0x38;
	[tilespmem:$0x1E400] =	vst v63  }
0x71: {  	s17 =	simm.s32 $0x1E80  }
0x72: {  	[tilespmem:s17], [sflag:$0x4] =	stream.linear.gather [hbm4b:s29+s4], $0x80, $0x38;
	[tilespmem:$0x1E400] =	vst v63  }
0x73: {  	s18 =	simm.s32 $0x2080  }
0x74: {  	[tilespmem:s18], [sflag:$0x4] =	stream.linear.gather [hbm4b:s30+s4], $0x80, $0x38;
	[tilespmem:$0x1E400] =	vst v63  }
0x75: {  	s19 =	simm.s32 $0x2280  }
0x76: {  	[tilespmem:s19], [sflag:$0x4] =	stream.linear.gather [hbm4b:s31+s4], $0x80, $0x38;
	[tilespmem:$0x1E400] =	vst v63  }
0x77: {  	s20 =	rddreg [dreg:$0x4]  }
0x78: {  	[tilespmem:s9], [sflag:$0x8] =	stream.linear.gather [hbm4b:s20+s4], $0x4000, $0x38;
	[tilespmem:$0x1E400] =	vst v63  }
0x79: {  	_ =	swait.ge [sflag:s10], $0x4000  }
0x7a: {  	[sflag:s10] =	ssyncset.done $0x0  }
0x7b: {  	[sflag:s10] =	ssyncadd.s32 $0xFFFFC000  }
0x7c: {  	[spmem:s16] =	stream.linear.scatter [tilespmem:s9], [sflag:$0x8], $0x4000, $0x38;
	[tilespmem:$0x1E400] =	vst v63  }
0x7d: {  	_ =	swait.ge [sflag:s10], $0x4000  }
0x7e: {  	[sflag:s10] =	ssyncset.done $0x0  }
0x7f: {  	s21 =	rddreg [dreg:$0xa];
	[sflag:s10] =	ssyncadd.s32 $0xFFFFC000  }
0x80: {  	[spmem:s21] =	stream.linear.scatter [tilespmem:s9], [sflag:$0x8], $0x4000, $0x38;
	[tilespmem:$0x1E400] =	vst v63  }
0x81: {  	_ =	swait.ge [sflag:s10], $0x4000  }
0x82: {  	[sflag:s10] =	ssyncset.done $0x0  }
0x83: {  	s22 =	rddreg [dreg:$0xb];
	[sflag:s10] =	ssyncadd.s32 $0xFFFFC000  }
0x84: {  	[spmem:s22] =	stream.linear.scatter [tilespmem:s9], [sflag:$0x8], $0x4000, $0x38;
	[tilespmem:$0x1E400] =	vst v63  }
0x85: {  	_ =	swait.ge [sflag:s10], $0x4000  }
0x86: {  	[sflag:s10] =	ssyncset.done $0x0  }
0x87: {  	s23 =	rddreg [dreg:$0xc];
	[sflag:s10] =	ssyncadd.s32 $0xFFFFC000  }
0x88: {  	[spmem:s23] =	stream.linear.scatter [tilespmem:s9], [sflag:$0x8], $0x4000, $0x38;
	[tilespmem:$0x1E400] =	vst v63  }
0x89: {  	_ =	swait.ge [sflag:s10], $0x4000  }
0x8a: {  	[sflag:s10] =	ssyncset.done $0x0  }
0x8b: {  	s24 =	rddreg [dreg:$0xd];
	[sflag:s10] =	ssyncadd.s32 $0xFFFFC000  }
0x8c: {  	[spmem:s24] =	stream.linear.scatter [tilespmem:s9], [sflag:$0x8], $0x4000, $0x38;
	[tilespmem:$0x1E400] =	vst v63  }
0x8d: {  	_ =	swait.ge [sflag:s10], $0x4000  }
0x8e: {  	[sflag:s10] =	ssyncset.done $0x0  }
0x8f: {  	[sflag:s10] =	ssyncadd.s32 $0xFFFFC000  }
0x90: {  	_ =	swait.ge [sflag:s11], $0x80  }
0x91: {  	[sflag:s11] =	ssyncset.done $0x0  }
0x92: {  	[sflag:s11] =	ssyncadd.s32 $0xFFFFFF80  }
0x93: {  	_ =	swait.ge [sflag:s11], $0x80  }
0x94: {  	[sflag:s11] =	ssyncset.done $0x0  }
0x95: {  	[sflag:s11] =	ssyncadd.s32 $0xFFFFFF80  }
0x96: {  	_ =	swait.ge [sflag:s11], $0x800  }
0x97: {  	[sflag:s11] =	ssyncset.done $0x0  }
0x98: {  	p0 =	por $0x0, $0x0;
	[sflag:s11] =	ssyncadd.s32 $0xFFFFF800  }
0x99: {  	[tilespmem:s9], [sflag:$0x1] =	stream.indirect.gather [hbm4b:s1+s3], $0x80, s15, s3, $0xb8;
	[tilespmem:$0x1E400] =	vst v63  }
0x9a: {  	s17 =	simm.s32 $0x0;
	s15 =	simm.s32 $0x470;
	[bflag:$0x0] =	sbarrier.arrive $0xFFFF  }
.LBB2_2:
0x9b: {  	s20 =	smul.u32 $0xAB, s17;
	_ =	sdelay $0x1  }
0x9c: {  	s0 =	sadd.s32 $0xAB, s20  }
0x9d: {  	s0 =	sshrl.u32 s0, $0x9  }
0x9e: {  	s19 =	sadd.s32 $0x1, s17;
	s0 =	sand.u32 $0x7F, s0  }
0x9f: {  	p2 =	seq.s32 s17, $0x0;
	s18 =	sand.u32 $0x1, s19;
	s0 =	smul.u32 $0x3, s0  }
0xa0: {  	s21 =	sor.u32 @!p2 $0x6, s18  }
0xa1: {  	p1 =	seq.s32 @!p2 s17, $0x4F;
	_ =	swait.ge @!p2 [sflag:s21], $0x4000;
	s0 =	ssub.s32 s19, s0  }
0xa2: {  	p1 =	por p2, !p1;
	[sflag:s21] =	ssyncset.done @!p2 $0x0;
	s0 =	sand.u32 $0xFF, s0  }
0xa3: {  	[sflag:s21] =	ssyncadd.s32 @!p2 $0xFFFFC000;
	s21 =	sadd.s32 @p1 $0x3, s0  }
0xa4: {  	_ =	swait.ge @p1 [sflag:s21], $0x80  }
0xa5: {  	[sflag:s21] =	ssyncset.done @p1 $0x0  }
0xa6: {  	[sflag:s21] =	ssyncadd.s32 @p1 $0xFFFFFF80  }
0xa7: {  	_ =	swait.ge @p1 [sflag:s21], $0x80  }
0xa8: {  	[sflag:s21] =	ssyncset.done @p1 $0x0  }
0xa9: {  	[sflag:s21] =	ssyncadd.s32 @p1 $0xFFFFFF80  }
0xaa: {  	_ =	swait.ge @p1 [sflag:s21], $0x800  }
0xab: {  	s22 =	simm.s32 @p1 $0x80;
	p2 =	sgt.u32 @p1 s17, $0x4D;
	[sflag:s21] =	ssyncset.done @p1 $0x0  }
0xac: {  	s0 =	sshll.u32 @p1 s0, $0x7;
	[sflag:s21] =	ssyncadd.s32 @p1 $0xFFFFF800;
	s21 =	sshll.u32 @p1 s18, $0xE  }
0xad: {  	s0 =	sadd.s32 @p1 $0x200, s0;
	s18 =	sadd.s32 @p1 $0x1, s18;
	s21 =	sor.u32 @p1 $0x2400, s21  }
0xae: {  	[tilespmem:s21], [sflag:s18] =	stream.indirect.gather @p1 [hbm4b:s1+s22], $0x80, s0, s22, $0xb8;
	[tilespmem:$0x1E400] =	vst v63  }
0xaf: {  	p1 =	por !p1, p2  }
.Ltmp0:
0xb0: {  	_ = 	snop;
	(pc) =	sbr.rel @p1 .LBB2_4-.Ltmp0, $1  }
0xb1: {  	_ =	sdelay $0x3  }
0xb2: {  	s0 =	sadd.s32 $0x2, s17  }
0xb3: {  	s18 =	smul.u32 $0xAB, s0;
	_ =	sdelay $0x1  }
0xb4: {  	s18 =	sshrl.u32 s18, $0x9  }
0xb5: {  	s18 =	sand.u32 $0x7F, s18  }
0xb6: {  	s21 =	sadd.s32 s7, s0;
	s18 =	smul.u32 $0x3, s18  }
0xb7: {  	s22 =	sshll.u32 s21, $0x4;
	s21 =	sshll.u32 s21, $0x8  }
0xb8: {  	s22 =	sand.u32 $0x1FFFFFF0, s22;
	s21 =	sand.u32 $0xFFFF800, s21;
	s18 =	ssub.s32 s0, s18  }
0xb9: {  	s24 =	sadd.s32 s5, s22;
	s0 =	sshll.u32 s0, $0x4;
	s18 =	sand.u32 $0xFF, s18  }
0xba: {  	s0 =	sand.u32 $0x70, s0;
	s23 =	sadd.s32 $0x3, s18;
	s18 =	sshll.u32 s18, $0x7  }
0xbb: {  	[tilespmem:s18], [sflag:s23] =	stream.linear.gather [hbm4b:s24+s4], $0x80, $0x38;
	[tilespmem:$0x1E400] =	vst v63  }
0xbc: {  	s22 =	sadd.s32 s6, s22;
	s0 =	sadd.s32 s8, s0;
	s24 =	sor.u32 $0x200, s18  }
0xbd: {  	[tilespmem:s24], [sflag:s23] =	stream.linear.gather [hbm4b:s22+s4], $0x80, $0x38;
	[tilespmem:$0x1E400] =	vst v63  }
0xbe: {  	s0 =	sadd.s32 s21, s0;
	s24 =	sor.u32 $0x400, s18  }
0xbf: {  	[tilespmem:s24], [sflag:s23] =	stream.linear.gather [hbm4b:s0+s4], $0x80, $0x38;
	[tilespmem:$0x1E400] =	vst v63  }
0xc0: {  	s21 =	sadd.s32 $0x80, s0;
	s24 =	sor.u32 $0x600, s18  }
0xc1: {  	[tilespmem:s24], [sflag:s23] =	stream.linear.gather [hbm4b:s21+s4], $0x80, $0x38;
	[tilespmem:$0x1E400] =	vst v63  }
0xc2: {  	s22 =	sadd.s32 $0x100, s0;
	s24 =	sor.u32 $0x800, s18  }
0xc3: {  	[tilespmem:s24], [sflag:s23] =	stream.linear.gather [hbm4b:s22+s4], $0x80, $0x38;
	[tilespmem:$0x1E400] =	vst v63  }
0xc4: {  	s22 =	sadd.s32 $0x180, s0;
	s24 =	sor.u32 $0xA00, s18  }
0xc5: {  	[tilespmem:s24], [sflag:s23] =	stream.linear.gather [hbm4b:s22+s4], $0x80, $0x38;
	[tilespmem:$0x1E400] =	vst v63  }
0xc6: {  	s22 =	sadd.s32 $0x200, s0;
	s24 =	sor.u32 $0xC00, s18  }
0xc7: {  	[tilespmem:s24], [sflag:s23] =	stream.linear.gather [hbm4b:s22+s4], $0x80, $0x38;
	[tilespmem:$0x1E400] =	vst v63  }
0xc8: {  	s22 =	sadd.s32 $0x280, s0;
	s24 =	sor.u32 $0xE00, s18  }
0xc9: {  	[tilespmem:s24], [sflag:s23] =	stream.linear.gather [hbm4b:s22+s4], $0x80, $0x38;
	[tilespmem:$0x1E400] =	vst v63  }
0xca: {  	s22 =	sadd.s32 $0x300, s0;
	s24 =	sor.u32 $0x1000, s18  }
0xcb: {  	[tilespmem:s24], [sflag:s23] =	stream.linear.gather [hbm4b:s22+s4], $0x80, $0x38;
	[tilespmem:$0x1E400] =	vst v63  }
0xcc: {  	s22 =	sadd.s32 $0x380, s0;
	s24 =	sor.u32 $0x1200, s18  }
0xcd: {  	[tilespmem:s24], [sflag:s23] =	stream.linear.gather [hbm4b:s22+s4], $0x80, $0x38;
	[tilespmem:$0x1E400] =	vst v63  }
0xce: {  	s22 =	sadd.s32 $0x400, s0;
	s24 =	sor.u32 $0x1400, s18  }
0xcf: {  	[tilespmem:s24], [sflag:s23] =	stream.linear.gather [hbm4b:s22+s4], $0x80, $0x38;
	[tilespmem:$0x1E400] =	vst v63  }
0xd0: {  	s22 =	sadd.s32 $0x480, s0;
	s24 =	sor.u32 $0x1600, s18  }
0xd1: {  	[tilespmem:s24], [sflag:s23] =	stream.linear.gather [hbm4b:s22+s4], $0x80, $0x38;
	[tilespmem:$0x1E400] =	vst v63  }
0xd2: {  	s22 =	sadd.s32 $0x500, s0;
	s24 =	sor.u32 $0x1800, s18  }
0xd3: {  	[tilespmem:s24], [sflag:s23] =	stream.linear.gather [hbm4b:s22+s4], $0x80, $0x38;
	[tilespmem:$0x1E400] =	vst v63  }
0xd4: {  	s22 =	sadd.s32 $0x580, s0;
	s24 =	sor.u32 $0x1A00, s18  }
0xd5: {  	[tilespmem:s24], [sflag:s23] =	stream.linear.gather [hbm4b:s22+s4], $0x80, $0x38;
	[tilespmem:$0x1E400] =	vst v63  }
0xd6: {  	s22 =	sadd.s32 $0x600, s0;
	s24 =	sor.u32 $0x1C00, s18  }
0xd7: {  	[tilespmem:s24], [sflag:s23] =	stream.linear.gather [hbm4b:s22+s4], $0x80, $0x38;
	[tilespmem:$0x1E400] =	vst v63  }
0xd8: {  	s22 =	sadd.s32 $0x680, s0;
	s24 =	sor.u32 $0x1E00, s18  }
0xd9: {  	[tilespmem:s24], [sflag:s23] =	stream.linear.gather [hbm4b:s22+s4], $0x80, $0x38;
	[tilespmem:$0x1E400] =	vst v63  }
0xda: {  	s22 =	sadd.s32 $0x700, s0;
	s24 =	sor.u32 $0x2000, s18  }
0xdb: {  	[tilespmem:s24], [sflag:s23] =	stream.linear.gather [hbm4b:s22+s4], $0x80, $0x38;
	[tilespmem:$0x1E400] =	vst v63  }
0xdc: {  	s0 =	sadd.s32 $0x780, s0;
	s18 =	sor.u32 $0x2200, s18  }
0xdd: {  	[tilespmem:s18], [sflag:s23] =	stream.linear.gather [hbm4b:s0+s4], $0x80, $0x38;
	[tilespmem:$0x1E400] =	vst v63  }
.LBB2_4:
0xde: {  	s18 =	sand.u32 $0x1, s17  }
0xdf: {  	s21 =	simm.s32 $0x1;
	s24 =	sadd.s32 $0x1, s18  }
0xe0: {  	s0 =	smulhi.u32 $0xAAAAAAAB, s17;
	s21 =	simm.s32 @!p0 $0x0;
	_ =	swait.ge [sflag:s24], $0x4000  }
0xe1: {  	s21 =	sshll.u32 s21, $0xE;
	[sflag:s24] =	ssyncset.done $0x0  }
0xe2: {  	s0 =	sshrl.u32 s0, $0x1;
	s23 =	sor.u32 $0x2600, s21;
	[sflag:s24] =	ssyncadd.s32 $0xFFFFC000  }
0xe3: {  	s0 =	smul.u32 $0xFFFFFA00, s0;
	v2 =	vld [tilespmem:s23+$0x1F0]  }
0xe4: {  	v4 =	vld [tilespmem:s23+$0xFFFFFE00]  }
0xe5: {  	s0 =	sshra.s32 s0, $0x2;
	v5 =	vld [tilespmem:s23+$0xFFFFFE10]  }
0xe6: {  	v6 =	vld [tilespmem:s23+$0xFFFFFE20];
	v0 =	vmov s0  }
0xe7: {  	v7 =	vld [tilespmem:s23+$0xFFFFFE30]  }
0xe8: {  	v8 =	vld [tilespmem:s23+$0xFFFFFE40]  }
0xe9: {  	v9 =	vld [tilespmem:s23+$0xFFFFFE50]  }
0xea: {  	v10 =	vld [tilespmem:s23+$0xFFFFFE60]  }
0xeb: {  	v3 =	vld.idx.msk [tilespmem:v0+s15+$0xFFFFFF90 ss:$0x1], $0xffff  }
0xec: {  	v1 =	vld.idx.msk [tilespmem:v0+s15+$0x0 ss:$0x1], $0xffff  }
0xed: {  	v12 =	vld [tilespmem:s23+$0xFFFFFE80]  }
0xee: {  	v13 =	vld [tilespmem:s23+$0xFFFFFE90]  }
0xef: {  	v15 =	vld [tilespmem:s23+$0xFFFFFEB0]  }
0xf0: {  	v11 =	vld.idx.msk [tilespmem:v0+s15+$0xFFFFFFA0 ss:$0x1], $0xffff;
	v4 =	vmul.f32 v4, v3  }
0xf1: {  	v16 =	vld [tilespmem:s23+$0xFFFFFEC0];
	v2 =	vmul.f32 v2, v1  }
0xf2: {  	v14 =	vld [tilespmem:s23+$0xFFFFFEA0];
	v5 =	vmul.f32 v5, v3;
	[tilespmem:s23+$0xFFFFFE00] =	vst v4  }
0xf3: {  	v55 =	vld [tilespmem:s23+$0xFFFFFED0];
	v6 =	vmul.f32 v6, v3;
	[tilespmem:s23+$0x1F0] =	vst v2  }
0xf4: {  	v56 =	vld [tilespmem:s23+$0xFFFFFF40];
	v7 =	vmul.f32 v7, v3;
	[tilespmem:s23+$0xFFFFFE10] =	vst v5  }
0xf5: {  	v59 =	vld [tilespmem:s23+$0xFFFFFF70];
	v57 =	vmul.f32 v15, v11;
	[tilespmem:s23+$0xFFFFFE20] =	vst v6  }
0xf6: {  	v60 =	vld [tilespmem:s23+$0xFFFFFF80];
	v58 =	vmul.f32 v16, v11;
	[tilespmem:s23+$0xFFFFFE30] =	vst v7  }
0xf7: {  	v4 =	vld [tilespmem:s23+$0xFFFFFE70];
	v2 =	vmul.f32 v12, v11;
	[tilespmem:s23+$0xFFFFFEB0] =	vst v57  }
0xf8: {  	v5 =	vld [tilespmem:s23+$0xFFFFFEE0];
	v6 =	vmul.f32 v8, v3;
	[tilespmem:s23+$0xFFFFFEC0] =	vst v58  }
0xf9: {  	v8 =	vld [tilespmem:s23+$0xFFFFFEF0];
	v7 =	vmul.f32 v9, v3;
	[tilespmem:s23+$0xFFFFFE80] =	vst v2  }
0xfa: {  	v9 =	vld [tilespmem:s23+$0xFFFFFF00];
	[tilespmem:s23+$0xFFFFFE40] =	vst v6;
	v6 =	vmul.f32 v10, v3  }
0xfb: {  	v12 =	vmul.f32 v55, v11;
	v2 =	vld.idx.msk [tilespmem:v0+s15+$0xFFFFFFB0 ss:$0x1], $0xffff;
	[tilespmem:s23+$0xFFFFFE50] =	vst v7  }
0xfc: {  	v61 =	vld [tilespmem:s23+$0xFFFFFFD0];
	[tilespmem:s23+$0xFFFFFE60] =	vst v6;
	v6 =	vmul.f32 v13, v11  }
0xfd: {  	v10 =	vld [tilespmem:s23+$0xFFFFFF10];
	[tilespmem:s23+$0xFFFFFED0] =	vst v12;
	v3 =	vmul.f32 v4, v3  }
0xfe: {  	v62 =	vld.idx.msk [tilespmem:v0+s15+$0xFFFFFFD0 ss:$0x1], $0xffff;
	v5 =	vmul.f32 v5, v11;
	[tilespmem:s23+$0xFFFFFE90] =	vst v6  }
0xff: {  	v7 =	vld [tilespmem:s23+$0xFFFFFF30];
	v8 =	vmul.f32 v8, v11;
	[tilespmem:s23+$0xFFFFFE70] =	vst v3  }
0x100: {  	v4 =	vld [tilespmem:s23+$0xFFFFFF20];
	v6 =	vmul.f32 v9, v2;
	[tilespmem:s23+$0xFFFFFEE0] =	vst v5  }
0x101: {  	v3 =	vmul.f32 v14, v11;
	v9 =	vld [tilespmem:s23+$0xFFFFFF50];
	[tilespmem:s23+$0xFFFFFEF0] =	vst v8  }
0x102: {  	v5 =	vmul.f32 v10, v2;
	[tilespmem:s23+$0xFFFFFF00] =	vst v6;
	v6 =	vld.idx.msk [tilespmem:v0+s15+$0xFFFFFFC0 ss:$0x1], $0xffff  }
0x103: {  	v13 =	vmul.f32 v56, v2;
	[tilespmem:s23+$0xFFFFFEA0] =	vst v3;
	v3 =	vld [tilespmem:s23+$0xFFFFFF60]  }
0x104: {  	v63 =	vld.idx.msk [tilespmem:v0+s15+$0xFFFFFFE0 ss:$0x1], $0xffff;
	[tilespmem:s23+$0xFFFFFF10] =	vst v5;
	v5 =	vmul.f32 v7, v2  }
0x105: {  	v11 =	vld [tilespmem:s23+$0xFFFFFF90];
	[tilespmem:s23+$0xFFFFFF40] =	vst v13;
	v4 =	vmul.f32 v4, v2  }
0x106: {  	v10 =	vld [tilespmem:s23+$0xFFFFFFA0];
	[tilespmem:s23+$0xFFFFFF30] =	vst v5;
	v9 =	vmul.f32 v9, v2  }
0x107: {  	v8 =	vld [tilespmem:s23+$0xFFFFFFB0];
	[tilespmem:s23+$0xFFFFFF20] =	vst v4;
	v4 =	vmul.f32 v60, v6  }
0x108: {  	v5 =	vld [tilespmem:s23+$0xFFFFFFE0];
	v3 =	vmul.f32 v3, v2;
	[tilespmem:s23+$0xFFFFFF50] =	vst v9  }
0x109: {  	v7 =	vld [tilespmem:s23+$0xFFFFFFC0];
	v2 =	vmul.f32 v59, v2;
	[tilespmem:s23+$0xFFFFFF80] =	vst v4  }
0x10a: {  	v9 =	vld [tilespmem:s23+$0x0];
	v12 =	vmul.f32 v61, v6;
	[tilespmem:s23+$0xFFFFFF60] =	vst v3  }
0x10b: {  	v4 =	vld [tilespmem:s23+$0xFFFFFFF0];
	v3 =	vmul.f32 v11, v6;
	[tilespmem:s23+$0xFFFFFF70] =	vst v2  }
0x10c: {  	v11 =	vld [tilespmem:s23+$0x10];
	v2 =	vmul.f32 v10, v6;
	[tilespmem:s23+$0xFFFFFFD0] =	vst v12  }
0x10d: {  	v10 =	vld [tilespmem:s23+$0x20];
	v5 =	vmul.f32 v5, v6;
	[tilespmem:s23+$0xFFFFFF90] =	vst v3  }
0x10e: {  	v3 =	vmul.f32 v8, v6;
	v8 =	vld [tilespmem:s23+$0x30];
	[tilespmem:s23+$0xFFFFFFA0] =	vst v2  }
0x10f: {  	v2 =	vmul.f32 v7, v6;
	v7 =	vld [tilespmem:s23+$0x40];
	[tilespmem:s23+$0xFFFFFFE0] =	vst v5  }
0x110: {  	[tilespmem:s23+$0xFFFFFFB0] =	vst v3;
	v3 =	vmul.f32 v9, v62;
	v9 =	vld [tilespmem:s23+$0x50]  }
0x111: {  	[tilespmem:s23+$0xFFFFFFC0] =	vst v2;
	v2 =	vld [tilespmem:s23+$0x60];
	v5 =	vmul.f32 v11, v62  }
0x112: {  	v11 =	vld.idx.msk [tilespmem:v0+s15+$0xFFFFFFF0 ss:$0x1], $0xffff;
	[tilespmem:s23+$0x0] =	vst v3;
	v3 =	vmul.f32 v4, v6  }
0x113: {  	v4 =	vld [tilespmem:s23+$0x70];
	[tilespmem:s23+$0x10] =	vst v5;
	v5 =	vmul.f32 v8, v62  }
0x114: {  	v6 =	vld [tilespmem:s23+$0x80];
	[tilespmem:s23+$0xFFFFFFF0] =	vst v3;
	v3 =	vmul.f32 v10, v62  }
0x115: {  	v10 =	vld [tilespmem:s23+$0x90];
	[tilespmem:s23+$0x30] =	vst v5;
	v5 =	vmul.f32 v9, v62  }
0x116: {  	v8 =	vld [tilespmem:s23+$0xA0];
	v2 =	vmul.f32 v2, v62;
	[tilespmem:s23+$0x20] =	vst v3  }
0x117: {  	v3 =	vmul.f32 v7, v62;
	v7 =	vld [tilespmem:s23+$0xB0];
	[tilespmem:s23+$0x50] =	vst v5  }
0x118: {  	v9 =	vld [tilespmem:s23+$0xC0];
	v4 =	vmul.f32 v4, v62;
	[tilespmem:s23+$0x60] =	vst v2  }
0x119: {  	[tilespmem:s23+$0x40] =	vst v3;
	v3 =	vmul.f32 v6, v63;
	v6 =	vld [tilespmem:s23+$0xD0]  }
0x11a: {  	v5 =	vld [tilespmem:s23+$0xE0];
	v2 =	vmul.f32 v10, v63;
	[tilespmem:s23+$0x70] =	vst v4  }
0x11b: {  	v4 =	vmul.f32 v8, v63;
	v8 =	vld [tilespmem:s23+$0x100];
	[tilespmem:s23+$0x80] =	vst v3  }
0x11c: {  	v3 =	vld [tilespmem:s23+$0xF0];
	[tilespmem:s23+$0x90] =	vst v2;
	v2 =	vmul.f32 v7, v63  }
0x11d: {  	v7 =	vld [tilespmem:s23+$0x110];
	[tilespmem:s23+$0xA0] =	vst v4;
	v4 =	vmul.f32 v9, v63  }
0x11e: {  	v9 =	vld [tilespmem:s23+$0x120];
	[tilespmem:s23+$0xB0] =	vst v2;
	v2 =	vmul.f32 v6, v63  }
0x11f: {  	v6 =	vld [tilespmem:s23+$0x130];
	[tilespmem:s23+$0xC0] =	vst v4;
	v4 =	vmul.f32 v5, v63  }
0x120: {  	v5 =	vld [tilespmem:s23+$0x140];
	[tilespmem:s23+$0xD0] =	vst v2;
	v2 =	vmul.f32 v8, v11  }
0x121: {  	v8 =	vld [tilespmem:s23+$0x150];
	v3 =	vmul.f32 v3, v63;
	[tilespmem:s23+$0xE0] =	vst v4  }
0x122: {  	v4 =	vld [tilespmem:s23+$0x160];
	v7 =	vmul.f32 v7, v11;
	[tilespmem:s23+$0x100] =	vst v2  }
0x123: {  	[tilespmem:s23+$0xF0] =	vst v3;
	v2 =	vmul.f32 v9, v11;
	v9 =	vld [tilespmem:s23+$0x170]  }
0x124: {  	s22 =	sshrl.u32 s20, $0x9;
	[tilespmem:s23+$0x110] =	vst v7;
	v3 =	vmul.f32 v6, v11;
	v6 =	vld [tilespmem:s23+$0x180]  }
0x125: {  	s0 =	sand.u32 $0x7F, s22;
	v7 =	vld [tilespmem:s23+$0x190];
	[tilespmem:s23+$0x120] =	vst v2;
	v2 =	vmul.f32 v5, v11  }
0x126: {  	s0 =	smul.u32 $0x3, s0;
	[tilespmem:s23+$0x130] =	vst v3;
	v5 =	vmul.f32 v8, v11;
	v3 =	vld [tilespmem:s23+$0x1A0]  }
0x127: {  	v8 =	vmul.f32 v4, v11;
	v4 =	vld [tilespmem:s23+$0x1B0];
	[tilespmem:s23+$0x140] =	vst v2  }
0x128: {  	s24 =	sshll.u32 s18, $0xE;
	s0 =	ssub.s32 s17, s0;
	v2 =	vld [tilespmem:s23+$0x1C0];
	[tilespmem:s23+$0x150] =	vst v5;
	v9 =	vmul.f32 v9, v11  }
0x129: {  	s21 =	simm.s32 $0x0;
	s20 =	sor.u32 $0x2400, s24;
	s0 =	sand.u32 $0xFF, s0;
	[tilespmem:s23+$0x160] =	vst v8;
	v5 =	vld [tilespmem:s23+$0x1D0];
	v8 =	vmul.f32 v6, v1  }
0x12a: {  	s22 =	sadd.s32 $0x200, s15;
	s17 =	sshll.u32 s0, $0x9;
	s0 =	smov.u32 s23;
	v7 =	vmul.f32 v7, v1;
	v6 =	vld [tilespmem:s23+$0x1E0];
	[tilespmem:s23+$0x170] =	vst v9  }
.LBB2_5:
0x12b: {  	v9 =	vld.idx.msk [tilespmem:v0+s22+$0x0 ss:$0x1], $0xffff;
	s21 =	sadd.s32 $0x8, s21;
	[tilespmem:s23+$0x180] =	vst v8;
	v3 =	vmul.f32 v3, v1;
	s0 =	sadd.s32 $0x400, s0  }
0x12c: {  	v8 =	vld [tilespmem:s0+$0x1F0];
	p1 =	slt.u32 s21, $0x78;
	[tilespmem:s23+$0x190] =	vst v7;
	v4 =	vmul.f32 v4, v1  }
0x12d: {  	v7 =	vld.idx.msk [tilespmem:v0+s22+$0xFFFFFFA0 ss:$0x1], $0xffff;
	[tilespmem:s23+$0x1A0] =	vst v3;
	v2 =	vmul.f32 v2, v1  }
0x12e: {  	v10 =	vld.idx.msk [tilespmem:v0+s22+$0xFFFFFFB0 ss:$0x1], $0xffff;
	[tilespmem:s23+$0x1B0] =	vst v4;
	v3 =	vmul.f32 v5, v1  }
0x12f: {  	v5 =	vld.idx.msk [tilespmem:v0+s22+$0xFFFFFFC0 ss:$0x1], $0xffff;
	[tilespmem:s23+$0x1C0] =	vst v2;
	v2 =	vmul.f32 v6, v1  }
0x130: {  	v4 =	vld.idx.msk [tilespmem:v0+s22+$0xFFFFFFD0 ss:$0x1], $0xffff;
	[tilespmem:s23+$0x1D0] =	vst v3  }
0x131: {  	v1 =	vmov v9;
	v3 =	vld.idx.msk [tilespmem:v0+s22+$0xFFFFFFE0 ss:$0x1], $0xffff;
	v6 =	vmul.f32 v8, v9;
	[tilespmem:s23+$0x1E0] =	vst v2;
	s23 =	smov.u32 s0  }
0x132: {  	v2 =	vld.idx.msk [tilespmem:v0+s22+$0xFFFFFFF0 ss:$0x1], $0xffff  }
0x133: {  	v8 =	vld.idx.msk [tilespmem:v0+s22+$0xFFFFFF90 ss:$0x1], $0xffff;
	[tilespmem:s0+$0x1F0] =	vst v6  }
0x134: {  	v6 =	vld [tilespmem:s0+$0xFFFFFE00]  }
0x135: {  	v9 =	vld [tilespmem:s0+$0xFFFFFE10]  }
0x136: {  	v11 =	vld [tilespmem:s0+$0xFFFFFE20]  }
0x137: {  	v12 =	vld [tilespmem:s0+$0xFFFFFE30]  }
0x138: {  	v13 =	vld [tilespmem:s0+$0xFFFFFE40]  }
0x139: {  	v6 =	vmul.f32 v6, v8;
	v14 =	vld [tilespmem:s0+$0xFFFFFE50]  }
0x13a: {  	v9 =	vmul.f32 v9, v8;
	v15 =	vld [tilespmem:s0+$0xFFFFFE60]  }
0x13b: {  	[tilespmem:s0+$0xFFFFFE00] =	vst v6;
	v6 =	vmul.f32 v11, v8;
	v11 =	vld [tilespmem:s0+$0xFFFFFE70]  }
0x13c: {  	[tilespmem:s0+$0xFFFFFE10] =	vst v9;
	v9 =	vmul.f32 v12, v8;
	v12 =	vld [tilespmem:s0+$0xFFFFFE80]  }
0x13d: {  	[tilespmem:s0+$0xFFFFFE20] =	vst v6;
	v6 =	vmul.f32 v13, v8;
	v13 =	vld [tilespmem:s0+$0xFFFFFE90]  }
0x13e: {  	[tilespmem:s0+$0xFFFFFE30] =	vst v9;
	v9 =	vmul.f32 v14, v8;
	v14 =	vld [tilespmem:s0+$0xFFFFFEA0]  }
0x13f: {  	[tilespmem:s0+$0xFFFFFE40] =	vst v6;
	v6 =	vmul.f32 v15, v8;
	v15 =	vld [tilespmem:s0+$0xFFFFFEB0]  }
0x140: {  	[tilespmem:s0+$0xFFFFFE50] =	vst v9;
	v8 =	vmul.f32 v11, v8;
	v9 =	vld [tilespmem:s0+$0xFFFFFEC0]  }
0x141: {  	[tilespmem:s0+$0xFFFFFE60] =	vst v6;
	v6 =	vmul.f32 v12, v7;
	v11 =	vld [tilespmem:s0+$0xFFFFFED0]  }
0x142: {  	[tilespmem:s0+$0xFFFFFE70] =	vst v8;
	v8 =	vmul.f32 v13, v7;
	v12 =	vld [tilespmem:s0+$0xFFFFFEE0]  }
0x143: {  	[tilespmem:s0+$0xFFFFFE80] =	vst v6;
	v6 =	vmul.f32 v14, v7;
	v13 =	vld [tilespmem:s0+$0xFFFFFEF0]  }
0x144: {  	[tilespmem:s0+$0xFFFFFE90] =	vst v8;
	v8 =	vmul.f32 v15, v7;
	v14 =	vld [tilespmem:s0+$0xFFFFFF00]  }
0x145: {  	[tilespmem:s0+$0xFFFFFEA0] =	vst v6;
	v6 =	vmul.f32 v9, v7;
	v9 =	vld [tilespmem:s0+$0xFFFFFF10]  }
0x146: {  	[tilespmem:s0+$0xFFFFFEB0] =	vst v8;
	v8 =	vmul.f32 v11, v7;
	v11 =	vld [tilespmem:s0+$0xFFFFFF20]  }
0x147: {  	[tilespmem:s0+$0xFFFFFEC0] =	vst v6;
	v6 =	vmul.f32 v12, v7;
	v12 =	vld [tilespmem:s0+$0xFFFFFF30]  }
0x148: {  	[tilespmem:s0+$0xFFFFFED0] =	vst v8;
	v7 =	vmul.f32 v13, v7;
	v8 =	vld [tilespmem:s0+$0xFFFFFF40]  }
0x149: {  	[tilespmem:s0+$0xFFFFFEE0] =	vst v6;
	v6 =	vmul.f32 v14, v10;
	v13 =	vld [tilespmem:s0+$0xFFFFFF50]  }
0x14a: {  	[tilespmem:s0+$0xFFFFFEF0] =	vst v7;
	v7 =	vmul.f32 v9, v10;
	v9 =	vld [tilespmem:s0+$0xFFFFFF60]  }
0x14b: {  	[tilespmem:s0+$0xFFFFFF00] =	vst v6;
	v6 =	vmul.f32 v11, v10;
	v11 =	vld [tilespmem:s0+$0xFFFFFF70]  }
0x14c: {  	[tilespmem:s0+$0xFFFFFF10] =	vst v7;
	v7 =	vmul.f32 v12, v10;
	v12 =	vld [tilespmem:s0+$0xFFFFFF80]  }
0x14d: {  	[tilespmem:s0+$0xFFFFFF20] =	vst v6;
	v6 =	vmul.f32 v8, v10;
	v8 =	vld [tilespmem:s0+$0xFFFFFF90]  }
0x14e: {  	[tilespmem:s0+$0xFFFFFF30] =	vst v7;
	v7 =	vmul.f32 v13, v10;
	v13 =	vld [tilespmem:s0+$0xFFFFFFA0]  }
0x14f: {  	[tilespmem:s0+$0xFFFFFF40] =	vst v6;
	v6 =	vmul.f32 v9, v10;
	v9 =	vld [tilespmem:s0+$0xFFFFFFB0]  }
0x150: {  	[tilespmem:s0+$0xFFFFFF50] =	vst v7;
	v7 =	vmul.f32 v11, v10;
	v10 =	vld [tilespmem:s0+$0xFFFFFFC0]  }
0x151: {  	[tilespmem:s0+$0xFFFFFF60] =	vst v6;
	v6 =	vmul.f32 v12, v5;
	v11 =	vld [tilespmem:s0+$0xFFFFFFD0]  }
0x152: {  	[tilespmem:s0+$0xFFFFFF70] =	vst v7;
	v7 =	vmul.f32 v8, v5;
	v8 =	vld [tilespmem:s0+$0xFFFFFFE0]  }
0x153: {  	[tilespmem:s0+$0xFFFFFF80] =	vst v6;
	v6 =	vmul.f32 v13, v5;
	v12 =	vld [tilespmem:s0+$0xFFFFFFF0]  }
0x154: {  	[tilespmem:s0+$0xFFFFFF90] =	vst v7;
	v7 =	vmul.f32 v9, v5;
	v9 =	vld [tilespmem:s0+$0x0]  }
0x155: {  	[tilespmem:s0+$0xFFFFFFA0] =	vst v6;
	v6 =	vmul.f32 v10, v5;
	v10 =	vld [tilespmem:s0+$0x10]  }
0x156: {  	[tilespmem:s0+$0xFFFFFFB0] =	vst v7;
	v7 =	vmul.f32 v11, v5;
	v11 =	vld [tilespmem:s0+$0x20]  }
0x157: {  	[tilespmem:s0+$0xFFFFFFC0] =	vst v6;
	v6 =	vmul.f32 v8, v5;
	v8 =	vld [tilespmem:s0+$0x30]  }
0x158: {  	[tilespmem:s0+$0xFFFFFFD0] =	vst v7;
	v5 =	vmul.f32 v12, v5;
	v7 =	vld [tilespmem:s0+$0x40]  }
0x159: {  	[tilespmem:s0+$0xFFFFFFE0] =	vst v6;
	v6 =	vmul.f32 v9, v4;
	v9 =	vld [tilespmem:s0+$0x50]  }
0x15a: {  	[tilespmem:s0+$0xFFFFFFF0] =	vst v5;
	v5 =	vmul.f32 v10, v4;
	v10 =	vld [tilespmem:s0+$0x60]  }
0x15b: {  	[tilespmem:s0+$0x0] =	vst v6;
	v6 =	vmul.f32 v11, v4;
	v11 =	vld [tilespmem:s0+$0x70]  }
0x15c: {  	[tilespmem:s0+$0x10] =	vst v5;
	v5 =	vmul.f32 v8, v4;
	v8 =	vld [tilespmem:s0+$0x80]  }
0x15d: {  	[tilespmem:s0+$0x20] =	vst v6;
	v6 =	vmul.f32 v7, v4;
	v7 =	vld [tilespmem:s0+$0x90]  }
0x15e: {  	[tilespmem:s0+$0x30] =	vst v5;
	v5 =	vmul.f32 v9, v4;
	v9 =	vld [tilespmem:s0+$0xA0]  }
0x15f: {  	[tilespmem:s0+$0x40] =	vst v6;
	v6 =	vmul.f32 v10, v4;
	v10 =	vld [tilespmem:s0+$0xB0]  }
0x160: {  	[tilespmem:s0+$0x50] =	vst v5;
	v4 =	vmul.f32 v11, v4;
	v5 =	vld [tilespmem:s0+$0xC0]  }
0x161: {  	[tilespmem:s0+$0x60] =	vst v6;
	v6 =	vmul.f32 v8, v3;
	v8 =	vld [tilespmem:s0+$0xD0]  }
0x162: {  	[tilespmem:s0+$0x70] =	vst v4;
	v4 =	vmul.f32 v7, v3;
	v7 =	vld [tilespmem:s0+$0xE0]  }
0x163: {  	[tilespmem:s0+$0x80] =	vst v6;
	v6 =	vmul.f32 v9, v3;
	v9 =	vld [tilespmem:s0+$0xF0]  }
0x164: {  	[tilespmem:s0+$0x90] =	vst v4;
	v4 =	vmul.f32 v10, v3;
	v10 =	vld [tilespmem:s0+$0x100]  }
0x165: {  	[tilespmem:s0+$0xA0] =	vst v6;
	v5 =	vmul.f32 v5, v3;
	v6 =	vld [tilespmem:s0+$0x110]  }
0x166: {  	[tilespmem:s0+$0xB0] =	vst v4;
	v4 =	vmul.f32 v8, v3;
	v8 =	vld [tilespmem:s0+$0x120]  }
0x167: {  	[tilespmem:s0+$0xC0] =	vst v5;
	v5 =	vmul.f32 v7, v3;
	v7 =	vld [tilespmem:s0+$0x130]  }
0x168: {  	[tilespmem:s0+$0xD0] =	vst v4;
	v3 =	vmul.f32 v9, v3;
	v4 =	vld [tilespmem:s0+$0x140]  }
0x169: {  	[tilespmem:s0+$0xE0] =	vst v5;
	v5 =	vmul.f32 v10, v2;
	v9 =	vld [tilespmem:s0+$0x150]  }
0x16a: {  	[tilespmem:s0+$0xF0] =	vst v3;
	v3 =	vmul.f32 v6, v2;
	v6 =	vld [tilespmem:s0+$0x160]  }
0x16b: {  	[tilespmem:s0+$0x100] =	vst v5;
	v5 =	vmul.f32 v8, v2;
	v8 =	vld [tilespmem:s0+$0x170]  }
0x16c: {  	[tilespmem:s0+$0x110] =	vst v3;
	v3 =	vmul.f32 v7, v2;
	v7 =	vld [tilespmem:s0+$0x180]  }
0x16d: {  	[tilespmem:s0+$0x120] =	vst v5;
	v4 =	vmul.f32 v4, v2;
	v10 =	vld [tilespmem:s0+$0x190]  }
.Ltmp1:
0x16e: {  	[tilespmem:s0+$0x130] =	vst v3;
	v5 =	vmul.f32 v9, v2;
	v3 =	vld [tilespmem:s0+$0x1A0];
	(pc) =	sbr.rel @p1 .LBB2_5-.Ltmp1, $4  }
0x16f: {  	[tilespmem:s0+$0x140] =	vst v4;
	v6 =	vmul.f32 v6, v2;
	v4 =	vld [tilespmem:s0+$0x1B0]  }
0x170: {  	[tilespmem:s0+$0x150] =	vst v5;
	v9 =	vmul.f32 v8, v2;
	v2 =	vld [tilespmem:s0+$0x1C0]  }
0x171: {  	[tilespmem:s0+$0x160] =	vst v6;
	v8 =	vmul.f32 v7, v1;
	v5 =	vld [tilespmem:s0+$0x1D0]  }
0x172: {  	s22 =	sadd.s32 $0x200, s22;
	[tilespmem:s0+$0x170] =	vst v9;
	v7 =	vmul.f32 v10, v1;
	v6 =	vld [tilespmem:s0+$0x1E0]  }
0x173: {  	[tilespmem:s23+$0x180] =	vst v8;
	v0 =	vmul.f32 v3, v1  }
0x174: {  	[tilespmem:s23+$0x190] =	vst v7;
	v60 =	vmul.f32 v4, v1  }
0x175: {  	p1 =	sne.s32 s19, $0x50;
	[tilespmem:s23+$0x1A0] =	vst v0;
	v61 =	vmul.f32 v2, v1  }
.Ltmp2:
0x176: {  	[tilespmem:s23+$0x1B0] =	vst v60;
	v62 =	vmul.f32 v5, v1;
	(pc) =	sbr.rel @p1 .LBB2_2-.Ltmp2, $4  }
0x177: {  	[tilespmem:s23+$0x1C0] =	vst v61;
	v63 =	vmul.f32 v6, v1  }
0x178: {  	s0 =	sshrl.u32 s17, $0x2;
	s24 =	sor.u32 $0x6, s18;
	[tilespmem:s23+$0x1D0] =	vst v62  }
0x179: {  	s15 =	sadd.s32 $0x80, s15;
	p0 =	por !p0, !p0;
	s17 =	smov.u32 s19;
	[tilespmem:s23+$0x1E0] =	vst v63  }
0x17a: {  	[spmem:s2] =	stream.indirect.scatter.add.f32 [tilespmem:s20], [sflag:s24], $0x80, s0, s3, $0xb8;
	[tilespmem:$0x1E400] =	vst v63  }
0x17b: {  	_ =	swait.ge [sflag:s13], $0x4000  }
0x17c: {  	[sflag:s13] =	ssyncset.done $0x0  }
0x17d: {  	s0 =	stileid.u32;
	[sflag:s13] =	ssyncadd.s32 $0xFFFFC000  }
0x17e: {  	s0 =	sshll.u32 s0, $0x6;
	[bflag:$0x0] =	sbarrier.arrive $0xFFFF  }
0x17f: {  	s15 =	sshrl.u32 s16, $0x3;
	s0 =	sor.u32 $0x1C08, s0;
	s17 =	rddreg [dreg:$0x11]  }
0x180: {  	[hbm:s17], [sflag:s0] =	dma.local [spmem:s15], $0x2800  }
0x181: {  	_ =	swait.ge [sflag:s10], $0x2800  }
0x182: {  	s14 =	sadd.s32 $0x1, s14;
	s24 =	rddreg [dreg:$0xe]  }
0x183: {  	p0 =	sne.s32 s14, s24  }
.Ltmp3:
0x184: {  	_ = 	snop;
	(pc) =	sbr.rel @p0 .LBB2_1-.Ltmp3, $3  }
0x185: {  	_ =	sdelay $0x1  }
0x186: {  	[sflag:s10] =	ssyncset.done $0x0  }
0x187: {  	[sflag:s10] =	ssyncadd.s32 $0xFFFFD800  }
0x188: {  	_ =	sfence.sel $0x180000  }
0x189: {  	[bflag:$0x0] =	sbarrier.arrive $0xFFFF  }
0x18a: {  	_ =	strace $0x9000004A  }
0x18b: {  	s0 =	stileid.u32;
	[bflag:$0x2] =	sbarrier.arrive $0xFFFF  }
0x18c: {  	p0 =	sne.s32 s0, $0x0;
	s0 =	rddreg [dreg:$0x3]  }
0x18d: {  	s0 =	sadd.s32 @!p0 $0x100000, s0  }
0x18e: {  	[sflag:s0] =	ssyncadd.tile.s32 @!p0 $0x1;
	_ =	shalt  }
.Lfunc_end2:
_tile_overlayer_lowered:
.L_overlay_start_2:
0x18f: {  	(tag) =	ssettag $0x2  }
0x190: {  	s0 =	rddreg [dreg:$0x0];
	s2 =	stileid.u32  }
0x191: {  	s1 =	rddreg [dreg:$0x1];
	p0 =	sne.s32 s2, $0x0  }
0x192: {  	s3 =	rddreg [dreg:$0x2];
	[bflag:$0x3] =	sbarrier.arrive $0xFFFF;
	s2 =	simm.s32 @!p0 $0x1C08  }
0x193: {  	[timem:s3], [sflag:s2] =	dma.local @!p0 [hbm:s0], s1  }
0x194: {  	s0 =	simm.s32 @!p0 $0x8  }
0x195: {  	_ =	swait.ge @!p0 [sflag:s0], s1  }
0x196: {  	s1 =	ssub.s32 @!p0 $0x0, s1;
	[sflag:s0] =	ssyncset.done @!p0 $0x0  }
0x197: {  	[sflag:s0] =	ssyncadd.s32 @!p0 s1  }
0x198: {  	[bflag:$0x3] =	sbarrier.arrive $0xFFFF  }
0x199: {  	_ =	shalt  }

// kernel: kernel.8.cloned.1.call-start
scs
__scs_entry_jumppad:
0x0: {  	(pc) =	sbr.rel $0x88, $3  }
0x1: {  	(tag) =	ssettag $0x0;
	lr =	simm.s32 $0x1  }
0x2: {  	[smem:$0x3F9B] =	sst lr;
	_ =	strace $0xD0000000  }
0x3: {  	_ = 	snop  }
0x4: {  	_ = 	snop  }
0x5: {  	_ = 	snop  }
0x6: {  	_ = 	snop  }
0x7: {  	_ = 	snop  }
__scs_overlays_trampoline_lowered:
0x8: {  	[smem:$0x3FAA] =	sst s0  }
0x9: {  	[smem:$0x3FAB] =	sst s1  }
0xa: {  	[smem:$0x3FAC] =	sst s2  }
0xb: {  	[smem:$0x3FAD] =	sst s3  }
0xc: {  	[smem:$0x3FAE] =	sst s4  }
0xd: {  	[smem:$0x3FAF] =	sst s5  }
0xe: {  	[smem:$0x3FB0] =	sst s6  }
0xf: {  	[smem:$0x3FB1] =	sst s7  }
0x10: {  	[smem:$0x3FB2] =	sst s8  }
0x11: {  	[smem:$0x3FB3] =	sst s9;
	s0 =	simm.s32 @!p0 $0x0  }
0x12: {  	s1 =	sld [smem:$0x3F99];
	s0 =	simm.s32 @p0 $0x1  }
0x13: {  	[smem:$0x3FB4] =	sst s0;
	s0 =	simm.s32 @!p1 $0x0  }
0x14: {  	s2 =	sld [smem:$0x3F98];
	s0 =	simm.s32 @p1 $0x1  }
0x15: {  	[smem:$0x3FB5] =	sst s0;
	s0 =	simm.s32 @!p2 $0x0  }
0x16: {  	s3 =	sld [smem:$0x3FDB];
	s0 =	simm.s32 @p2 $0x1  }
0x17: {  	s4 =	simm.s32 $0x1BF5;
	[smem:$0x3FB7] =	sst s0  }
0x18: {  	s0 =	sld [smem:$0x3F9A];
	_ =	swait.ge [sflag:s4], $0x0  }
0x19: {  	s7 =	sld [smem:$0x3F9B]  }
0x1a: {  	s8 =	sadd.s32 $0xFFFFE003, lr  }
0x1b: {  	s9 =	sadd.s32 $0xFFFFFEF7, lr;
	s5 =	simm.s32 $0xFFFFFFFF;
	p2 =	slt.u32 s8, $0xFFFFF086  }
0x1c: {  	p1 =	slt.u32 s9, $0xF7A;
	s5 =	simm.s32 @!p2 $0x0  }
0x1d: {  	s5 =	simm.s32 @p1 $0x1;
	p0 =	seq.s32 s7, s2  }
0x1e: {  	s7 =	smul.u32 @!p0 $0xF7A, s2;
	p2 =	seq.s32 @!p0 s5, $0x0  }
0x1f: {  	s9 =	smul.u32 $0xF7A, s1;
	s8 =	simm.s32 @!p0 $0x1BF5;
	p2 =	por !p2, p0  }
0x20: {  	[sflag:s8] =	ssyncset.s32 @!p0 $0xFFFFF086;
	s6 =	sadd.s32 @!p0 s3, s7;
	s7 =	simm.s32 @!p0 $0x108  }
0x21: {  	s3 =	sadd.s32 s3, s9;
	s6 =	sadd.s32 @!p0 $0x88, s6;
	s7 =	simm.s32 @p2 $0x1082  }
0x22: {  	[simem:s7], [sflag:s8] =	dma.local @!p0 [hbm:s6], $0xF7A  }
0x23: {  	s9 =	sor.u32 $0xD0000000, s2;
	s6 =	simm.s32 $0x108;
	_ =	swait.ge @!p0 [sflag:s8], $0x0  }
0x24: {  	s3 =	sadd.s32 $0x88, s3;
	s6 =	simm.s32 @!p1 $0x1082;
	[sflag:s4] =	ssyncset.s32 $0xFFFFF086  }
0x25: {  	[simem:s6], [sflag:s4] =	dma.local [hbm:s3], $0xF7A  }
0x26: {  	[smem:$0x3F9B] =	sst s1;
	(tag) =	ssettag s2;
	_ =	strace s9  }
0x27: {  	s1 =	sld [smem:$0x3FAB]  }
0x28: {  	s2 =	sld [smem:$0x3FAC]  }
0x29: {  	s4 =	sld [smem:$0x3FAE]  }
0x2a: {  	p0 =	seq.s32 s5, $0x0;
	s5 =	sld [smem:$0x3FAF]  }
0x2b: {  	s6 =	sld [smem:$0x3FB0]  }
0x2c: {  	s7 =	sld [smem:$0x3FB1]  }
0x2d: {  	s3 =	simm.s32 $0x108;
	s8 =	sld [smem:$0x3FB2]  }
0x2e: {  	s3 =	simm.s32 @!p0 $0x1082;
	s9 =	sld [smem:$0x3FB3]  }
0x2f: {  	lr =	sadd.s32 s0, s3;
	s0 =	sld [smem:$0x3FAA]  }
0x30: {  	s3 =	sld [smem:$0x3FAD]  }
0x31: {  	[smem:$0x3FB6] =	sst s10  }
0x32: {  	s10 =	sld [smem:$0x3FB4];
	_ =	sdelay $0x3  }
0x33: {  	p0 =	seq.s32 s10, $0x1;
	s10 =	sld [smem:$0x3FB6];
	_ =	sdelay $0x3  }
0x34: {  	[smem:$0x3FB6] =	sst s10  }
0x35: {  	s10 =	sld [smem:$0x3FB5];
	_ =	sdelay $0x3  }
0x36: {  	p1 =	seq.s32 s10, $0x1;
	s10 =	sld [smem:$0x3FB6];
	_ =	sdelay $0x3  }
0x37: {  	[smem:$0x3FB6] =	sst s10  }
0x38: {  	s10 =	sld [smem:$0x3FB7]  }
0x39: {  	_ = 	snop;
	(pc) =	sbr.ind lr, $3  }
0x3a: {  	_ = 	snop  }
0x3b: {  	_ = 	snop  }
0x3c: {  	p2 =	seq.s32 s10, $0x1;
	s10 =	sld [smem:$0x3FB6]  }
0x3d: {  	_ =	shalt  }
0x3e: {  	_ =	shalt  }
0x3f: {  	_ =	shalt  }
0x40: {  	_ =	shalt  }
0x41: {  	_ =	shalt  }
0x42: {  	_ =	shalt  }
0x43: {  	_ =	shalt  }
0x44: {  	_ =	shalt  }
0x45: {  	_ =	shalt  }
0x46: {  	_ =	shalt  }
0x47: {  	_ =	shalt  }
0x48: {  	_ =	shalt  }
0x49: {  	_ =	shalt  }
0x4a: {  	_ =	shalt  }
0x4b: {  	_ =	shalt  }
0x4c: {  	_ =	shalt  }
0x4d: {  	_ =	shalt  }
0x4e: {  	_ =	shalt  }
0x4f: {  	_ =	shalt  }
0x50: {  	_ =	shalt  }
0x51: {  	_ =	shalt  }
0x52: {  	_ =	shalt  }
0x53: {  	_ =	shalt  }
0x54: {  	_ =	shalt  }
0x55: {  	_ =	shalt  }
0x56: {  	_ =	shalt  }
0x57: {  	_ =	shalt  }
0x58: {  	_ =	shalt  }
0x59: {  	_ =	shalt  }
0x5a: {  	_ =	shalt  }
0x5b: {  	_ =	shalt  }
0x5c: {  	_ =	shalt  }
0x5d: {  	_ =	shalt  }
0x5e: {  	_ =	shalt  }
0x5f: {  	_ =	shalt  }
0x60: {  	_ =	shalt  }
0x61: {  	_ =	shalt  }
0x62: {  	_ =	shalt  }
0x63: {  	_ =	shalt  }
0x64: {  	_ =	shalt  }
0x65: {  	_ =	shalt  }
0x66: {  	_ =	shalt  }
0x67: {  	_ =	shalt  }
0x68: {  	_ =	shalt  }
0x69: {  	_ =	shalt  }
0x6a: {  	_ =	shalt  }
0x6b: {  	_ =	shalt  }
0x6c: {  	_ =	shalt  }
0x6d: {  	_ =	shalt  }
0x6e: {  	_ =	shalt  }
0x6f: {  	_ =	shalt  }
0x70: {  	_ =	shalt  }
0x71: {  	_ =	shalt  }
0x72: {  	_ =	shalt  }
0x73: {  	_ =	shalt  }
0x74: {  	_ =	shalt  }
0x75: {  	_ =	shalt  }
0x76: {  	_ =	shalt  }
0x77: {  	_ =	shalt  }
0x78: {  	_ =	shalt  }
0x79: {  	_ =	shalt  }
0x7a: {  	_ =	shalt  }
0x7b: {  	_ =	shalt  }
0x7c: {  	_ =	shalt  }
0x7d: {  	_ =	shalt  }
0x7e: {  	_ =	shalt  }
0x7f: {  	_ =	shalt  }
0x80: {  	_ =	shalt  }
0x81: {  	_ =	shalt  }
0x82: {  	_ =	shalt  }
0x83: {  	_ =	shalt  }
0x84: {  	_ =	shalt  }
0x85: {  	_ =	shalt  }
0x86: {  	_ =	shalt  }
0x87: {  	_ =	shalt  }
.Lfunc_end0:
.L_simem_size_0:
called_computation_lowered:
.L_overlay_start_0:
0x88: {  	s2 =	sld [smem:$0x3FD9]  }
0x89: {  	s3 =	sld [smem:$0x3FFE];
	_ =	sdelay $0x1  }
0x8a: {  	s1 =	srdreg.scid  }
0x8b: {  	s0 =	sand.u32 $0x1, s1  }
0x8c: {  	s17 =	sshll.u32 s0, $0xA;
	s2 =	sadd.s32 s3, s2  }
0x8d: {  	s2 =	sadd.s32 s2, s17  }
0x8e: {  	[smem:$0x3FC2] =	sst s2  }
0x8f: {  	_ = 	snop  }
0x90: {  	s2 =	sld [smem:$0x3FD0];
	(tm) =	ssettm $0x1  }
0x91: {  	s18 =	sld [smem:$0x3FFB];
	_ =	sdelay $0x3  }
0x92: {  	_ =	strace s18  }
0x93: {  	s3 =	sld [smem:$0x3FFC];
	_ =	sdelay $0x3  }
0x94: {  	_ =	strace s3  }
0x95: {  	s3 =	sld [smem:$0x3FFD];
	_ =	sdelay $0x3  }
0x96: {  	_ =	strace s3  }
0x97: {  	_ =	strace $0x8FFFFFFF  }
0x98: {  	s19 =	sld [smem:$0x3FDB];
	_ =	sdelay $0x1  }
0x99: {  	s4 =	simm.s32 $_scs_section_size  }
0x9a: {  	s5 =	simm.s32 $_size__tile_overlayer_lowered;
	s6 =	simm.s32 $_tile_overlayer_lowered  }
0x9b: {  	s22 =	simm.s32 $0x1BFF;
	s21 =	sshll.u32 s6, $0x1;
	s3 =	sadd.s32 s4, s19  }
0x9c: {  	s7 =	simm.s32 $0x0;
	s20 =	sshll.u32 s5, $0x1;
	s5 =	sadd.s32 s21, s3  }
0x9d: {  	[timem:s7], [sflag:s22] =	dma.local [hbm:s5], s20  }
0x9e: {  	_ =	swait.ge [sflag:s22], s20  }
0x9f: {  	s4 =	ssub.s32 $0x0, s20;
	[sflag:s22] =	ssyncset.done $0x0  }
0xa0: {  	[sflag:s22] =	ssyncadd.s32 s4;
	_ =	sdelay $0x1  }
0xa1: {  	s23 =	simm.s32 $0x1B8B  }
0xa2: {  	_ =	swait.ge [sflag:s23], $0x1  }
0xa3: {  	[sflag:s23] =	ssyncset.done $0x0  }
0xa4: {  	s25 =	simm.s32 $0x1B8E;
	s24 =	sld [smem:$0x3FFE];
	[sflag:s23] =	ssyncadd.s32 $0xFFFFFFFF  }
0xa5: {  	s26 =	simm.s32 $execute0_lowered;
	[smem:$0x3FD2] =	sst s25  }
0xa6: {  	s5 =	sshll.u32 s26, $0x1;
	_ =	strace $0x80000046;
	[dreg:$0x1] =	wrdreg $0xFFFFFFFF  }
0xa7: {  	s28 =	simm.s32 $_size_execute0_lowered;
	s3 =	sadd.s32 s3, s5;
	[dreg:$0x0] =	wrdreg $0x0  }
0xa8: {  	s5 =	sshll.u32 s28, $0x1;
	[dreg:$0x2] =	wrdreg s3  }
0xa9: {  	[dreg:$0x3] =	wrdreg s5  }
0xaa: {  	[dreg:$0x4] =	wrdreg $0xC0  }
0xab: {  	_ =	task [dreg:s7], $0x5FFFF  }
0xac: {  	[dreg:$0x1] =	wrdreg $0xFFFFFFFF  }
0xad: {  	[dreg:$0x0] =	wrdreg $0x60  }
0xae: {  	[dreg:$0x2] =	wrdreg s2  }
0xaf: {  	[dreg:$0x3] =	wrdreg s24  }
0xb0: {  	[dreg:$0x4] =	wrdreg $0xA4000  }
0xb1: {  	[dreg:$0x5] =	wrdreg $0x9  }
0xb2: {  	_ =	task.clear_ibuf [dreg:s7], $0x6FFFF;
	_ =	strace $0x90000046  }
0xb3: {  	s29 =	simm.s32 $0x9;
	_ =	strace $0x80000048  }
0xb4: {  	_ =	swait.ge [sflag:s29], $0x1  }
0xb5: {  	[sflag:s29] =	ssyncadd.s32 $0xFFFFFFFF  }
0xb6: {  	_ =	strace $0x90000048  }
0xb7: {  	_ =	sfence  }
0xb8: {  	s30 =	sld [smem:$0x0];
	_ =	sdelay $0x2  }
0xb9: {  	s31 =	sshll.u32 s1, $0xD;
	s1 =	sshrl.u32 s1, $0x2  }
0xba: {  	s3 =	sand.u32 $0x4000, s31;
	s1 =	sadd.s32 s1, s30  }
0xbb: {  	s0 =	sor.u32 s3, s0;
	s1 =	sshll.u32 s1, $0x11  }
0xbc: {  	s0 =	sor.u32 s1, s0  }
0xbd: {  	s0 =	sadd.s32 $0x8F2B, s0  }
0xbe: {  	[sflag:s0] =	ssyncadd.remote.s32 $0x1  }
0xbf: {  	_ =	sfence.sel $0xFFFF  }
0xc0: {  	[dreg:$0x0] =	wrdreg $0xFFFFFFFF;
	(pc) =	sbr.abs _section_cstart, $3  }
0xc1: {  	[dreg:$0x1] =	wrdreg $0xFFFFFFFF  }
0xc2: {  	_ =	task.clear_ibuf [dreg:s7], $0x2FFFF;
	_ =	strace $0x9FFFFFFF  }
0xc3: {  	(tm) =	ssettm $0x7FFFFFFF  }
tec
execute0_lowered:
.L_overlay_start_1:
0x0: {  	(tag) =	ssettag $0x1  }
0x1: {  	s1 =	rddreg [dreg:$0x0]  }
0x2: {  	s0 =	rddreg [dreg:$0x1]  }
0x3: {  	s2 =	rddreg [dreg:$0x2]  }
0x4: {  	s3 =	srdreg.scid;
	s4 =	simm.s32 $0x0;
	s13 =	stileid.u32  }
0x5: {  	s3 =	sand.u32 $0x1, s3;
	[smem:$0x7FF] =	sst s4;
	s6 =	sadd.s32 $0xABE00, s0  }
0x6: {  	s8 =	sadd.s32 $0x1E00, s0;
	s12 =	sadd.s32 $0xB5E00, s0;
	s23 =	smul.u32 $0x50000, s13  }
0x7: {  	s5 =	sshll.u32 s3, $0x4;
	s9 =	smul.u32 $0x28000, s3;
	s3 =	ssub.s32 $0x2, s3  }
0x8: {  	_ =	strace $0x80000047;
	s10 =	sor.u32 s13, s5;
	s22 =	sshrl.u32 s3, $0x1  }
0x9: {  	[dreg:$0x4] =	wrdreg s12;
	s11 =	smul.u32 $0x500, s10;
	s3 =	ssub.s32 s3, s22  }
0xa: {  	s5 =	sadd.s32 $0xA1E00, s0;
	s0 =	sadd.s32 s9, s0;
	s3 =	smax.u32 s3, $0x1  }
0xb: {  	s9 =	sshrl.u32 s23, $0x2;
	s24 =	sadd.s32 s5, s11;
	[dreg:$0xe] =	wrdreg s3  }
0xc: {  	s16 =	sadd.s32 s9, s2;
	s25 =	sadd.s32 s6, s11;
	[dreg:$0x5] =	wrdreg s24  }
0xd: {  	s19 =	smul.u32 $0x2800, s13;
	s9 =	sadd.s32 $0x4000, s16;
	[dreg:$0x6] =	wrdreg s25  }
0xe: {  	s7 =	smul.u32 $0x50, s10;
	s15 =	sadd.s32 $0x8000, s16;
	[dreg:$0xa] =	wrdreg s9  }
0xf: {  	s10 =	smul.u32 $0x5000, s10;
	s17 =	sadd.s32 $0xC000, s16;
	[dreg:$0xb] =	wrdreg s15  }
0x10: {  	s0 =	sadd.s32 $0xB6600, s0;
	s18 =	sadd.s32 $0x10000, s16;
	[dreg:$0xc] =	wrdreg s17  }
0x11: {  	s11 =	sor.u32 $0x10, s11;
	s0 =	sadd.s32 s19, s0;
	[dreg:$0xd] =	wrdreg s18  }
0x12: {  	s26 =	sadd.s32 s5, s11;
	[dreg:$0x11] =	wrdreg s0  }
0x13: {  	s12 =	sadd.s32 s8, s10;
	s11 =	sadd.s32 s6, s11;
	[dreg:$0x7] =	wrdreg s26  }
0x14: {  	s14 =	sadd.s32 $0x10, s12;
	[dreg:$0x8] =	wrdreg s11  }
0x15: {  	s20 =	sadd.s32 $0x80, s12;
	[dreg:$0x9] =	wrdreg s14  }
0x16: {  	s21 =	sadd.s32 $0x100, s12;
	[dreg:$0xf] =	wrdreg s20  }
0x17: {  	s22 =	sadd.s32 $0x180, s12;
	[dreg:$0x10] =	wrdreg s21  }
0x18: {  	s23 =	sadd.s32 $0x200, s12;
	[dreg:$0x12] =	wrdreg s22  }
0x19: {  	s24 =	sadd.s32 $0x280, s12;
	[dreg:$0x13] =	wrdreg s23  }
0x1a: {  	s25 =	sadd.s32 $0x300, s12;
	[dreg:$0x14] =	wrdreg s24  }
0x1b: {  	s3 =	sadd.s32 $0x400, s12;
	[dreg:$0x15] =	wrdreg s25  }
0x1c: {  	s9 =	sadd.s32 $0x480, s12;
	[dreg:$0x17] =	wrdreg s3  }
0x1d: {  	s10 =	sadd.s32 $0x500, s12;
	[dreg:$0x18] =	wrdreg s9  }
0x1e: {  	s13 =	sadd.s32 $0x600, s12;
	[dreg:$0x19] =	wrdreg s10  }
0x1f: {  	s15 =	sadd.s32 $0x700, s12;
	[dreg:$0x1b] =	wrdreg s13  }
0x20: {  	s17 =	sadd.s32 $0x780, s12;
	[dreg:$0x1d] =	wrdreg s15  }
0x21: {  	s18 =	sadd.s32 $0x90, s12;
	[dreg:$0x1e] =	wrdreg s17  }
0x22: {  	s19 =	sadd.s32 $0x110, s12;
	[dreg:$0x1f] =	wrdreg s18  }
0x23: {  	s26 =	sadd.s32 $0x380, s12;
	[smem:$0x7F6] =	sst s19  }
0x24: {  	s11 =	sadd.s32 $0x580, s12;
	[dreg:$0x16] =	wrdreg s26  }
0x25: {  	s14 =	sadd.s32 $0x680, s12;
	[dreg:$0x1a] =	wrdreg s11  }
0x26: {  	s28 =	sadd.s32 $0x610, s12;
	s20 =	sadd.s32 $0x190, s12;
	[dreg:$0x1c] =	wrdreg s14  }
0x27: {  	s29 =	sadd.s32 $0x690, s12;
	s21 =	sadd.s32 $0x210, s12;
	[smem:$0x7F7] =	sst s20  }
0x28: {  	s30 =	sadd.s32 $0x710, s12;
	s22 =	sadd.s32 $0x290, s12;
	[smem:$0x7F8] =	sst s21  }
0x29: {  	s31 =	sadd.s32 $0x790, s12;
	s23 =	sadd.s32 $0x310, s12;
	[smem:$0x7F9] =	sst s22  }
0x2a: {  	s24 =	sadd.s32 $0x390, s12;
	s25 =	sadd.s32 $0x410, s12;
	[smem:$0x7FA] =	sst s23  }
0x2b: {  	s3 =	simm.s32 $0x80;
	s9 =	simm.s32 $0x2400;
	[smem:$0x7FB] =	sst s24  }
0x2c: {  	s10 =	simm.s32 $0x8;
	s13 =	simm.s32 $0x7;
	[smem:$0x7FC] =	sst s25  }
0x2d: {  	s26 =	sadd.s32 $0x490, s12;
	s25 =	sadd.s32 $0x510, s12;
	s11 =	simm.s32 $0x3  }
0x2e: {  	s14 =	simm.s32 $0x0;
	[smem:$0x7FD] =	sst s26;
	s26 =	sadd.s32 $0x590, s12  }
.LBB2_1:
0x2f: {  	s0 =	rddreg [dreg:$0x5]  }
0x30: {  	[tilespmem:s4], [sflag:$0x3] =	stream.linear.gather [hbm4b:s0+s4], $0x80, $0x38;
	[tilespmem:$0x1E400] =	vst v63  }
0x31: {  	s22 =	rddreg [dreg:$0x6];
	s15 =	simm.s32 $0x200  }
0x32: {  	[tilespmem:s15], [sflag:$0x3] =	stream.linear.gather [hbm4b:s22+s4], $0x80, $0x38;
	[tilespmem:$0x1E400] =	vst v63  }
0x33: {  	s23 =	simm.s32 $0x400;
	s24 =	rddreg [dreg:$0xf]  }
0x34: {  	[tilespmem:s23], [sflag:$0x3] =	stream.linear.gather [hbm4b:s12+s4], $0x80, $0x38;
	[tilespmem:$0x1E400] =	vst v63  }
0x35: {  	s17 =	simm.s32 $0x600;
	s19 =	rddreg [dreg:$0x12]  }
0x36: {  	[tilespmem:s17], [sflag:$0x3] =	stream.linear.gather [hbm4b:s24+s4], $0x80, $0x38;
	[tilespmem:$0x1E400] =	vst v63  }
0x37: {  	s18 =	simm.s32 $0x800;
	s17 =	rddreg [dreg:$0x10]  }
0x38: {  	[tilespmem:s18], [sflag:$0x3] =	stream.linear.gather [hbm4b:s17+s4], $0x80, $0x38;
	[tilespmem:$0x1E400] =	vst v63  }
0x39: {  	s20 =	simm.s32 $0xA00;
	s21 =	rddreg [dreg:$0x13]  }
0x3a: {  	[tilespmem:s20], [sflag:$0x3] =	stream.linear.gather [hbm4b:s19+s4], $0x80, $0x38;
	[tilespmem:$0x1E400] =	vst v63  }
0x3b: {  	s22 =	simm.s32 $0xC00;
	s23 =	rddreg [dreg:$0x14]  }
0x3c: {  	[tilespmem:s22], [sflag:$0x3] =	stream.linear.gather [hbm4b:s21+s4], $0x80, $0x38;
	[tilespmem:$0x1E400] =	vst v63  }
0x3d: {  	s24 =	simm.s32 $0xE00;
	s17 =	rddreg [dreg:$0x15]  }
0x3e: {  	[tilespmem:s24], [sflag:$0x3] =	stream.linear.gather [hbm4b:s23+s4], $0x80, $0x38;
	[tilespmem:$0x1E400] =	vst v63  }
0x3f: {  	s18 =	simm.s32 $0x1000;
	s19 =	rddreg [dreg:$0x16]  }
0x40: {  	[tilespmem:s18], [sflag:$0x3] =	stream.linear.gather [hbm4b:s17+s4], $0x80, $0x38;
	[tilespmem:$0x1E400] =	vst v63  }
0x41: {  	s20 =	simm.s32 $0x1200;
	s21 =	rddreg [dreg:$0x17]  }
0x42: {  	[tilespmem:s20], [sflag:$0x3] =	stream.linear.gather [hbm4b:s19+s4], $0x80, $0x38;
	[tilespmem:$0x1E400] =	vst v63  }
0x43: {  	s22 =	simm.s32 $0x1400;
	s23 =	rddreg [dreg:$0x18]  }
0x44: {  	[tilespmem:s22], [sflag:$0x3] =	stream.linear.gather [hbm4b:s21+s4], $0x80, $0x38;
	[tilespmem:$0x1E400] =	vst v63  }
0x45: {  	s24 =	simm.s32 $0x1600;
	s17 =	rddreg [dreg:$0x19]  }
0x46: {  	[tilespmem:s24], [sflag:$0x3] =	stream.linear.gather [hbm4b:s23+s4], $0x80, $0x38;
	[tilespmem:$0x1E400] =	vst v63  }
0x47: {  	s18 =	simm.s32 $0x1800;
	s19 =	rddreg [dreg:$0x1a]  }
0x48: {  	[tilespmem:s18], [sflag:$0x3] =	stream.linear.gather [hbm4b:s17+s4], $0x80, $0x38;
	[tilespmem:$0x1E400] =	vst v63  }
0x49: {  	s20 =	simm.s32 $0x1A00;
	s21 =	rddreg [dreg:$0x1b]  }
0x4a: {  	[tilespmem:s20], [sflag:$0x3] =	stream.linear.gather [hbm4b:s19+s4], $0x80, $0x38;
	[tilespmem:$0x1E400] =	vst v63  }
0x4b: {  	s22 =	simm.s32 $0x1C00;
	s23 =	rddreg [dreg:$0x1c]  }
0x4c: {  	[tilespmem:s22], [sflag:$0x3] =	stream.linear.gather [hbm4b:s21+s4], $0x80, $0x38;
	[tilespmem:$0x1E400] =	vst v63  }
0x4d: {  	s24 =	simm.s32 $0x1E00;
	s18 =	rddreg [dreg:$0x1d]  }
0x4e: {  	[tilespmem:s24], [sflag:$0x3] =	stream.linear.gather [hbm4b:s23+s4], $0x80, $0x38;
	[tilespmem:$0x1E400] =	vst v63  }
0x4f: {  	s17 =	rddreg [dreg:$0x9];
	s19 =	simm.s32 $0x2000  }
0x50: {  	[tilespmem:s19], [sflag:$0x3] =	stream.linear.gather [hbm4b:s18+s4], $0x80, $0x38;
	[tilespmem:$0x1E400] =	vst v63  }
0x51: {  	s20 =	rddreg [dreg:$0x1e];
	s21 =	simm.s32 $0x2200  }
0x52: {  	[tilespmem:s21], [sflag:$0x3] =	stream.linear.gather [hbm4b:s20+s4], $0x80, $0x38;
	[tilespmem:$0x1E400] =	vst v63  }
0x53: {  	s22 =	rddreg [dreg:$0x7]  }
0x54: {  	[tilespmem:s3], [sflag:$0x4] =	stream.linear.gather [hbm4b:s22+s4], $0x80, $0x38;
	[tilespmem:$0x1E400] =	vst v63  }
0x55: {  	s23 =	rddreg [dreg:$0x8];
	s24 =	simm.s32 $0x280  }
0x56: {  	[tilespmem:s24], [sflag:$0x4] =	stream.linear.gather [hbm4b:s23+s4], $0x80, $0x38;
	[tilespmem:$0x1E400] =	vst v63  }
0x57: {  	s18 =	simm.s32 $0x480;
	s19 =	rddreg [dreg:$0x1f]  }
0x58: {  	[tilespmem:s18], [sflag:$0x4] =	stream.linear.gather [hbm4b:s17+s4], $0x80, $0x38;
	[tilespmem:$0x1E400] =	vst v63  }
0x59: {  	s20 =	simm.s32 $0x680;
	s21 =	sld [smem:$0x7F6]  }
0x5a: {  	[tilespmem:s20], [sflag:$0x4] =	stream.linear.gather [hbm4b:s19+s4], $0x80, $0x38;
	[tilespmem:$0x1E400] =	vst v63  }
0x5b: {  	s22 =	simm.s32 $0x880;
	s23 =	sld [smem:$0x7F7]  }
0x5c: {  	[tilespmem:s22], [sflag:$0x4] =	stream.linear.gather [hbm4b:s21+s4], $0x80, $0x38;
	[tilespmem:$0x1E400] =	vst v63  }
0x5d: {  	s24 =	simm.s32 $0xA80;
	s17 =	sld [smem:$0x7F8]  }
0x5e: {  	[tilespmem:s24], [sflag:$0x4] =	stream.linear.gather [hbm4b:s23+s4], $0x80, $0x38;
	[tilespmem:$0x1E400] =	vst v63  }
0x5f: {  	s18 =	simm.s32 $0xC80;
	s19 =	sld [smem:$0x7F9]  }
0x60: {  	[tilespmem:s18], [sflag:$0x4] =	stream.linear.gather [hbm4b:s17+s4], $0x80, $0x38;
	[tilespmem:$0x1E400] =	vst v63  }
0x61: {  	s20 =	simm.s32 $0xE80;
	s21 =	sld [smem:$0x7FA]  }
0x62: {  	[tilespmem:s20], [sflag:$0x4] =	stream.linear.gather [hbm4b:s19+s4], $0x80, $0x38;
	[tilespmem:$0x1E400] =	vst v63  }
0x63: {  	s22 =	simm.s32 $0x1080;
	s23 =	sld [smem:$0x7FB]  }
0x64: {  	[tilespmem:s22], [sflag:$0x4] =	stream.linear.gather [hbm4b:s21+s4], $0x80, $0x38;
	[tilespmem:$0x1E400] =	vst v63  }
0x65: {  	s24 =	simm.s32 $0x1280;
	s18 =	sld [smem:$0x7FC]  }
0x66: {  	[tilespmem:s24], [sflag:$0x4] =	stream.linear.gather [hbm4b:s23+s4], $0x80, $0x38;
	[tilespmem:$0x1E400] =	vst v63  }
0x67: {  	s19 =	simm.s32 $0x1480;
	s20 =	sld [smem:$0x7FD]  }
0x68: {  	[tilespmem:s19], [sflag:$0x4] =	stream.linear.gather [hbm4b:s18+s4], $0x80, $0x38;
	[tilespmem:$0x1E400] =	vst v63  }
0x69: {  	s21 =	simm.s32 $0x1680  }
0x6a: {  	[tilespmem:s21], [sflag:$0x4] =	stream.linear.gather [hbm4b:s20+s4], $0x80, $0x38;
	[tilespmem:$0x1E400] =	vst v63  }
0x6b: {  	s22 =	simm.s32 $0x1880  }
0x6c: {  	[tilespmem:s22], [sflag:$0x4] =	stream.linear.gather [hbm4b:s25+s4], $0x80, $0x38;
	[tilespmem:$0x1E400] =	vst v63  }
0x6d: {  	s23 =	simm.s32 $0x1A80  }
0x6e: {  	[tilespmem:s23], [sflag:$0x4] =	stream.linear.gather [hbm4b:s26+s4], $0x80, $0x38;
	[tilespmem:$0x1E400] =	vst v63  }
0x6f: {  	s24 =	simm.s32 $0x1C80  }
0x70: {  	[tilespmem:s24], [sflag:$0x4] =	stream.linear.gather [hbm4b:s28+s4], $0x80, $0x38;
	[tilespmem:$0x1E400] =	vst v63  }
0x71: {  	s17 =	simm.s32 $0x1E80  }
0x72: {  	[tilespmem:s17], [sflag:$0x4] =	stream.linear.gather [hbm4b:s29+s4], $0x80, $0x38;
	[tilespmem:$0x1E400] =	vst v63  }
0x73: {  	s18 =	simm.s32 $0x2080  }
0x74: {  	[tilespmem:s18], [sflag:$0x4] =	stream.linear.gather [hbm4b:s30+s4], $0x80, $0x38;
	[tilespmem:$0x1E400] =	vst v63  }
0x75: {  	s19 =	simm.s32 $0x2280  }
0x76: {  	[tilespmem:s19], [sflag:$0x4] =	stream.linear.gather [hbm4b:s31+s4], $0x80, $0x38;
	[tilespmem:$0x1E400] =	vst v63  }
0x77: {  	s20 =	rddreg [dreg:$0x4]  }
0x78: {  	[tilespmem:s9], [sflag:$0x8] =	stream.linear.gather [hbm4b:s20+s4], $0x4000, $0x38;
	[tilespmem:$0x1E400] =	vst v63  }
0x79: {  	_ =	swait.ge [sflag:s10], $0x4000  }
0x7a: {  	[sflag:s10] =	ssyncset.done $0x0  }
0x7b: {  	[sflag:s10] =	ssyncadd.s32 $0xFFFFC000  }
0x7c: {  	[spmem:s16] =	stream.linear.scatter [tilespmem:s9], [sflag:$0x8], $0x4000, $0x38;
	[tilespmem:$0x1E400] =	vst v63  }
0x7d: {  	_ =	swait.ge [sflag:s10], $0x4000  }
0x7e: {  	[sflag:s10] =	ssyncset.done $0x0  }
0x7f: {  	s21 =	rddreg [dreg:$0xa];
	[sflag:s10] =	ssyncadd.s32 $0xFFFFC000  }
0x80: {  	[spmem:s21] =	stream.linear.scatter [tilespmem:s9], [sflag:$0x8], $0x4000, $0x38;
	[tilespmem:$0x1E400] =	vst v63  }
0x81: {  	_ =	swait.ge [sflag:s10], $0x4000  }
0x82: {  	[sflag:s10] =	ssyncset.done $0x0  }
0x83: {  	s22 =	rddreg [dreg:$0xb];
	[sflag:s10] =	ssyncadd.s32 $0xFFFFC000  }
0x84: {  	[spmem:s22] =	stream.linear.scatter [tilespmem:s9], [sflag:$0x8], $0x4000, $0x38;
	[tilespmem:$0x1E400] =	vst v63  }
0x85: {  	_ =	swait.ge [sflag:s10], $0x4000  }
0x86: {  	[sflag:s10] =	ssyncset.done $0x0  }
0x87: {  	s23 =	rddreg [dreg:$0xc];
	[sflag:s10] =	ssyncadd.s32 $0xFFFFC000  }
0x88: {  	[spmem:s23] =	stream.linear.scatter [tilespmem:s9], [sflag:$0x8], $0x4000, $0x38;
	[tilespmem:$0x1E400] =	vst v63  }
0x89: {  	_ =	swait.ge [sflag:s10], $0x4000  }
0x8a: {  	[sflag:s10] =	ssyncset.done $0x0  }
0x8b: {  	s24 =	rddreg [dreg:$0xd];
	[sflag:s10] =	ssyncadd.s32 $0xFFFFC000  }
0x8c: {  	[spmem:s24] =	stream.linear.scatter [tilespmem:s9], [sflag:$0x8], $0x4000, $0x38;
	[tilespmem:$0x1E400] =	vst v63  }
0x8d: {  	_ =	swait.ge [sflag:s10], $0x4000  }
0x8e: {  	[sflag:s10] =	ssyncset.done $0x0  }
0x8f: {  	[sflag:s10] =	ssyncadd.s32 $0xFFFFC000  }
0x90: {  	_ =	swait.ge [sflag:s11], $0x80  }
0x91: {  	[sflag:s11] =	ssyncset.done $0x0  }
0x92: {  	[sflag:s11] =	ssyncadd.s32 $0xFFFFFF80  }
0x93: {  	_ =	swait.ge [sflag:s11], $0x80  }
0x94: {  	[sflag:s11] =	ssyncset.done $0x0  }
0x95: {  	[sflag:s11] =	ssyncadd.s32 $0xFFFFFF80  }
0x96: {  	_ =	swait.ge [sflag:s11], $0x800  }
0x97: {  	[sflag:s11] =	ssyncset.done $0x0  }
0x98: {  	p0 =	por $0x0, $0x0;
	[sflag:s11] =	ssyncadd.s32 $0xFFFFF800  }
0x99: {  	[tilespmem:s9], [sflag:$0x1] =	stream.indirect.gather [hbm4b:s1+s3], $0x80, s15, s3, $0xb8;
	[tilespmem:$0x1E400] =	vst v63  }
0x9a: {  	s17 =	simm.s32 $0x0;
	s15 =	simm.s32 $0x470;
	[bflag:$0x0] =	sbarrier.arrive $0xFFFF  }
.LBB2_2:
0x9b: {  	s20 =	smul.u32 $0xAB, s17;
	_ =	sdelay $0x1  }
0x9c: {  	s0 =	sadd.s32 $0xAB, s20  }
0x9d: {  	s0 =	sshrl.u32 s0, $0x9  }
0x9e: {  	s19 =	sadd.s32 $0x1, s17;
	s0 =	sand.u32 $0x7F, s0  }
0x9f: {  	p2 =	seq.s32 s17, $0x0;
	s18 =	sand.u32 $0x1, s19;
	s0 =	smul.u32 $0x3, s0  }
0xa0: {  	s21 =	sor.u32 @!p2 $0x6, s18  }
0xa1: {  	p1 =	seq.s32 @!p2 s17, $0x4F;
	_ =	swait.ge @!p2 [sflag:s21], $0x4000;
	s0 =	ssub.s32 s19, s0  }
0xa2: {  	p1 =	por p2, !p1;
	[sflag:s21] =	ssyncset.done @!p2 $0x0;
	s0 =	sand.u32 $0xFF, s0  }
0xa3: {  	[sflag:s21] =	ssyncadd.s32 @!p2 $0xFFFFC000;
	s21 =	sadd.s32 @p1 $0x3, s0  }
0xa4: {  	_ =	swait.ge @p1 [sflag:s21], $0x80  }
0xa5: {  	[sflag:s21] =	ssyncset.done @p1 $0x0  }
0xa6: {  	[sflag:s21] =	ssyncadd.s32 @p1 $0xFFFFFF80  }
0xa7: {  	_ =	swait.ge @p1 [sflag:s21], $0x80  }
0xa8: {  	[sflag:s21] =	ssyncset.done @p1 $0x0  }
0xa9: {  	[sflag:s21] =	ssyncadd.s32 @p1 $0xFFFFFF80  }
0xaa: {  	_ =	swait.ge @p1 [sflag:s21], $0x800  }
0xab: {  	s22 =	simm.s32 @p1 $0x80;
	p2 =	sgt.u32 @p1 s17, $0x4D;
	[sflag:s21] =	ssyncset.done @p1 $0x0  }
0xac: {  	s0 =	sshll.u32 @p1 s0, $0x7;
	[sflag:s21] =	ssyncadd.s32 @p1 $0xFFFFF800;
	s21 =	sshll.u32 @p1 s18, $0xE  }
0xad: {  	s0 =	sadd.s32 @p1 $0x200, s0;
	s18 =	sadd.s32 @p1 $0x1, s18;
	s21 =	sor.u32 @p1 $0x2400, s21  }
0xae: {  	[tilespmem:s21], [sflag:s18] =	stream.indirect.gather @p1 [hbm4b:s1+s22], $0x80, s0, s22, $0xb8;
	[tilespmem:$0x1E400] =	vst v63  }
0xaf: {  	p1 =	por !p1, p2  }
.Ltmp0:
0xb0: {  	_ = 	snop;
	(pc) =	sbr.rel @p1 .LBB2_4-.Ltmp0, $1  }
0xb1: {  	_ =	sdelay $0x3  }
0xb2: {  	s0 =	sadd.s32 $0x2, s17  }
0xb3: {  	s18 =	smul.u32 $0xAB, s0;
	_ =	sdelay $0x1  }
0xb4: {  	s18 =	sshrl.u32 s18, $0x9  }
0xb5: {  	s18 =	sand.u32 $0x7F, s18  }
0xb6: {  	s21 =	sadd.s32 s7, s0;
	s18 =	smul.u32 $0x3, s18  }
0xb7: {  	s22 =	sshll.u32 s21, $0x4;
	s21 =	sshll.u32 s21, $0x8  }
0xb8: {  	s22 =	sand.u32 $0x1FFFFFF0, s22;
	s21 =	sand.u32 $0xFFFF800, s21;
	s18 =	ssub.s32 s0, s18  }
0xb9: {  	s24 =	sadd.s32 s5, s22;
	s0 =	sshll.u32 s0, $0x4;
	s18 =	sand.u32 $0xFF, s18  }
0xba: {  	s0 =	sand.u32 $0x70, s0;
	s23 =	sadd.s32 $0x3, s18;
	s18 =	sshll.u32 s18, $0x7  }
0xbb: {  	[tilespmem:s18], [sflag:s23] =	stream.linear.gather [hbm4b:s24+s4], $0x80, $0x38;
	[tilespmem:$0x1E400] =	vst v63  }
0xbc: {  	s22 =	sadd.s32 s6, s22;
	s0 =	sadd.s32 s8, s0;
	s24 =	sor.u32 $0x200, s18  }
0xbd: {  	[tilespmem:s24], [sflag:s23] =	stream.linear.gather [hbm4b:s22+s4], $0x80, $0x38;
	[tilespmem:$0x1E400] =	vst v63  }
0xbe: {  	s0 =	sadd.s32 s21, s0;
	s24 =	sor.u32 $0x400, s18  }
0xbf: {  	[tilespmem:s24], [sflag:s23] =	stream.linear.gather [hbm4b:s0+s4], $0x80, $0x38;
	[tilespmem:$0x1E400] =	vst v63  }
0xc0: {  	s21 =	sadd.s32 $0x80, s0;
	s24 =	sor.u32 $0x600, s18  }
0xc1: {  	[tilespmem:s24], [sflag:s23] =	stream.linear.gather [hbm4b:s21+s4], $0x80, $0x38;
	[tilespmem:$0x1E400] =	vst v63  }
0xc2: {  	s22 =	sadd.s32 $0x100, s0;
	s24 =	sor.u32 $0x800, s18  }
0xc3: {  	[tilespmem:s24], [sflag:s23] =	stream.linear.gather [hbm4b:s22+s4], $0x80, $0x38;
	[tilespmem:$0x1E400] =	vst v63  }
0xc4: {  	s22 =	sadd.s32 $0x180, s0;
	s24 =	sor.u32 $0xA00, s18  }
0xc5: {  	[tilespmem:s24], [sflag:s23] =	stream.linear.gather [hbm4b:s22+s4], $0x80, $0x38;
	[tilespmem:$0x1E400] =	vst v63  }
0xc6: {  	s22 =	sadd.s32 $0x200, s0;
	s24 =	sor.u32 $0xC00, s18  }
0xc7: {  	[tilespmem:s24], [sflag:s23] =	stream.linear.gather [hbm4b:s22+s4], $0x80, $0x38;
	[tilespmem:$0x1E400] =	vst v63  }
0xc8: {  	s22 =	sadd.s32 $0x280, s0;
	s24 =	sor.u32 $0xE00, s18  }
0xc9: {  	[tilespmem:s24], [sflag:s23] =	stream.linear.gather [hbm4b:s22+s4], $0x80, $0x38;
	[tilespmem:$0x1E400] =	vst v63  }
0xca: {  	s22 =	sadd.s32 $0x300, s0;
	s24 =	sor.u32 $0x1000, s18  }
0xcb: {  	[tilespmem:s24], [sflag:s23] =	stream.linear.gather [hbm4b:s22+s4], $0x80, $0x38;
	[tilespmem:$0x1E400] =	vst v63  }
0xcc: {  	s22 =	sadd.s32 $0x380, s0;
	s24 =	sor.u32 $0x1200, s18  }
0xcd: {  	[tilespmem:s24], [sflag:s23] =	stream.linear.gather [hbm4b:s22+s4], $0x80, $0x38;
	[tilespmem:$0x1E400] =	vst v63  }
0xce: {  	s22 =	sadd.s32 $0x400, s0;
	s24 =	sor.u32 $0x1400, s18  }
0xcf: {  	[tilespmem:s24], [sflag:s23] =	stream.linear.gather [hbm4b:s22+s4], $0x80, $0x38;
	[tilespmem:$0x1E400] =	vst v63  }
0xd0: {  	s22 =	sadd.s32 $0x480, s0;
	s24 =	sor.u32 $0x1600, s18  }
0xd1: {  	[tilespmem:s24], [sflag:s23] =	stream.linear.gather [hbm4b:s22+s4], $0x80, $0x38;
	[tilespmem:$0x1E400] =	vst v63  }
0xd2: {  	s22 =	sadd.s32 $0x500, s0;
	s24 =	sor.u32 $0x1800, s18  }
0xd3: {  	[tilespmem:s24], [sflag:s23] =	stream.linear.gather [hbm4b:s22+s4], $0x80, $0x38;
	[tilespmem:$0x1E400] =	vst v63  }
0xd4: {  	s22 =	sadd.s32 $0x580, s0;
	s24 =	sor.u32 $0x1A00, s18  }
0xd5: {  	[tilespmem:s24], [sflag:s23] =	stream.linear.gather [hbm4b:s22+s4], $0x80, $0x38;
	[tilespmem:$0x1E400] =	vst v63  }
0xd6: {  	s22 =	sadd.s32 $0x600, s0;
	s24 =	sor.u32 $0x1C00, s18  }
0xd7: {  	[tilespmem:s24], [sflag:s23] =	stream.linear.gather [hbm4b:s22+s4], $0x80, $0x38;
	[tilespmem:$0x1E400] =	vst v63  }
0xd8: {  	s22 =	sadd.s32 $0x680, s0;
	s24 =	sor.u32 $0x1E00, s18  }
0xd9: {  	[tilespmem:s24], [sflag:s23] =	stream.linear.gather [hbm4b:s22+s4], $0x80, $0x38;
	[tilespmem:$0x1E400] =	vst v63  }
0xda: {  	s22 =	sadd.s32 $0x700, s0;
	s24 =	sor.u32 $0x2000, s18  }
0xdb: {  	[tilespmem:s24], [sflag:s23] =	stream.linear.gather [hbm4b:s22+s4], $0x80, $0x38;
	[tilespmem:$0x1E400] =	vst v63  }
0xdc: {  	s0 =	sadd.s32 $0x780, s0;
	s18 =	sor.u32 $0x2200, s18  }
0xdd: {  	[tilespmem:s18], [sflag:s23] =	stream.linear.gather [hbm4b:s0+s4], $0x80, $0x38;
	[tilespmem:$0x1E400] =	vst v63  }
.LBB2_4:
0xde: {  	s18 =	sand.u32 $0x1, s17  }
0xdf: {  	s21 =	simm.s32 $0x1;
	s24 =	sadd.s32 $0x1, s18  }
0xe0: {  	s0 =	smulhi.u32 $0xAAAAAAAB, s17;
	s21 =	simm.s32 @!p0 $0x0;
	_ =	swait.ge [sflag:s24], $0x4000  }
0xe1: {  	s21 =	sshll.u32 s21, $0xE;
	[sflag:s24] =	ssyncset.done $0x0  }
0xe2: {  	s0 =	sshrl.u32 s0, $0x1;
	s23 =	sor.u32 $0x2600, s21;
	[sflag:s24] =	ssyncadd.s32 $0xFFFFC000  }
0xe3: {  	s0 =	smul.u32 $0xFFFFFA00, s0;
	v2 =	vld [tilespmem:s23+$0x1F0]  }
0xe4: {  	v4 =	vld [tilespmem:s23+$0xFFFFFE00]  }
0xe5: {  	s0 =	sshra.s32 s0, $0x2;
	v5 =	vld [tilespmem:s23+$0xFFFFFE10]  }
0xe6: {  	v6 =	vld [tilespmem:s23+$0xFFFFFE20];
	v0 =	vmov s0  }
0xe7: {  	v7 =	vld [tilespmem:s23+$0xFFFFFE30]  }
0xe8: {  	v8 =	vld [tilespmem:s23+$0xFFFFFE40]  }
0xe9: {  	v9 =	vld [tilespmem:s23+$0xFFFFFE50]  }
0xea: {  	v10 =	vld [tilespmem:s23+$0xFFFFFE60]  }
0xeb: {  	v3 =	vld.idx.msk [tilespmem:v0+s15+$0xFFFFFF90 ss:$0x1], $0xffff  }
0xec: {  	v1 =	vld.idx.msk [tilespmem:v0+s15+$0x0 ss:$0x1], $0xffff  }
0xed: {  	v12 =	vld [tilespmem:s23+$0xFFFFFE80]  }
0xee: {  	v13 =	vld [tilespmem:s23+$0xFFFFFE90]  }
0xef: {  	v15 =	vld [tilespmem:s23+$0xFFFFFEB0]  }
0xf0: {  	v11 =	vld.idx.msk [tilespmem:v0+s15+$0xFFFFFFA0 ss:$0x1], $0xffff;
	v4 =	vmul.f32 v4, v3  }
0xf1: {  	v16 =	vld [tilespmem:s23+$0xFFFFFEC0];
	v2 =	vmul.f32 v2, v1  }
0xf2: {  	v14 =	vld [tilespmem:s23+$0xFFFFFEA0];
	v5 =	vmul.f32 v5, v3;
	[tilespmem:s23+$0xFFFFFE00] =	vst v4  }
0xf3: {  	v55 =	vld [tilespmem:s23+$0xFFFFFED0];
	v6 =	vmul.f32 v6, v3;
	[tilespmem:s23+$0x1F0] =	vst v2  }
0xf4: {  	v56 =	vld [tilespmem:s23+$0xFFFFFF40];
	v7 =	vmul.f32 v7, v3;
	[tilespmem:s23+$0xFFFFFE10] =	vst v5  }
0xf5: {  	v59 =	vld [tilespmem:s23+$0xFFFFFF70];
	v57 =	vmul.f32 v15, v11;
	[tilespmem:s23+$0xFFFFFE20] =	vst v6  }
0xf6: {  	v60 =	vld [tilespmem:s23+$0xFFFFFF80];
	v58 =	vmul.f32 v16, v11;
	[tilespmem:s23+$0xFFFFFE30] =	vst v7  }
0xf7: {  	v4 =	vld [tilespmem:s23+$0xFFFFFE70];
	v2 =	vmul.f32 v12, v11;
	[tilespmem:s23+$0xFFFFFEB0] =	vst v57  }
0xf8: {  	v5 =	vld [tilespmem:s23+$0xFFFFFEE0];
	v6 =	vmul.f32 v8, v3;
	[tilespmem:s23+$0xFFFFFEC0] =	vst v58  }
0xf9: {  	v8 =	vld [tilespmem:s23+$0xFFFFFEF0];
	v7 =	vmul.f32 v9, v3;
	[tilespmem:s23+$0xFFFFFE80] =	vst v2  }
0xfa: {  	v9 =	vld [tilespmem:s23+$0xFFFFFF00];
	[tilespmem:s23+$0xFFFFFE40] =	vst v6;
	v6 =	vmul.f32 v10, v3  }
0xfb: {  	v12 =	vmul.f32 v55, v11;
	v2 =	vld.idx.msk [tilespmem:v0+s15+$0xFFFFFFB0 ss:$0x1], $0xffff;
	[tilespmem:s23+$0xFFFFFE50] =	vst v7  }
0xfc: {  	v61 =	vld [tilespmem:s23+$0xFFFFFFD0];
	[tilespmem:s23+$0xFFFFFE60] =	vst v6;
	v6 =	vmul.f32 v13, v11  }
0xfd: {  	v10 =	vld [tilespmem:s23+$0xFFFFFF10];
	[tilespmem:s23+$0xFFFFFED0] =	vst v12;
	v3 =	vmul.f32 v4, v3  }
0xfe: {  	v62 =	vld.idx.msk [tilespmem:v0+s15+$0xFFFFFFD0 ss:$0x1], $0xffff;
	v5 =	vmul.f32 v5, v11;
	[tilespmem:s23+$0xFFFFFE90] =	vst v6  }
0xff: {  	v7 =	vld [tilespmem:s23+$0xFFFFFF30];
	v8 =	vmul.f32 v8, v11;
	[tilespmem:s23+$0xFFFFFE70] =	vst v3  }
0x100: {  	v4 =	vld [tilespmem:s23+$0xFFFFFF20];
	v6 =	vmul.f32 v9, v2;
	[tilespmem:s23+$0xFFFFFEE0] =	vst v5  }
0x101: {  	v3 =	vmul.f32 v14, v11;
	v9 =	vld [tilespmem:s23+$0xFFFFFF50];
	[tilespmem:s23+$0xFFFFFEF0] =	vst v8  }
0x102: {  	v5 =	vmul.f32 v10, v2;
	[tilespmem:s23+$0xFFFFFF00] =	vst v6;
	v6 =	vld.idx.msk [tilespmem:v0+s15+$0xFFFFFFC0 ss:$0x1], $0xffff  }
0x103: {  	v13 =	vmul.f32 v56, v2;
	[tilespmem:s23+$0xFFFFFEA0] =	vst v3;
	v3 =	vld [tilespmem:s23+$0xFFFFFF60]  }
0x104: {  	v63 =	vld.idx.msk [tilespmem:v0+s15+$0xFFFFFFE0 ss:$0x1], $0xffff;
	[tilespmem:s23+$0xFFFFFF10] =	vst v5;
	v5 =	vmul.f32 v7, v2  }
0x105: {  	v11 =	vld [tilespmem:s23+$0xFFFFFF90];
	[tilespmem:s23+$0xFFFFFF40] =	vst v13;
	v4 =	vmul.f32 v4, v2  }
0x106: {  	v10 =	vld [tilespmem:s23+$0xFFFFFFA0];
	[tilespmem:s23+$0xFFFFFF30] =	vst v5;
	v9 =	vmul.f32 v9, v2  }
0x107: {  	v8 =	vld [tilespmem:s23+$0xFFFFFFB0];
	[tilespmem:s23+$0xFFFFFF20] =	vst v4;
	v4 =	vmul.f32 v60, v6  }
0x108: {  	v5 =	vld [tilespmem:s23+$0xFFFFFFE0];
	v3 =	vmul.f32 v3, v2;
	[tilespmem:s23+$0xFFFFFF50] =	vst v9  }
0x109: {  	v7 =	vld [tilespmem:s23+$0xFFFFFFC0];
	v2 =	vmul.f32 v59, v2;
	[tilespmem:s23+$0xFFFFFF80] =	vst v4  }
0x10a: {  	v9 =	vld [tilespmem:s23+$0x0];
	v12 =	vmul.f32 v61, v6;
	[tilespmem:s23+$0xFFFFFF60] =	vst v3  }
0x10b: {  	v4 =	vld [tilespmem:s23+$0xFFFFFFF0];
	v3 =	vmul.f32 v11, v6;
	[tilespmem:s23+$0xFFFFFF70] =	vst v2  }
0x10c: {  	v11 =	vld [tilespmem:s23+$0x10];
	v2 =	vmul.f32 v10, v6;
	[tilespmem:s23+$0xFFFFFFD0] =	vst v12  }
0x10d: {  	v10 =	vld [tilespmem:s23+$0x20];
	v5 =	vmul.f32 v5, v6;
	[tilespmem:s23+$0xFFFFFF90] =	vst v3  }
0x10e: {  	v3 =	vmul.f32 v8, v6;
	v8 =	vld [tilespmem:s23+$0x30];
	[tilespmem:s23+$0xFFFFFFA0] =	vst v2  }
0x10f: {  	v2 =	vmul.f32 v7, v6;
	v7 =	vld [tilespmem:s23+$0x40];
	[tilespmem:s23+$0xFFFFFFE0] =	vst v5  }
0x110: {  	[tilespmem:s23+$0xFFFFFFB0] =	vst v3;
	v3 =	vmul.f32 v9, v62;
	v9 =	vld [tilespmem:s23+$0x50]  }
0x111: {  	[tilespmem:s23+$0xFFFFFFC0] =	vst v2;
	v2 =	vld [tilespmem:s23+$0x60];
	v5 =	vmul.f32 v11, v62  }
0x112: {  	v11 =	vld.idx.msk [tilespmem:v0+s15+$0xFFFFFFF0 ss:$0x1], $0xffff;
	[tilespmem:s23+$0x0] =	vst v3;
	v3 =	vmul.f32 v4, v6  }
0x113: {  	v4 =	vld [tilespmem:s23+$0x70];
	[tilespmem:s23+$0x10] =	vst v5;
	v5 =	vmul.f32 v8, v62  }
0x114: {  	v6 =	vld [tilespmem:s23+$0x80];
	[tilespmem:s23+$0xFFFFFFF0] =	vst v3;
	v3 =	vmul.f32 v10, v62  }
0x115: {  	v10 =	vld [tilespmem:s23+$0x90];
	[tilespmem:s23+$0x30] =	vst v5;
	v5 =	vmul.f32 v9, v62  }
0x116: {  	v8 =	vld [tilespmem:s23+$0xA0];
	v2 =	vmul.f32 v2, v62;
	[tilespmem:s23+$0x20] =	vst v3  }
0x117: {  	v3 =	vmul.f32 v7, v62;
	v7 =	vld [tilespmem:s23+$0xB0];
	[tilespmem:s23+$0x50] =	vst v5  }
0x118: {  	v9 =	vld [tilespmem:s23+$0xC0];
	v4 =	vmul.f32 v4, v62;
	[tilespmem:s23+$0x60] =	vst v2  }
0x119: {  	[tilespmem:s23+$0x40] =	vst v3;
	v3 =	vmul.f32 v6, v63;
	v6 =	vld [tilespmem:s23+$0xD0]  }
0x11a: {  	v5 =	vld [tilespmem:s23+$0xE0];
	v2 =	vmul.f32 v10, v63;
	[tilespmem:s23+$0x70] =	vst v4  }
0x11b: {  	v4 =	vmul.f32 v8, v63;
	v8 =	vld [tilespmem:s23+$0x100];
	[tilespmem:s23+$0x80] =	vst v3  }
0x11c: {  	v3 =	vld [tilespmem:s23+$0xF0];
	[tilespmem:s23+$0x90] =	vst v2;
	v2 =	vmul.f32 v7, v63  }
0x11d: {  	v7 =	vld [tilespmem:s23+$0x110];
	[tilespmem:s23+$0xA0] =	vst v4;
	v4 =	vmul.f32 v9, v63  }
0x11e: {  	v9 =	vld [tilespmem:s23+$0x120];
	[tilespmem:s23+$0xB0] =	vst v2;
	v2 =	vmul.f32 v6, v63  }
0x11f: {  	v6 =	vld [tilespmem:s23+$0x130];
	[tilespmem:s23+$0xC0] =	vst v4;
	v4 =	vmul.f32 v5, v63  }
0x120: {  	v5 =	vld [tilespmem:s23+$0x140];
	[tilespmem:s23+$0xD0] =	vst v2;
	v2 =	vmul.f32 v8, v11  }
0x121: {  	v8 =	vld [tilespmem:s23+$0x150];
	v3 =	vmul.f32 v3, v63;
	[tilespmem:s23+$0xE0] =	vst v4  }
0x122: {  	v4 =	vld [tilespmem:s23+$0x160];
	v7 =	vmul.f32 v7, v11;
	[tilespmem:s23+$0x100] =	vst v2  }
0x123: {  	[tilespmem:s23+$0xF0] =	vst v3;
	v2 =	vmul.f32 v9, v11;
	v9 =	vld [tilespmem:s23+$0x170]  }
0x124: {  	s22 =	sshrl.u32 s20, $0x9;
	[tilespmem:s23+$0x110] =	vst v7;
	v3 =	vmul.f32 v6, v11;
	v6 =	vld [tilespmem:s23+$0x180]  }
0x125: {  	s0 =	sand.u32 $0x7F, s22;
	v7 =	vld [tilespmem:s23+$0x190];
	[tilespmem:s23+$0x120] =	vst v2;
	v2 =	vmul.f32 v5, v11  }
0x126: {  	s0 =	smul.u32 $0x3, s0;
	[tilespmem:s23+$0x130] =	vst v3;
	v5 =	vmul.f32 v8, v11;
	v3 =	vld [tilespmem:s23+$0x1A0]  }
0x127: {  	v8 =	vmul.f32 v4, v11;
	v4 =	vld [tilespmem:s23+$0x1B0];
	[tilespmem:s23+$0x140] =	vst v2  }
0x128: {  	s24 =	sshll.u32 s18, $0xE;
	s0 =	ssub.s32 s17, s0;
	v2 =	vld [tilespmem:s23+$0x1C0];
	[tilespmem:s23+$0x150] =	vst v5;
	v9 =	vmul.f32 v9, v11  }
0x129: {  	s21 =	simm.s32 $0x0;
	s20 =	sor.u32 $0x2400, s24;
	s0 =	sand.u32 $0xFF, s0;
	[tilespmem:s23+$0x160] =	vst v8;
	v5 =	vld [tilespmem:s23+$0x1D0];
	v8 =	vmul.f32 v6, v1  }
0x12a: {  	s22 =	sadd.s32 $0x200, s15;
	s17 =	sshll.u32 s0, $0x9;
	s0 =	smov.u32 s23;
	v7 =	vmul.f32 v7, v1;
	v6 =	vld [tilespmem:s23+$0x1E0];
	[tilespmem:s23+$0x170] =	vst v9  }
.LBB2_5:
0x12b: {  	v9 =	vld.idx.msk [tilespmem:v0+s22+$0x0 ss:$0x1], $0xffff;
	s21 =	sadd.s32 $0x8, s21;
	[tilespmem:s23+$0x180] =	vst v8;
	v3 =	vmul.f32 v3, v1;
	s0 =	sadd.s32 $0x400, s0  }
0x12c: {  	v8 =	vld [tilespmem:s0+$0x1F0];
	p1 =	slt.u32 s21, $0x78;
	[tilespmem:s23+$0x190] =	vst v7;
	v4 =	vmul.f32 v4, v1  }
0x12d: {  	v7 =	vld.idx.msk [tilespmem:v0+s22+$0xFFFFFFA0 ss:$0x1], $0xffff;
	[tilespmem:s23+$0x1A0] =	vst v3;
	v2 =	vmul.f32 v2, v1  }
0x12e: {  	v10 =	vld.idx.msk [tilespmem:v0+s22+$0xFFFFFFB0 ss:$0x1], $0xffff;
	[tilespmem:s23+$0x1B0] =	vst v4;
	v3 =	vmul.f32 v5, v1  }
0x12f: {  	v5 =	vld.idx.msk [tilespmem:v0+s22+$0xFFFFFFC0 ss:$0x1], $0xffff;
	[tilespmem:s23+$0x1C0] =	vst v2;
	v2 =	vmul.f32 v6, v1  }
0x130: {  	v4 =	vld.idx.msk [tilespmem:v0+s22+$0xFFFFFFD0 ss:$0x1], $0xffff;
	[tilespmem:s23+$0x1D0] =	vst v3  }
0x131: {  	v1 =	vmov v9;
	v3 =	vld.idx.msk [tilespmem:v0+s22+$0xFFFFFFE0 ss:$0x1], $0xffff;
	v6 =	vmul.f32 v8, v9;
	[tilespmem:s23+$0x1E0] =	vst v2;
	s23 =	smov.u32 s0  }
0x132: {  	v2 =	vld.idx.msk [tilespmem:v0+s22+$0xFFFFFFF0 ss:$0x1], $0xffff  }
0x133: {  	v8 =	vld.idx.msk [tilespmem:v0+s22+$0xFFFFFF90 ss:$0x1], $0xffff;
	[tilespmem:s0+$0x1F0] =	vst v6  }
0x134: {  	v6 =	vld [tilespmem:s0+$0xFFFFFE00]  }
0x135: {  	v9 =	vld [tilespmem:s0+$0xFFFFFE10]  }
0x136: {  	v11 =	vld [tilespmem:s0+$0xFFFFFE20]  }
0x137: {  	v12 =	vld [tilespmem:s0+$0xFFFFFE30]  }
0x138: {  	v13 =	vld [tilespmem:s0+$0xFFFFFE40]  }
0x139: {  	v6 =	vmul.f32 v6, v8;
	v14 =	vld [tilespmem:s0+$0xFFFFFE50]  }
0x13a: {  	v9 =	vmul.f32 v9, v8;
	v15 =	vld [tilespmem:s0+$0xFFFFFE60]  }
0x13b: {  	[tilespmem:s0+$0xFFFFFE00] =	vst v6;
	v6 =	vmul.f32 v11, v8;
	v11 =	vld [tilespmem:s0+$0xFFFFFE70]  }
0x13c: {  	[tilespmem:s0+$0xFFFFFE10] =	vst v9;
	v9 =	vmul.f32 v12, v8;
	v12 =	vld [tilespmem:s0+$0xFFFFFE80]  }
0x13d: {  	[tilespmem:s0+$0xFFFFFE20] =	vst v6;
	v6 =	vmul.f32 v13, v8;
	v13 =	vld [tilespmem:s0+$0xFFFFFE90]  }
0x13e: {  	[tilespmem:s0+$0xFFFFFE30] =	vst v9;
	v9 =	vmul.f32 v14, v8;
	v14 =	vld [tilespmem:s0+$0xFFFFFEA0]  }
0x13f: {  	[tilespmem:s0+$0xFFFFFE40] =	vst v6;
	v6 =	vmul.f32 v15, v8;
	v15 =	vld [tilespmem:s0+$0xFFFFFEB0]  }
0x140: {  	[tilespmem:s0+$0xFFFFFE50] =	vst v9;
	v8 =	vmul.f32 v11, v8;
	v9 =	vld [tilespmem:s0+$0xFFFFFEC0]  }
0x141: {  	[tilespmem:s0+$0xFFFFFE60] =	vst v6;
	v6 =	vmul.f32 v12, v7;
	v11 =	vld [tilespmem:s0+$0xFFFFFED0]  }
0x142: {  	[tilespmem:s0+$0xFFFFFE70] =	vst v8;
	v8 =	vmul.f32 v13, v7;
	v12 =	vld [tilespmem:s0+$0xFFFFFEE0]  }
0x143: {  	[tilespmem:s0+$0xFFFFFE80] =	vst v6;
	v6 =	vmul.f32 v14, v7;
	v13 =	vld [tilespmem:s0+$0xFFFFFEF0]  }
0x144: {  	[tilespmem:s0+$0xFFFFFE90] =	vst v8;
	v8 =	vmul.f32 v15, v7;
	v14 =	vld [tilespmem:s0+$0xFFFFFF00]  }
0x145: {  	[tilespmem:s0+$0xFFFFFEA0] =	vst v6;
	v6 =	vmul.f32 v9, v7;
	v9 =	vld [tilespmem:s0+$0xFFFFFF10]  }
0x146: {  	[tilespmem:s0+$0xFFFFFEB0] =	vst v8;
	v8 =	vmul.f32 v11, v7;
	v11 =	vld [tilespmem:s0+$0xFFFFFF20]  }
0x147: {  	[tilespmem:s0+$0xFFFFFEC0] =	vst v6;
	v6 =	vmul.f32 v12, v7;
	v12 =	vld [tilespmem:s0+$0xFFFFFF30]  }
0x148: {  	[tilespmem:s0+$0xFFFFFED0] =	vst v8;
	v7 =	vmul.f32 v13, v7;
	v8 =	vld [tilespmem:s0+$0xFFFFFF40]  }
0x149: {  	[tilespmem:s0+$0xFFFFFEE0] =	vst v6;
	v6 =	vmul.f32 v14, v10;
	v13 =	vld [tilespmem:s0+$0xFFFFFF50]  }
0x14a: {  	[tilespmem:s0+$0xFFFFFEF0] =	vst v7;
	v7 =	vmul.f32 v9, v10;
	v9 =	vld [tilespmem:s0+$0xFFFFFF60]  }
0x14b: {  	[tilespmem:s0+$0xFFFFFF00] =	vst v6;
	v6 =	vmul.f32 v11, v10;
	v11 =	vld [tilespmem:s0+$0xFFFFFF70]  }
0x14c: {  	[tilespmem:s0+$0xFFFFFF10] =	vst v7;
	v7 =	vmul.f32 v12, v10;
	v12 =	vld [tilespmem:s0+$0xFFFFFF80]  }
0x14d: {  	[tilespmem:s0+$0xFFFFFF20] =	vst v6;
	v6 =	vmul.f32 v8, v10;
	v8 =	vld [tilespmem:s0+$0xFFFFFF90]  }
0x14e: {  	[tilespmem:s0+$0xFFFFFF30] =	vst v7;
	v7 =	vmul.f32 v13, v10;
	v13 =	vld [tilespmem:s0+$0xFFFFFFA0]  }
0x14f: {  	[tilespmem:s0+$0xFFFFFF40] =	vst v6;
	v6 =	vmul.f32 v9, v10;
	v9 =	vld [tilespmem:s0+$0xFFFFFFB0]  }
0x150: {  	[tilespmem:s0+$0xFFFFFF50] =	vst v7;
	v7 =	vmul.f32 v11, v10;
	v10 =	vld [tilespmem:s0+$0xFFFFFFC0]  }
0x151: {  	[tilespmem:s0+$0xFFFFFF60] =	vst v6;
	v6 =	vmul.f32 v12, v5;
	v11 =	vld [tilespmem:s0+$0xFFFFFFD0]  }
0x152: {  	[tilespmem:s0+$0xFFFFFF70] =	vst v7;
	v7 =	vmul.f32 v8, v5;
	v8 =	vld [tilespmem:s0+$0xFFFFFFE0]  }
0x153: {  	[tilespmem:s0+$0xFFFFFF80] =	vst v6;
	v6 =	vmul.f32 v13, v5;
	v12 =	vld [tilespmem:s0+$0xFFFFFFF0]  }
0x154: {  	[tilespmem:s0+$0xFFFFFF90] =	vst v7;
	v7 =	vmul.f32 v9, v5;
	v9 =	vld [tilespmem:s0+$0x0]  }
0x155: {  	[tilespmem:s0+$0xFFFFFFA0] =	vst v6;
	v6 =	vmul.f32 v10, v5;
	v10 =	vld [tilespmem:s0+$0x10]  }
0x156: {  	[tilespmem:s0+$0xFFFFFFB0] =	vst v7;
	v7 =	vmul.f32 v11, v5;
	v11 =	vld [tilespmem:s0+$0x20]  }
0x157: {  	[tilespmem:s0+$0xFFFFFFC0] =	vst v6;
	v6 =	vmul.f32 v8, v5;
	v8 =	vld [tilespmem:s0+$0x30]  }
0x158: {  	[tilespmem:s0+$0xFFFFFFD0] =	vst v7;
	v5 =	vmul.f32 v12, v5;
	v7 =	vld [tilespmem:s0+$0x40]  }
0x159: {  	[tilespmem:s0+$0xFFFFFFE0] =	vst v6;
	v6 =	vmul.f32 v9, v4;
	v9 =	vld [tilespmem:s0+$0x50]  }
0x15a: {  	[tilespmem:s0+$0xFFFFFFF0] =	vst v5;
	v5 =	vmul.f32 v10, v4;
	v10 =	vld [tilespmem:s0+$0x60]  }
0x15b: {  	[tilespmem:s0+$0x0] =	vst v6;
	v6 =	vmul.f32 v11, v4;
	v11 =	vld [tilespmem:s0+$0x70]  }
0x15c: {  	[tilespmem:s0+$0x10] =	vst v5;
	v5 =	vmul.f32 v8, v4;
	v8 =	vld [tilespmem:s0+$0x80]  }
0x15d: {  	[tilespmem:s0+$0x20] =	vst v6;
	v6 =	vmul.f32 v7, v4;
	v7 =	vld [tilespmem:s0+$0x90]  }
0x15e: {  	[tilespmem:s0+$0x30] =	vst v5;
	v5 =	vmul.f32 v9, v4;
	v9 =	vld [tilespmem:s0+$0xA0]  }
0x15f: {  	[tilespmem:s0+$0x40] =	vst v6;
	v6 =	vmul.f32 v10, v4;
	v10 =	vld [tilespmem:s0+$0xB0]  }
0x160: {  	[tilespmem:s0+$0x50] =	vst v5;
	v4 =	vmul.f32 v11, v4;
	v5 =	vld [tilespmem:s0+$0xC0]  }
0x161: {  	[tilespmem:s0+$0x60] =	vst v6;
	v6 =	vmul.f32 v8, v3;
	v8 =	vld [tilespmem:s0+$0xD0]  }
0x162: {  	[tilespmem:s0+$0x70] =	vst v4;
	v4 =	vmul.f32 v7, v3;
	v7 =	vld [tilespmem:s0+$0xE0]  }
0x163: {  	[tilespmem:s0+$0x80] =	vst v6;
	v6 =	vmul.f32 v9, v3;
	v9 =	vld [tilespmem:s0+$0xF0]  }
0x164: {  	[tilespmem:s0+$0x90] =	vst v4;
	v4 =	vmul.f32 v10, v3;
	v10 =	vld [tilespmem:s0+$0x100]  }
0x165: {  	[tilespmem:s0+$0xA0] =	vst v6;
	v5 =	vmul.f32 v5, v3;
	v6 =	vld [tilespmem:s0+$0x110]  }
0x166: {  	[tilespmem:s0+$0xB0] =	vst v4;
	v4 =	vmul.f32 v8, v3;
	v8 =	vld [tilespmem:s0+$0x120]  }
0x167: {  	[tilespmem:s0+$0xC0] =	vst v5;
	v5 =	vmul.f32 v7, v3;
	v7 =	vld [tilespmem:s0+$0x130]  }
0x168: {  	[tilespmem:s0+$0xD0] =	vst v4;
	v3 =	vmul.f32 v9, v3;
	v4 =	vld [tilespmem:s0+$0x140]  }
0x169: {  	[tilespmem:s0+$0xE0] =	vst v5;
	v5 =	vmul.f32 v10, v2;
	v9 =	vld [tilespmem:s0+$0x150]  }
0x16a: {  	[tilespmem:s0+$0xF0] =	vst v3;
	v3 =	vmul.f32 v6, v2;
	v6 =	vld [tilespmem:s0+$0x160]  }
0x16b: {  	[tilespmem:s0+$0x100] =	vst v5;
	v5 =	vmul.f32 v8, v2;
	v8 =	vld [tilespmem:s0+$0x170]  }
0x16c: {  	[tilespmem:s0+$0x110] =	vst v3;
	v3 =	vmul.f32 v7, v2;
	v7 =	vld [tilespmem:s0+$0x180]  }
0x16d: {  	[tilespmem:s0+$0x120] =	vst v5;
	v4 =	vmul.f32 v4, v2;
	v10 =	vld [tilespmem:s0+$0x190]  }
.Ltmp1:
0x16e: {  	[tilespmem:s0+$0x130] =	vst v3;
	v5 =	vmul.f32 v9, v2;
	v3 =	vld [tilespmem:s0+$0x1A0];
	(pc) =	sbr.rel @p1 .LBB2_5-.Ltmp1, $4  }
0x16f: {  	[tilespmem:s0+$0x140] =	vst v4;
	v6 =	vmul.f32 v6, v2;
	v4 =	vld [tilespmem:s0+$0x1B0]  }
0x170: {  	[tilespmem:s0+$0x150] =	vst v5;
	v9 =	vmul.f32 v8, v2;
	v2 =	vld [tilespmem:s0+$0x1C0]  }
0x171: {  	[tilespmem:s0+$0x160] =	vst v6;
	v8 =	vmul.f32 v7, v1;
	v5 =	vld [tilespmem:s0+$0x1D0]  }
0x172: {  	s22 =	sadd.s32 $0x200, s22;
	[tilespmem:s0+$0x170] =	vst v9;
	v7 =	vmul.f32 v10, v1;
	v6 =	vld [tilespmem:s0+$0x1E0]  }
0x173: {  	[tilespmem:s23+$0x180] =	vst v8;
	v0 =	vmul.f32 v3, v1  }
0x174: {  	[tilespmem:s23+$0x190] =	vst v7;
	v60 =	vmul.f32 v4, v1  }
0x175: {  	p1 =	sne.s32 s19, $0x50;
	[tilespmem:s23+$0x1A0] =	vst v0;
	v61 =	vmul.f32 v2, v1  }
.Ltmp2:
0x176: {  	[tilespmem:s23+$0x1B0] =	vst v60;
	v62 =	vmul.f32 v5, v1;
	(pc) =	sbr.rel @p1 .LBB2_2-.Ltmp2, $4  }
0x177: {  	[tilespmem:s23+$0x1C0] =	vst v61;
	v63 =	vmul.f32 v6, v1  }
0x178: {  	s0 =	sshrl.u32 s17, $0x2;
	s24 =	sor.u32 $0x6, s18;
	[tilespmem:s23+$0x1D0] =	vst v62  }
0x179: {  	s15 =	sadd.s32 $0x80, s15;
	p0 =	por !p0, !p0;
	s17 =	smov.u32 s19;
	[tilespmem:s23+$0x1E0] =	vst v63  }
0x17a: {  	[spmem:s2] =	stream.indirect.scatter.add.f32 [tilespmem:s20], [sflag:s24], $0x80, s0, s3, $0xb8;
	[tilespmem:$0x1E400] =	vst v63  }
0x17b: {  	_ =	swait.ge [sflag:s13], $0x4000  }
0x17c: {  	[sflag:s13] =	ssyncset.done $0x0  }
0x17d: {  	s0 =	stileid.u32;
	[sflag:s13] =	ssyncadd.s32 $0xFFFFC000  }
0x17e: {  	s0 =	sshll.u32 s0, $0x6;
	[bflag:$0x0] =	sbarrier.arrive $0xFFFF  }
0x17f: {  	s15 =	sshrl.u32 s16, $0x3;
	s0 =	sor.u32 $0x1C08, s0;
	s17 =	rddreg [dreg:$0x11]  }
0x180: {  	[hbm:s17], [sflag:s0] =	dma.local [spmem:s15], $0x2800  }
0x181: {  	_ =	swait.ge [sflag:s10], $0x2800  }
0x182: {  	s14 =	sadd.s32 $0x1, s14;
	s24 =	rddreg [dreg:$0xe]  }
0x183: {  	p0 =	sne.s32 s14, s24  }
.Ltmp3:
0x184: {  	_ = 	snop;
	(pc) =	sbr.rel @p0 .LBB2_1-.Ltmp3, $3  }
0x185: {  	_ =	sdelay $0x1  }
0x186: {  	[sflag:s10] =	ssyncset.done $0x0  }
0x187: {  	[sflag:s10] =	ssyncadd.s32 $0xFFFFD800  }
0x188: {  	_ =	sfence.sel $0x180000  }
0x189: {  	[bflag:$0x0] =	sbarrier.arrive $0xFFFF  }
0x18a: {  	_ =	strace $0x90000047  }
0x18b: {  	s0 =	stileid.u32;
	[bflag:$0x2] =	sbarrier.arrive $0xFFFF  }
0x18c: {  	p0 =	sne.s32 s0, $0x0;
	s0 =	rddreg [dreg:$0x3]  }
0x18d: {  	s0 =	sadd.s32 @!p0 $0x100000, s0  }
0x18e: {  	[sflag:s0] =	ssyncadd.tile.s32 @!p0 $0x1;
	_ =	shalt  }
.Lfunc_end2:
_tile_overlayer_lowered:
.L_overlay_start_2:
0x18f: {  	(tag) =	ssettag $0x2  }
0x190: {  	s0 =	rddreg [dreg:$0x0];
	s2 =	stileid.u32  }
0x191: {  	s1 =	rddreg [dreg:$0x1];
	p0 =	sne.s32 s2, $0x0  }
0x192: {  	s3 =	rddreg [dreg:$0x2];
	[bflag:$0x3] =	sbarrier.arrive $0xFFFF;
	s2 =	simm.s32 @!p0 $0x1C08  }
0x193: {  	[timem:s3], [sflag:s2] =	dma.local @!p0 [hbm:s0], s1  }
0x194: {  	s0 =	simm.s32 @!p0 $0x8  }
0x195: {  	_ =	swait.ge @!p0 [sflag:s0], s1  }
0x196: {  	s1 =	ssub.s32 @!p0 $0x0, s1;
	[sflag:s0] =	ssyncset.done @!p0 $0x0  }
0x197: {  	[sflag:s0] =	ssyncadd.s32 @!p0 s1  }
0x198: {  	[bflag:$0x3] =	sbarrier.arrive $0xFFFF  }
0x199: {  	_ =	shalt  }

</sc_bundles>
